<compile_context>
chip_gen: v7x
topology: tpu7x:2x2x1
jax: 0.10.2.dev20260603
libtpu: 0.0.44.dev20260713+nightly
codegen_flags: <defaults>
</compile_context>

<pallas_src>
import jax
import jax.numpy as jnp
from jax import lax
from jax.experimental import pallas as pl
from jax.experimental.pallas import tpu as pltpu
from jax.experimental.pallas import tpu_sc as plsc

N = 10000
E = 160000
F_IN = 256
FH = 128
H = 512

NSC = 2
NT = 16
CKD = 1000
EPT = E // NT
CKA = 160
NCH = 63
EPT2 = NCH * CKA
E2 = NT * EPT2
SL = 640


def _deg_body(dst_hbm, w_hbm, deg_hbm, deg_sp, degsl, dstd, wd):
    c = lax.axis_index("c")
    s = lax.axis_index("s")
    soff = jnp.minimum(s * SL, N - SL)

    @pl.when(c == 0)
    def _():
        def _zdeg(i, _):
            degsl[pl.ds(i * 16, 16)] = jnp.zeros((16,), jnp.float32)
            return ()
        lax.fori_loop(0, SL // 16, _zdeg, ())
        pltpu.sync_copy(degsl, deg_sp.at[pl.ds(soff, SL)])
    plsc.subcore_barrier()

    @pl.when(c == 0)
    def _():
        dbase = s * EPT
        def _dchunk(g, _):
            off = dbase + g * CKD
            pltpu.sync_copy(dst_hbm.at[pl.ds(off, CKD)], dstd)
            pltpu.sync_copy(w_hbm.at[pl.ds(off, CKD)], wd)
            pltpu.sync_copy(wd, deg_sp.at[dstd], add=True)
            return ()
        lax.fori_loop(0, EPT // CKD, _dchunk, ())
    plsc.subcore_barrier()

    @pl.when(c == 0)
    def _():
        pltpu.sync_copy(deg_sp.at[pl.ds(soff, SL)], degsl)
        pltpu.sync_copy(degsl, deg_hbm.at[pl.ds(soff, SL)])


def _sc_deg(dst, w):
    mesh = plsc.VectorSubcoreMesh(core_axis_name="c", subcore_axis_name="s")
    return pl.kernel(
        _deg_body,
        out_type=[jax.ShapeDtypeStruct((N,), jnp.float32)],
        mesh=mesh,
        compiler_params=pltpu.CompilerParams(needs_layout_passes=False),
        scratch_types=[
            pltpu.VMEM_SHARED((N,), jnp.float32),
            pltpu.VMEM((SL,), jnp.float32),
            pltpu.VMEM((CKD,), jnp.int32),
            pltpu.VMEM((CKD,), jnp.float32),
        ],
    )(dst, w)[0]


def _agg_body(y2_hbm, src_hbm, dst_hbm, w_hbm, s2_hbm, S_sp,
              srca0, dsta0, wa0, rows0, gsem0, ssem0,
              srca1, dsta1, wa1, rows1, gsem1, ssem1):
    c = lax.axis_index("c")
    s = lax.axis_index("s")
    dbase = s * EPT2
    soff = jnp.minimum(s * SL, N - SL)

    def _zrow(r, _):
        for f in range(8):
            rows0[r, pl.ds(f * 16, 16)] = jnp.zeros((16,), jnp.float32)
        return ()
    lax.fori_loop(0, CKA, _zrow, ())
    for o in (0, 160, 320, 480):
        pltpu.sync_copy(rows0, S_sp.at[pl.ds(soff + o, CKA)])
    plsc.subcore_barrier()

    sets = ((srca0, dsta0, wa0, rows0, gsem0, ssem0),
            (srca1, dsta1, wa1, rows1, gsem1, ssem1))

    def _load(g, st):
        srca, dsta, wa = st[0], st[1], st[2]
        off = dbase + g * CKA
        pltpu.sync_copy(src_hbm.at[pl.ds(off, CKA)], srca)
        pltpu.sync_copy(dst_hbm.at[pl.ds(off, CKA)], dsta)
        pltpu.sync_copy(w_hbm.at[pl.ds(off, CKA)], wa)

    def _fire_gather(st):
        pltpu.async_copy(y2_hbm.at[c].at[st[0]], st[3], st[4])

    def _wait_gather(st):
        pltpu.make_async_copy(y2_hbm.at[c].at[st[0]], st[3], st[4]).wait()

    def _wait_scatter(st):
        pltpu.make_async_copy(st[3], S_sp.at[st[1]], st[5]).wait()

    def _half(g, A, B):
        _wait_gather(A)
        @pl.when(g > 0)
        def _():
            _wait_scatter(B)
        @pl.when(g + 1 < NCH)
        def _():
            _load(g + 1, B)
            _fire_gather(B)
        wa, rows = A[2], A[3]
        @plsc.parallel_loop(0, CKA, unroll=8)
        def _scale(e):
            cs = plsc.load_gather(wa, [jnp.full((16,), e, jnp.int32)])
            for f in range(8):
                sl = (e, pl.ds(f * 16, 16))
                rows[sl] = rows[sl] * cs
        pltpu.async_copy(rows, S_sp.at[A[1]], A[5], add=True)

    _load(0, sets[0])
    _fire_gather(sets[0])
    def _pair(g2, _):
        g = g2 * 2
        _half(g, sets[0], sets[1])
        _half(g + 1, sets[1], sets[0])
        return ()
    lax.fori_loop(0, (NCH - 1) // 2, _pair, ())
    _half(NCH - 1, sets[0], sets[1])
    _wait_scatter(sets[0])
    plsc.subcore_barrier()

    pltpu.sync_copy(S_sp.at[pl.ds(soff, SL)],
                    s2_hbm.at[c].at[pl.ds(soff, SL)])


def _sc_agg(y2, srcp, dstp, wp):
    mesh = plsc.VectorSubcoreMesh(core_axis_name="c", subcore_axis_name="s")
    buf = lambda: [
        pltpu.VMEM((CKA,), jnp.int32),
        pltpu.VMEM((CKA,), jnp.int32),
        pltpu.VMEM((CKA,), jnp.float32),
        pltpu.VMEM((CKA, FH), jnp.float32),
        pltpu.SemaphoreType.DMA,
        pltpu.SemaphoreType.DMA,
    ]
    return pl.kernel(
        _agg_body,
        out_type=[jax.ShapeDtypeStruct((NSC, N, FH), jnp.float32)],
        mesh=mesh,
        compiler_params=pltpu.CompilerParams(needs_layout_passes=False),
        scratch_types=[pltpu.VMEM_SHARED((N, FH), jnp.float32)]
        + buf() + buf(),
    )(y2, srcp, dstp, wp)[0]


BN = 2000


def _pre_body(deg, x, y2, dinv2):
    dv = lax.rsqrt(1.0 + deg[...])
    y = x[...] * dv
    y2[0] = y[:, :FH]
    y2[1] = y[:, FH:]
    dinv2[...] = dv


def _tc_pre(deg2, x):
    return pl.pallas_call(
        _pre_body,
        grid=(N // BN,),
        in_specs=[
            pl.BlockSpec((BN, 1), lambda i: (i, 0)),
            pl.BlockSpec((BN, F_IN), lambda i: (i, 0)),
        ],
        out_specs=[
            pl.BlockSpec((NSC, BN, FH), lambda i: (0, i, 0)),
            pl.BlockSpec((BN, 1), lambda i: (i, 0)),
        ],
        out_shape=[
            jax.ShapeDtypeStruct((NSC, N, FH), jnp.float32),
            jax.ShapeDtypeStruct((N, 1), jnp.float32),
        ],
    )(deg2, x)


def _tc_body(s2, y2, dinv, W1r, b1r, gar, Wgr, bgr, Wl1r, bl1r, Wl2r, bl2r,
             out, acc):
    i = pl.program_id(0)

    @pl.when(i == 0)
    def _():
        acc[...] = jnp.zeros_like(acc)

    dv = dinv[...]
    t = jnp.concatenate([s2[0] + y2[0], s2[1] + y2[1]], axis=1)
    agg = (dv * t).astype(jnp.bfloat16)
    h = jnp.dot(agg, W1r[...].astype(jnp.bfloat16),
                preferred_element_type=jnp.float32) + b1r[...]
    h = jnp.maximum(h, 0.0)
    acc[...] += jnp.sum(h, axis=0, keepdims=True)

    @pl.when(i == pl.num_programs(0) - 1)
    def _():
        hm = acc[...] / N
        g = jnp.dot(gar[...], Wgr[...], preferred_element_type=jnp.float32)
        g = jnp.maximum(g + bgr[...], 0.0)
        z = jnp.concatenate([hm, g], axis=1)
        z1 = jnp.dot(z, Wl1r[...], preferred_element_type=jnp.float32)
        z1 = jnp.maximum(z1 + bl1r[...], 0.0)
        z2 = jnp.dot(z1, Wl2r[...], preferred_element_type=jnp.float32)
        z2 = z2 + bl2r[...]
        m = jnp.max(z2, axis=1, keepdims=True)
        lse = m + jnp.log(jnp.sum(jnp.exp(z2 - m), axis=1, keepdims=True))
        out[...] = z2 - lse


def _tc_head(s2, y2, dinv2, W1, b1, ga, Wg, bg, Wl1, bl1, Wl2, bl2):
    full = lambda shape: pl.BlockSpec(shape, lambda i: tuple(0 for _ in shape))
    return pl.pallas_call(
        _tc_body,
        grid=(N // BN,),
        in_specs=[
            pl.BlockSpec((NSC, BN, FH), lambda i: (0, i, 0)),
            pl.BlockSpec((NSC, BN, FH), lambda i: (0, i, 0)),
            pl.BlockSpec((BN, 1), lambda i: (i, 0)),
            full((F_IN, H)),
            full((1, H)),
            full((1, 64)),
            full((64, H)),
            full((1, H)),
            full((2 * H, H)),
            full((1, H)),
            full((H, 2)),
            full((1, 2)),
        ],
        out_specs=pl.BlockSpec((1, 2), lambda i: (0, 0)),
        out_shape=jax.ShapeDtypeStruct((1, 2), jnp.float32),
        scratch_shapes=[pltpu.VMEM((1, H), jnp.float32)],
    )(s2, y2, dinv2, W1, b1, ga, Wg, bg, Wl1, bl1, Wl2, bl2)


def kernel(x, edge_index, edge_attr, graph_attr, W1, b1, Wg, bg, Wl1, bl1,
           Wl2, bl2):
    if graph_attr.ndim == 1:
        graph_attr = graph_attr[None, :]
    src = edge_index[0]
    dst = edge_index[1]
    deg = _sc_deg(dst, edge_attr)
    y2, dinv2 = _tc_pre(deg.reshape(N, 1), x)
    pad = E2 - E
    srcp = jnp.pad(src, (0, pad))
    dstp = jnp.pad(dst, (0, pad))
    wp = jnp.pad(edge_attr, (0, pad))
    s2 = _sc_agg(y2, srcp, dstp, wp)
    return _tc_head(s2, y2, dinv2, W1, b1.reshape(1, H),
                    graph_attr, Wg, bg.reshape(1, H), Wl1, bl1.reshape(1, H),
                    Wl2, bl2.reshape(1, 2))

# --- scband reference (transcript-rebuilt; emitter-appended) ---
"""Pipeline reference for scband-football-gnn-53249004536467 (READ-ONLY COPY).

The authoritative reference and input builder live on the scoring server;
editing this copy changes nothing except your own understanding.
"""

import jax, jax.numpy as jnp
import numpy as np

N = 10000
E = 160000
F_IN = 256
GF = 64
H = 512


def setup_inputs(seed: int = 0) -> dict:
    key = jax.random.key(seed)
    ks = jax.random.split(key, 13)
    x = jax.random.normal(ks[0], (N, F_IN), dtype=jnp.float32)
    edge_index = jax.random.randint(ks[1], (2, E), 0, N, dtype=jnp.int32)
    edge_attr = jax.random.uniform(ks[2], (E,), dtype=jnp.float32)
    graph_attr = jax.random.normal(ks[3], (1, GF), dtype=jnp.float32)
    # learned parameters (GCNConv lin + bias, graph_lin, lin1, lin2)
    W1 = jax.random.normal(ks[4], (F_IN, H), dtype=jnp.float32) * 0.05
    b1 = jnp.zeros((H,), dtype=jnp.float32)
    Wg = jax.random.normal(ks[5], (GF, H), dtype=jnp.float32) * 0.05
    bg = jnp.zeros((H,), dtype=jnp.float32)
    Wl1 = jax.random.normal(ks[6], (2 * H, H), dtype=jnp.float32) * 0.05
    bl1 = jnp.zeros((H,), dtype=jnp.float32)
    Wl2 = jax.random.normal(ks[7], (H, 2), dtype=jnp.float32) * 0.05
    bl2 = jnp.zeros((2,), dtype=jnp.float32)
    return {"x": x, "edge_index": edge_index, "edge_attr": edge_attr,
            "graph_attr": graph_attr, "W1": W1, "b1": b1, "Wg": Wg, "bg": bg,
            "Wl1": Wl1, "bl1": bl1, "Wl2": Wl2, "bl2": bl2}


def gcn_conv(x, edge_index, edge_weight, W, b):
    # PyG GCNConv with edge weights: add self-loops (weight 1), symmetric norm
    src = edge_index[0]
    dst = edge_index[1]
    loop = jnp.arange(N, dtype=src.dtype)
    src = jnp.concatenate([src, loop])
    dst = jnp.concatenate([dst, loop])
    w = jnp.concatenate([edge_weight, jnp.ones((N,), dtype=edge_weight.dtype)])
    deg = jnp.zeros((N,), dtype=jnp.float32).at[dst].add(w)
    dinv = jnp.where(deg > 0, jax.lax.rsqrt(jnp.maximum(deg, 1e-12)), 0.0)
    norm = dinv[src] * w * dinv[dst]
    xw = x @ W  # linear transform first (default PyG ordering)
    msg = xw[src] * norm[:, None]  # gather + scale
    out = jnp.zeros((N, W.shape[1]), dtype=jnp.float32).at[dst].add(msg)  # scatter-add
    return out + b


def reference(x, edge_index, edge_attr, graph_attr, W1, b1, Wg, bg, Wl1, bl1, Wl2, bl2):
    h = jax.nn.relu(gcn_conv(x, edge_index, edge_attr, W1, b1))
    # dropout is identity in eval mode
    h = jnp.mean(h, axis=0)[None, :]  # [1, H]
    if graph_attr.ndim == 1:
        graph_attr = graph_attr[None, :]
    g = jax.nn.relu(graph_attr @ Wg + bg)  # [1, H]
    z = jnp.concatenate([h, g], axis=1)  # [1, 2H]
    z = jax.nn.relu(z @ Wl1 + bl1)
    z = z @ Wl2 + bl2
    return jax.nn.log_softmax(z, axis=1)

if __name__ == "__main__":
    import jax
    _d = setup_inputs()
    print(jax.jit(kernel)(*tuple(_d.values())))

</pallas_src>

<mosaic_0001>
#map = affine_map<(d0, d1) -> (0)>
module attributes {stable_mosaic.version = 14 : i64} {
  func.func @_deg_body(%arg0: i32, %arg1: i32, %arg2: memref<160000xi32, #tpu.memory_space<hbm>>, %arg3: memref<160000xf32, #tpu.memory_space<hbm>>, %arg4: memref<10000xf32, #tpu.memory_space<hbm>>, %arg5: memref<10000xf32, #tpu.memory_space<vmem_shared>>, %arg6: memref<640xf32, #tpu.memory_space<vmem>>, %arg7: memref<1000xi32, #tpu.memory_space<vmem>>, %arg8: memref<1000xf32, #tpu.memory_space<vmem>>) attributes {dimension_semantics = [#tpu.dimension_semantics<core_parallel>, #tpu.dimension_semantics<subcore_parallel>], iteration_bounds = array<i64: 2, 16>, scalar_prefetch = 0 : i64, scratch_operands = 4 : i64, tpu.core_type = #tpu.core_type<sc_vector_subcore>, window_params = [{transform_indices = #map}, {transform_indices = #map}, {transform_indices = #map}]} {
    %mul3A = arith.constant 640 : i32
    %mul3A_0 = arith.muli %arg1, %mul3A : i32
    %min3A = arith.constant 9360 : i32
    %min3A_1 = arith.minsi %mul3A_0, %min3A : i32
    %eq3A = arith.constant 0 : i32
    %eq3A_2 = arith.cmpi eq, %arg0, %eq3A : i32
    %convert_element_type3A = arith.extui %eq3A_2 : i1 to i32
    %cond3A = arith.constant 0 : i32
    %cond3A_3 = arith.cmpi ne, %convert_element_type3A, %cond3A : i32
    scf.if %cond3A_3 {
      %scan3A = arith.constant 0 : i32
      %scan3A_15 = arith.constant 40 : i32
      %scan3A_16 = arith.addi %scan3A, %scan3A_15 : i32
      %scan3A_17 = arith.constant 1 : i32
      scf.for %scan3A_19 = %scan3A to %scan3A_16 step %scan3A_17  : i32 {
        %broadcast_in_dim3A = arith.constant 0.000000e+00 : f32
        %broadcast_in_dim3A_20 = vector.broadcast %broadcast_in_dim3A : f32 to vector<16xf32>
        %mul3A_21 = arith.constant 16 : i32
        %mul3A_22 = arith.muli %scan3A_19, %mul3A_21 : i32
        %swap3A = arith.index_cast %mul3A_22 : i32 to index
        %swap3A_23 = tpu.vector_load %arg6[%swap3A] {strides = array<i32>} : memref<640xf32, #tpu.memory_space<vmem>>, vector<16xf32>,
        tpu.vector_store %arg6[%swap3A], %broadcast_in_dim3A_20 {strides = array<i32>} : memref<640xf32, #tpu.memory_space<vmem>>, vector<16xf32>,
      }
      %scan3A_18 = arith.constant 40 : i32
      "tpu.region"() ({
        %run_scoped3A = tpu.sem_alloc : memref<!tpu.dma_semaphore, #tpu.memory_space<semaphore_mem>>
        %dma_start3A = tpu.memref_slice %arg5[%min3A_1] : memref<10000xf32, #tpu.memory_space<vmem_shared>> -> memref<640xf32, #tpu.memory_space<vmem_shared>>
        %dma_start3A_19 = tpu.memref_slice %arg5[%min3A_1] : memref<10000xf32, #tpu.memory_space<vmem_shared>> -> memref<640xf32, #tpu.memory_space<vmem_shared>>
        tpu.enqueue_dma source(%arg6 : memref<640xf32, #tpu.memory_space<vmem>>) target(%dma_start3A_19 : memref<640xf32, #tpu.memory_space<vmem_shared>>) target_semaphore(%run_scoped3A : memref<!tpu.dma_semaphore, #tpu.memory_space<semaphore_mem>>)
        %dma_wait3A = tpu.memref_slice %arg5[%min3A_1] : memref<10000xf32, #tpu.memory_space<vmem_shared>> -> memref<640xf32, #tpu.memory_space<vmem_shared>>
        %dma_wait3A_20 = tpu.memref_slice %arg5[%min3A_1] : memref<10000xf32, #tpu.memory_space<vmem_shared>> -> memref<640xf32, #tpu.memory_space<vmem_shared>>
        tpu.wait_dma2 semaphore(%run_scoped3A : memref<!tpu.dma_semaphore, #tpu.memory_space<semaphore_mem>>) src(%arg6 : memref<640xf32, #tpu.memory_space<vmem>>) dst(%dma_wait3A_20 : memref<640xf32, #tpu.memory_space<vmem_shared>>)
        tpu.yield
      }) : () -> ()
    } else {
    }
    %barrier3A = arith.constant 0 : index
    tpu.barrier barrier_id(%barrier3A)
    %eq3A_4 = arith.constant 0 : i32
    %eq3A_5 = arith.cmpi eq, %arg0, %eq3A_4 : i32
    %convert_element_type3A_6 = arith.extui %eq3A_5 : i1 to i32
    %cond3A_7 = arith.constant 0 : i32
    %cond3A_8 = arith.cmpi ne, %convert_element_type3A_6, %cond3A_7 : i32
    scf.if %cond3A_8 {
      %mul3A_15 = arith.constant 10000 : i32
      %mul3A_16 = arith.muli %arg1, %mul3A_15 : i32
      %scan3A = arith.constant 0 : i32
      %scan3A_17 = arith.constant 10 : i32
      %scan3A_18 = arith.addi %scan3A, %scan3A_17 : i32
      %scan3A_19 = arith.constant 1 : i32
      scf.for %scan3A_21 = %scan3A to %scan3A_18 step %scan3A_19  : i32 {
        %mul3A_22 = arith.constant 1000 : i32
        %mul3A_23 = arith.muli %scan3A_21, %mul3A_22 : i32
        %add3A = arith.addi %mul3A_16, %mul3A_23 : i32
        "tpu.region"() ({
          %run_scoped3A = tpu.sem_alloc : memref<!tpu.dma_semaphore, #tpu.memory_space<semaphore_mem>>
          %dma_start3A = tpu.memref_slice %arg2[%add3A] : memref<160000xi32, #tpu.memory_space<hbm>> -> memref<1000xi32, #tpu.memory_space<hbm>>
          %dma_start3A_24 = tpu.memref_slice %arg2[%add3A] : memref<160000xi32, #tpu.memory_space<hbm>> -> memref<1000xi32, #tpu.memory_space<hbm>>
          tpu.enqueue_dma source(%dma_start3A_24 : memref<1000xi32, #tpu.memory_space<hbm>>) target(%arg7 : memref<1000xi32, #tpu.memory_space<vmem>>) target_semaphore(%run_scoped3A : memref<!tpu.dma_semaphore, #tpu.memory_space<semaphore_mem>>)
          %dma_wait3A = tpu.memref_slice %arg2[%add3A] : memref<160000xi32, #tpu.memory_space<hbm>> -> memref<1000xi32, #tpu.memory_space<hbm>>
          %dma_wait3A_25 = tpu.memref_slice %arg2[%add3A] : memref<160000xi32, #tpu.memory_space<hbm>> -> memref<1000xi32, #tpu.memory_space<hbm>>
          tpu.wait_dma2 semaphore(%run_scoped3A : memref<!tpu.dma_semaphore, #tpu.memory_space<semaphore_mem>>) src(%dma_wait3A_25 : memref<1000xi32, #tpu.memory_space<hbm>>) dst(%arg7 : memref<1000xi32, #tpu.memory_space<vmem>>)
          tpu.yield
        }) : () -> ()
        "tpu.region"() ({
          %run_scoped3A = tpu.sem_alloc : memref<!tpu.dma_semaphore, #tpu.memory_space<semaphore_mem>>
          %dma_start3A = tpu.memref_slice %arg3[%add3A] : memref<160000xf32, #tpu.memory_space<hbm>> -> memref<1000xf32, #tpu.memory_space<hbm>>
          %dma_start3A_24 = tpu.memref_slice %arg3[%add3A] : memref<160000xf32, #tpu.memory_space<hbm>> -> memref<1000xf32, #tpu.memory_space<hbm>>
          tpu.enqueue_dma source(%dma_start3A_24 : memref<1000xf32, #tpu.memory_space<hbm>>) target(%arg8 : memref<1000xf32, #tpu.memory_space<vmem>>) target_semaphore(%run_scoped3A : memref<!tpu.dma_semaphore, #tpu.memory_space<semaphore_mem>>)
          %dma_wait3A = tpu.memref_slice %arg3[%add3A] : memref<160000xf32, #tpu.memory_space<hbm>> -> memref<1000xf32, #tpu.memory_space<hbm>>
          %dma_wait3A_25 = tpu.memref_slice %arg3[%add3A] : memref<160000xf32, #tpu.memory_space<hbm>> -> memref<1000xf32, #tpu.memory_space<hbm>>
          tpu.wait_dma2 semaphore(%run_scoped3A : memref<!tpu.dma_semaphore, #tpu.memory_space<semaphore_mem>>) src(%dma_wait3A_25 : memref<1000xf32, #tpu.memory_space<hbm>>) dst(%arg8 : memref<1000xf32, #tpu.memory_space<vmem>>)
          tpu.yield
        }) : () -> ()
        "tpu.region"() ({
          %run_scoped3A = tpu.sem_alloc : memref<!tpu.dma_semaphore, #tpu.memory_space<semaphore_mem>>
          %dma_start3A = arith.constant 0 : i32
          %dma_start3A_24 = tpu.memref_slice %arg5[%dma_start3A] : memref<10000xf32, #tpu.memory_space<vmem_shared>> -> memref<10000xf32, #tpu.memory_space<vmem_shared>>
          tpu.enqueue_indirect_dma source(%arg8 : memref<1000xf32, #tpu.memory_space<vmem>>) target(%dma_start3A_24 : memref<10000xf32, #tpu.memory_space<vmem_shared>>) offsets(%arg7 : memref<1000xi32, #tpu.memory_space<vmem>>) semaphore(%run_scoped3A : memref<!tpu.dma_semaphore, #tpu.memory_space<semaphore_mem>>) {add = true}
          %dma_wait3A = arith.constant 0 : i32
          %dma_wait3A_25 = tpu.memref_slice %arg5[%dma_wait3A] : memref<10000xf32, #tpu.memory_space<vmem_shared>> -> memref<10000xf32, #tpu.memory_space<vmem_shared>>
          tpu.wait_indirect_dma semaphore(%run_scoped3A : memref<!tpu.dma_semaphore, #tpu.memory_space<semaphore_mem>>) src(%arg8 : memref<1000xf32, #tpu.memory_space<vmem>>) dst(%dma_wait3A_25 : memref<10000xf32, #tpu.memory_space<vmem_shared>>)
          tpu.yield
        }) : () -> ()
      }
      %scan3A_20 = arith.constant 10 : i32
    } else {
    }
    %barrier3A_9 = arith.constant 0 : index
    tpu.barrier barrier_id(%barrier3A_9)
    %eq3A_10 = arith.constant 0 : i32
    %eq3A_11 = arith.cmpi eq, %arg0, %eq3A_10 : i32
    %convert_element_type3A_12 = arith.extui %eq3A_11 : i1 to i32
    %cond3A_13 = arith.constant 0 : i32
    %cond3A_14 = arith.cmpi ne, %convert_element_type3A_12, %cond3A_13 : i32
    scf.if %cond3A_14 {
      "tpu.region"() ({
        %run_scoped3A = tpu.sem_alloc : memref<!tpu.dma_semaphore, #tpu.memory_space<semaphore_mem>>
        %dma_start3A = tpu.memref_slice %arg5[%min3A_1] : memref<10000xf32, #tpu.memory_space<vmem_shared>> -> memref<640xf32, #tpu.memory_space<vmem_shared>>
        %dma_start3A_15 = tpu.memref_slice %arg5[%min3A_1] : memref<10000xf32, #tpu.memory_space<vmem_shared>> -> memref<640xf32, #tpu.memory_space<vmem_shared>>
        tpu.enqueue_dma source(%dma_start3A_15 : memref<640xf32, #tpu.memory_space<vmem_shared>>) target(%arg6 : memref<640xf32, #tpu.memory_space<vmem>>) target_semaphore(%run_scoped3A : memref<!tpu.dma_semaphore, #tpu.memory_space<semaphore_mem>>)
        %dma_wait3A = tpu.memref_slice %arg5[%min3A_1] : memref<10000xf32, #tpu.memory_space<vmem_shared>> -> memref<640xf32, #tpu.memory_space<vmem_shared>>
        %dma_wait3A_16 = tpu.memref_slice %arg5[%min3A_1] : memref<10000xf32, #tpu.memory_space<vmem_shared>> -> memref<640xf32, #tpu.memory_space<vmem_shared>>
        tpu.wait_dma2 semaphore(%run_scoped3A : memref<!tpu.dma_semaphore, #tpu.memory_space<semaphore_mem>>) src(%dma_wait3A_16 : memref<640xf32, #tpu.memory_space<vmem_shared>>) dst(%arg6 : memref<640xf32, #tpu.memory_space<vmem>>)
        tpu.yield
      }) : () -> ()
      "tpu.region"() ({
        %run_scoped3A = tpu.sem_alloc : memref<!tpu.dma_semaphore, #tpu.memory_space<semaphore_mem>>
        %dma_start3A = tpu.memref_slice %arg4[%min3A_1] : memref<10000xf32, #tpu.memory_space<hbm>> -> memref<640xf32, #tpu.memory_space<hbm>>
        %dma_start3A_15 = tpu.memref_slice %arg4[%min3A_1] : memref<10000xf32, #tpu.memory_space<hbm>> -> memref<640xf32, #tpu.memory_space<hbm>>
        tpu.enqueue_dma source(%arg6 : memref<640xf32, #tpu.memory_space<vmem>>) target(%dma_start3A_15 : memref<640xf32, #tpu.memory_space<hbm>>) target_semaphore(%run_scoped3A : memref<!tpu.dma_semaphore, #tpu.memory_space<semaphore_mem>>)
        %dma_wait3A = tpu.memref_slice %arg4[%min3A_1] : memref<10000xf32, #tpu.memory_space<hbm>> -> memref<640xf32, #tpu.memory_space<hbm>>
        %dma_wait3A_16 = tpu.memref_slice %arg4[%min3A_1] : memref<10000xf32, #tpu.memory_space<hbm>> -> memref<640xf32, #tpu.memory_space<hbm>>
        tpu.wait_dma2 semaphore(%run_scoped3A : memref<!tpu.dma_semaphore, #tpu.memory_space<semaphore_mem>>) src(%arg6 : memref<640xf32, #tpu.memory_space<vmem>>) dst(%dma_wait3A_16 : memref<640xf32, #tpu.memory_space<hbm>>)
        tpu.yield
      }) : () -> ()
    } else {
    }
    return
  }
}

#map = affine_map<(d0, d1) -> (0, 0, 0)>
#map1 = affine_map<(d0, d1) -> (0)>
module attributes {stable_mosaic.version = 14 : i64} {
  func.func @_agg_body(%arg0: i32, %arg1: i32, %arg2: memref<2x10000x128xf32, #tpu.memory_space<hbm>>, %arg3: memref<161280xi32, #tpu.memory_space<hbm>>, %arg4: memref<161280xi32, #tpu.memory_space<hbm>>, %arg5: memref<161280xf32, #tpu.memory_space<hbm>>, %arg6: memref<2x10000x128xf32, #tpu.memory_space<hbm>>, %arg7: memref<10000x128xf32, #tpu.memory_space<vmem_shared>>, %arg8: memref<160xi32, #tpu.memory_space<vmem>>, %arg9: memref<160xi32, #tpu.memory_space<vmem>>, %arg10: memref<160xf32, #tpu.memory_space<vmem>>, %arg11: memref<160x128xf32, #tpu.memory_space<vmem>>, %arg12: memref<!tpu.dma_semaphore, #tpu.memory_space<semaphore_mem>>, %arg13: memref<!tpu.dma_semaphore, #tpu.memory_space<semaphore_mem>>, %arg14: memref<160xi32, #tpu.memory_space<vmem>>, %arg15: memref<160xi32, #tpu.memory_space<vmem>>, %arg16: memref<160xf32, #tpu.memory_space<vmem>>, %arg17: memref<160x128xf32, #tpu.memory_space<vmem>>, %arg18: memref<!tpu.dma_semaphore, #tpu.memory_space<semaphore_mem>>, %arg19: memref<!tpu.dma_semaphore, #tpu.memory_space<semaphore_mem>>) attributes {dimension_semantics = [#tpu.dimension_semantics<core_parallel>, #tpu.dimension_semantics<subcore_parallel>], iteration_bounds = array<i64: 2, 16>, scalar_prefetch = 0 : i64, scratch_operands = 13 : i64, tpu.core_type = #tpu.core_type<sc_vector_subcore>, window_params = [{transform_indices = #map}, {transform_indices = #map1}, {transform_indices = #map1}, {transform_indices = #map1}, {transform_indices = #map}]} {
    %mul3A = arith.constant 10080 : i32
    %mul3A_0 = arith.muli %arg1, %mul3A : i32
    %mul3A_1 = arith.constant 640 : i32
    %mul3A_2 = arith.muli %arg1, %mul3A_1 : i32
    %min3A = arith.constant 9360 : i32
    %min3A_3 = arith.minsi %mul3A_2, %min3A : i32
    %scan3A = arith.constant 0 : i32
    %scan3A_4 = arith.constant 160 : i32
    %scan3A_5 = arith.addi %scan3A, %scan3A_4 : i32
    %scan3A_6 = arith.constant 1 : i32
    scf.for %scan3A_46 = %scan3A to %scan3A_5 step %scan3A_6  : i32 {
      %broadcast_in_dim3A = arith.constant 0.000000e+00 : f32
      %broadcast_in_dim3A_47 = vector.broadcast %broadcast_in_dim3A : f32 to vector<16xf32>
      %swap3A = arith.index_cast %scan3A_46 : i32 to index
      %swap3A_48 = arith.constant 0 : index
      %swap3A_49 = tpu.vector_load %arg11[%swap3A, %swap3A_48] {strides = array<i32>} : memref<160x128xf32, #tpu.memory_space<vmem>>, vector<16xf32>,
      tpu.vector_store %arg11[%swap3A, %swap3A_48], %broadcast_in_dim3A_47 {strides = array<i32>} : memref<160x128xf32, #tpu.memory_space<vmem>>, vector<16xf32>,
      %broadcast_in_dim3A_50 = arith.constant 0.000000e+00 : f32
      %broadcast_in_dim3A_51 = vector.broadcast %broadcast_in_dim3A_50 : f32 to vector<16xf32>
      %swap3A_52 = arith.index_cast %scan3A_46 : i32 to index
      %swap3A_53 = arith.constant 16 : index
      %swap3A_54 = tpu.vector_load %arg11[%swap3A_52, %swap3A_53] {strides = array<i32>} : memref<160x128xf32, #tpu.memory_space<vmem>>, vector<16xf32>,
      tpu.vector_store %arg11[%swap3A_52, %swap3A_53], %broadcast_in_dim3A_51 {strides = array<i32>} : memref<160x128xf32, #tpu.memory_space<vmem>>, vector<16xf32>,
      %broadcast_in_dim3A_55 = arith.constant 0.000000e+00 : f32
      %broadcast_in_dim3A_56 = vector.broadcast %broadcast_in_dim3A_55 : f32 to vector<16xf32>
      %swap3A_57 = arith.index_cast %scan3A_46 : i32 to index
      %swap3A_58 = arith.constant 32 : index
      %swap3A_59 = tpu.vector_load %arg11[%swap3A_57, %swap3A_58] {strides = array<i32>} : memref<160x128xf32, #tpu.memory_space<vmem>>, vector<16xf32>,
      tpu.vector_store %arg11[%swap3A_57, %swap3A_58], %broadcast_in_dim3A_56 {strides = array<i32>} : memref<160x128xf32, #tpu.memory_space<vmem>>, vector<16xf32>,
      %broadcast_in_dim3A_60 = arith.constant 0.000000e+00 : f32
      %broadcast_in_dim3A_61 = vector.broadcast %broadcast_in_dim3A_60 : f32 to vector<16xf32>
      %swap3A_62 = arith.index_cast %scan3A_46 : i32 to index
      %swap3A_63 = arith.constant 48 : index
      %swap3A_64 = tpu.vector_load %arg11[%swap3A_62, %swap3A_63] {strides = array<i32>} : memref<160x128xf32, #tpu.memory_space<vmem>>, vector<16xf32>,
      tpu.vector_store %arg11[%swap3A_62, %swap3A_63], %broadcast_in_dim3A_61 {strides = array<i32>} : memref<160x128xf32, #tpu.memory_space<vmem>>, vector<16xf32>,
      %broadcast_in_dim3A_65 = arith.constant 0.000000e+00 : f32
      %broadcast_in_dim3A_66 = vector.broadcast %broadcast_in_dim3A_65 : f32 to vector<16xf32>
      %swap3A_67 = arith.index_cast %scan3A_46 : i32 to index
      %swap3A_68 = arith.constant 64 : index
      %swap3A_69 = tpu.vector_load %arg11[%swap3A_67, %swap3A_68] {strides = array<i32>} : memref<160x128xf32, #tpu.memory_space<vmem>>, vector<16xf32>,
      tpu.vector_store %arg11[%swap3A_67, %swap3A_68], %broadcast_in_dim3A_66 {strides = array<i32>} : memref<160x128xf32, #tpu.memory_space<vmem>>, vector<16xf32>,
      %broadcast_in_dim3A_70 = arith.constant 0.000000e+00 : f32
      %broadcast_in_dim3A_71 = vector.broadcast %broadcast_in_dim3A_70 : f32 to vector<16xf32>
      %swap3A_72 = arith.index_cast %scan3A_46 : i32 to index
      %swap3A_73 = arith.constant 80 : index
      %swap3A_74 = tpu.vector_load %arg11[%swap3A_72, %swap3A_73] {strides = array<i32>} : memref<160x128xf32, #tpu.memory_space<vmem>>, vector<16xf32>,
      tpu.vector_store %arg11[%swap3A_72, %swap3A_73], %broadcast_in_dim3A_71 {strides = array<i32>} : memref<160x128xf32, #tpu.memory_space<vmem>>, vector<16xf32>,
      %broadcast_in_dim3A_75 = arith.constant 0.000000e+00 : f32
      %broadcast_in_dim3A_76 = vector.broadcast %broadcast_in_dim3A_75 : f32 to vector<16xf32>
      %swap3A_77 = arith.index_cast %scan3A_46 : i32 to index
      %swap3A_78 = arith.constant 96 : index
      %swap3A_79 = tpu.vector_load %arg11[%swap3A_77, %swap3A_78] {strides = array<i32>} : memref<160x128xf32, #tpu.memory_space<vmem>>, vector<16xf32>,
      tpu.vector_store %arg11[%swap3A_77, %swap3A_78], %broadcast_in_dim3A_76 {strides = array<i32>} : memref<160x128xf32, #tpu.memory_space<vmem>>, vector<16xf32>,
      %broadcast_in_dim3A_80 = arith.constant 0.000000e+00 : f32
      %broadcast_in_dim3A_81 = vector.broadcast %broadcast_in_dim3A_80 : f32 to vector<16xf32>
      %swap3A_82 = arith.index_cast %scan3A_46 : i32 to index
      %swap3A_83 = arith.constant 112 : index
      %swap3A_84 = tpu.vector_load %arg11[%swap3A_82, %swap3A_83] {strides = array<i32>} : memref<160x128xf32, #tpu.memory_space<vmem>>, vector<16xf32>,
      tpu.vector_store %arg11[%swap3A_82, %swap3A_83], %broadcast_in_dim3A_81 {strides = array<i32>} : memref<160x128xf32, #tpu.memory_space<vmem>>, vector<16xf32>,
    }
    %scan3A_7 = arith.constant 160 : i32
    %add3A = arith.constant 0 : i32
    %add3A_8 = arith.addi %min3A_3, %add3A : i32
    "tpu.region"() ({
      %run_scoped3A = tpu.sem_alloc : memref<!tpu.dma_semaphore, #tpu.memory_space<semaphore_mem>>
      %dma_start3A_46 = arith.constant 0 : i32
      %dma_start3A_47 = tpu.memref_slice %arg7[%add3A_8, %dma_start3A_46] : memref<10000x128xf32, #tpu.memory_space<vmem_shared>> -> memref<160x128xf32, #tpu.memory_space<vmem_shared>>
      %dma_start3A_48 = arith.constant 0 : i32
      %dma_start3A_49 = tpu.memref_slice %arg7[%add3A_8, %dma_start3A_48] : memref<10000x128xf32, #tpu.memory_space<vmem_shared>> -> memref<160x128xf32, #tpu.memory_space<vmem_shared>>
      tpu.enqueue_dma source(%arg11 : memref<160x128xf32, #tpu.memory_space<vmem>>) target(%dma_start3A_49 : memref<160x128xf32, #tpu.memory_space<vmem_shared>>) target_semaphore(%run_scoped3A : memref<!tpu.dma_semaphore, #tpu.memory_space<semaphore_mem>>)
      %dma_wait3A_50 = arith.constant 0 : i32
      %dma_wait3A_51 = tpu.memref_slice %arg7[%add3A_8, %dma_wait3A_50] : memref<10000x128xf32, #tpu.memory_space<vmem_shared>> -> memref<160x128xf32, #tpu.memory_space<vmem_shared>>
      %dma_wait3A_52 = arith.constant 0 : i32
      %dma_wait3A_53 = tpu.memref_slice %arg7[%add3A_8, %dma_wait3A_52] : memref<10000x128xf32, #tpu.memory_space<vmem_shared>> -> memref<160x128xf32, #tpu.memory_space<vmem_shared>>
      tpu.wait_dma2 semaphore(%run_scoped3A : memref<!tpu.dma_semaphore, #tpu.memory_space<semaphore_mem>>) src(%arg11 : memref<160x128xf32, #tpu.memory_space<vmem>>) dst(%dma_wait3A_53 : memref<160x128xf32, #tpu.memory_space<vmem_shared>>)
      tpu.yield
    }) : () -> ()
    %add3A_9 = arith.constant 160 : i32
    %add3A_10 = arith.addi %min3A_3, %add3A_9 : i32
    "tpu.region"() ({
      %run_scoped3A = tpu.sem_alloc : memref<!tpu.dma_semaphore, #tpu.memory_space<semaphore_mem>>
      %dma_start3A_46 = arith.constant 0 : i32
      %dma_start3A_47 = tpu.memref_slice %arg7[%add3A_10, %dma_start3A_46] : memref<10000x128xf32, #tpu.memory_space<vmem_shared>> -> memref<160x128xf32, #tpu.memory_space<vmem_shared>>
      %dma_start3A_48 = arith.constant 0 : i32
      %dma_start3A_49 = tpu.memref_slice %arg7[%add3A_10, %dma_start3A_48] : memref<10000x128xf32, #tpu.memory_space<vmem_shared>> -> memref<160x128xf32, #tpu.memory_space<vmem_shared>>
      tpu.enqueue_dma source(%arg11 : memref<160x128xf32, #tpu.memory_space<vmem>>) target(%dma_start3A_49 : memref<160x128xf32, #tpu.memory_space<vmem_shared>>) target_semaphore(%run_scoped3A : memref<!tpu.dma_semaphore, #tpu.memory_space<semaphore_mem>>)
      %dma_wait3A_50 = arith.constant 0 : i32
      %dma_wait3A_51 = tpu.memref_slice %arg7[%add3A_10, %dma_wait3A_50] : memref<10000x128xf32, #tpu.memory_space<vmem_shared>> -> memref<160x128xf32, #tpu.memory_space<vmem_shared>>
      %dma_wait3A_52 = arith.constant 0 : i32
      %dma_wait3A_53 = tpu.memref_slice %arg7[%add3A_10, %dma_wait3A_52] : memref<10000x128xf32, #tpu.memory_space<vmem_shared>> -> memref<160x128xf32, #tpu.memory_space<vmem_shared>>
      tpu.wait_dma2 semaphore(%run_scoped3A : memref<!tpu.dma_semaphore, #tpu.memory_space<semaphore_mem>>) src(%arg11 : memref<160x128xf32, #tpu.memory_space<vmem>>) dst(%dma_wait3A_53 : memref<160x128xf32, #tpu.memory_space<vmem_shared>>)
      tpu.yield
    }) : () -> ()
    %add3A_11 = arith.constant 320 : i32
    %add3A_12 = arith.addi %min3A_3, %add3A_11 : i32
    "tpu.region"() ({
      %run_scoped3A = tpu.sem_alloc : memref<!tpu.dma_semaphore, #tpu.memory_space<semaphore_mem>>
      %dma_start3A_46 = arith.constant 0 : i32
      %dma_start3A_47 = tpu.memref_slice %arg7[%add3A_12, %dma_start3A_46] : memref<10000x128xf32, #tpu.memory_space<vmem_shared>> -> memref<160x128xf32, #tpu.memory_space<vmem_shared>>
      %dma_start3A_48 = arith.constant 0 : i32
      %dma_start3A_49 = tpu.memref_slice %arg7[%add3A_12, %dma_start3A_48] : memref<10000x128xf32, #tpu.memory_space<vmem_shared>> -> memref<160x128xf32, #tpu.memory_space<vmem_shared>>
      tpu.enqueue_dma source(%arg11 : memref<160x128xf32, #tpu.memory_space<vmem>>) target(%dma_start3A_49 : memref<160x128xf32, #tpu.memory_space<vmem_shared>>) target_semaphore(%run_scoped3A : memref<!tpu.dma_semaphore, #tpu.memory_space<semaphore_mem>>)
      %dma_wait3A_50 = arith.constant 0 : i32
      %dma_wait3A_51 = tpu.memref_slice %arg7[%add3A_12, %dma_wait3A_50] : memref<10000x128xf32, #tpu.memory_space<vmem_shared>> -> memref<160x128xf32, #tpu.memory_space<vmem_shared>>
      %dma_wait3A_52 = arith.constant 0 : i32
      %dma_wait3A_53 = tpu.memref_slice %arg7[%add3A_12, %dma_wait3A_52] : memref<10000x128xf32, #tpu.memory_space<vmem_shared>> -> memref<160x128xf32, #tpu.memory_space<vmem_shared>>
      tpu.wait_dma2 semaphore(%run_scoped3A : memref<!tpu.dma_semaphore, #tpu.memory_space<semaphore_mem>>) src(%arg11 : memref<160x128xf32, #tpu.memory_space<vmem>>) dst(%dma_wait3A_53 : memref<160x128xf32, #tpu.memory_space<vmem_shared>>)
      tpu.yield
    }) : () -> ()
    %add3A_13 = arith.constant 480 : i32
    %add3A_14 = arith.addi %min3A_3, %add3A_13 : i32
    "tpu.region"() ({
      %run_scoped3A = tpu.sem_alloc : memref<!tpu.dma_semaphore, #tpu.memory_space<semaphore_mem>>
      %dma_start3A_46 = arith.constant 0 : i32
      %dma_start3A_47 = tpu.memref_slice %arg7[%add3A_14, %dma_start3A_46] : memref<10000x128xf32, #tpu.memory_space<vmem_shared>> -> memref<160x128xf32, #tpu.memory_space<vmem_shared>>
      %dma_start3A_48 = arith.constant 0 : i32
      %dma_start3A_49 = tpu.memref_slice %arg7[%add3A_14, %dma_start3A_48] : memref<10000x128xf32, #tpu.memory_space<vmem_shared>> -> memref<160x128xf32, #tpu.memory_space<vmem_shared>>
      tpu.enqueue_dma source(%arg11 : memref<160x128xf32, #tpu.memory_space<vmem>>) target(%dma_start3A_49 : memref<160x128xf32, #tpu.memory_space<vmem_shared>>) target_semaphore(%run_scoped3A : memref<!tpu.dma_semaphore, #tpu.memory_space<semaphore_mem>>)
      %dma_wait3A_50 = arith.constant 0 : i32
      %dma_wait3A_51 = tpu.memref_slice %arg7[%add3A_14, %dma_wait3A_50] : memref<10000x128xf32, #tpu.memory_space<vmem_shared>> -> memref<160x128xf32, #tpu.memory_space<vmem_shared>>
      %dma_wait3A_52 = arith.constant 0 : i32
      %dma_wait3A_53 = tpu.memref_slice %arg7[%add3A_14, %dma_wait3A_52] : memref<10000x128xf32, #tpu.memory_space<vmem_shared>> -> memref<160x128xf32, #tpu.memory_space<vmem_shared>>
      tpu.wait_dma2 semaphore(%run_scoped3A : memref<!tpu.dma_semaphore, #tpu.memory_space<semaphore_mem>>) src(%arg11 : memref<160x128xf32, #tpu.memory_space<vmem>>) dst(%dma_wait3A_53 : memref<160x128xf32, #tpu.memory_space<vmem_shared>>)
      tpu.yield
    }) : () -> ()
    %barrier3A = arith.constant 0 : index
    tpu.barrier barrier_id(%barrier3A)
    %add3A_15 = arith.constant 0 : i32
    %add3A_16 = arith.addi %mul3A_0, %add3A_15 : i32
    "tpu.region"() ({
      %run_scoped3A = tpu.sem_alloc : memref<!tpu.dma_semaphore, #tpu.memory_space<semaphore_mem>>
      %dma_start3A_46 = tpu.memref_slice %arg3[%add3A_16] : memref<161280xi32, #tpu.memory_space<hbm>> -> memref<160xi32, #tpu.memory_space<hbm>>
      %dma_start3A_47 = tpu.memref_slice %arg3[%add3A_16] : memref<161280xi32, #tpu.memory_space<hbm>> -> memref<160xi32, #tpu.memory_space<hbm>>
      tpu.enqueue_dma source(%dma_start3A_47 : memref<160xi32, #tpu.memory_space<hbm>>) target(%arg8 : memref<160xi32, #tpu.memory_space<vmem>>) target_semaphore(%run_scoped3A : memref<!tpu.dma_semaphore, #tpu.memory_space<semaphore_mem>>)
      %dma_wait3A_48 = tpu.memref_slice %arg3[%add3A_16] : memref<161280xi32, #tpu.memory_space<hbm>> -> memref<160xi32, #tpu.memory_space<hbm>>
      %dma_wait3A_49 = tpu.memref_slice %arg3[%add3A_16] : memref<161280xi32, #tpu.memory_space<hbm>> -> memref<160xi32, #tpu.memory_space<hbm>>
      tpu.wait_dma2 semaphore(%run_scoped3A : memref<!tpu.dma_semaphore, #tpu.memory_space<semaphore_mem>>) src(%dma_wait3A_49 : memref<160xi32, #tpu.memory_space<hbm>>) dst(%arg8 : memref<160xi32, #tpu.memory_space<vmem>>)
      tpu.yield
    }) : () -> ()
    "tpu.region"() ({
      %run_scoped3A = tpu.sem_alloc : memref<!tpu.dma_semaphore, #tpu.memory_space<semaphore_mem>>
      %dma_start3A_46 = tpu.memref_slice %arg4[%add3A_16] : memref<161280xi32, #tpu.memory_space<hbm>> -> memref<160xi32, #tpu.memory_space<hbm>>
      %dma_start3A_47 = tpu.memref_slice %arg4[%add3A_16] : memref<161280xi32, #tpu.memory_space<hbm>> -> memref<160xi32, #tpu.memory_space<hbm>>
      tpu.enqueue_dma source(%dma_start3A_47 : memref<160xi32, #tpu.memory_space<hbm>>) target(%arg9 : memref<160xi32, #tpu.memory_space<vmem>>) target_semaphore(%run_scoped3A : memref<!tpu.dma_semaphore, #tpu.memory_space<semaphore_mem>>)
      %dma_wait3A_48 = tpu.memref_slice %arg4[%add3A_16] : memref<161280xi32, #tpu.memory_space<hbm>> -> memref<160xi32, #tpu.memory_space<hbm>>
      %dma_wait3A_49 = tpu.memref_slice %arg4[%add3A_16] : memref<161280xi32, #tpu.memory_space<hbm>> -> memref<160xi32, #tpu.memory_space<hbm>>
      tpu.wait_dma2 semaphore(%run_scoped3A : memref<!tpu.dma_semaphore, #tpu.memory_space<semaphore_mem>>) src(%dma_wait3A_49 : memref<160xi32, #tpu.memory_space<hbm>>) dst(%arg9 : memref<160xi32, #tpu.memory_space<vmem>>)
      tpu.yield
    }) : () -> ()
    "tpu.region"() ({
      %run_scoped3A = tpu.sem_alloc : memref<!tpu.dma_semaphore, #tpu.memory_space<semaphore_mem>>
      %dma_start3A_46 = tpu.memref_slice %arg5[%add3A_16] : memref<161280xf32, #tpu.memory_space<hbm>> -> memref<160xf32, #tpu.memory_space<hbm>>
      %dma_start3A_47 = tpu.memref_slice %arg5[%add3A_16] : memref<161280xf32, #tpu.memory_space<hbm>> -> memref<160xf32, #tpu.memory_space<hbm>>
      tpu.enqueue_dma source(%dma_start3A_47 : memref<160xf32, #tpu.memory_space<hbm>>) target(%arg10 : memref<160xf32, #tpu.memory_space<vmem>>) target_semaphore(%run_scoped3A : memref<!tpu.dma_semaphore, #tpu.memory_space<semaphore_mem>>)
      %dma_wait3A_48 = tpu.memref_slice %arg5[%add3A_16] : memref<161280xf32, #tpu.memory_space<hbm>> -> memref<160xf32, #tpu.memory_space<hbm>>
      %dma_wait3A_49 = tpu.memref_slice %arg5[%add3A_16] : memref<161280xf32, #tpu.memory_space<hbm>> -> memref<160xf32, #tpu.memory_space<hbm>>
      tpu.wait_dma2 semaphore(%run_scoped3A : memref<!tpu.dma_semaphore, #tpu.memory_space<semaphore_mem>>) src(%dma_wait3A_49 : memref<160xf32, #tpu.memory_space<hbm>>) dst(%arg10 : memref<160xf32, #tpu.memory_space<vmem>>)
      tpu.yield
    }) : () -> ()
    %dma_start3A = arith.constant 0 : i32
    %dma_start3A_17 = arith.constant 0 : i32
    %dma_start3A_18 = tpu.memref_slice %arg2[%arg0, %dma_start3A, %dma_start3A_17] : memref<2x10000x128xf32, #tpu.memory_space<hbm>> -> memref<1x10000x128xf32, #tpu.memory_space<hbm>>
    %dma_start3A_19 = tpu.memref_squeeze %dma_start3A_18 : memref<1x10000x128xf32, #tpu.memory_space<hbm>> -> memref<10000x128xf32, #tpu.memory_space<hbm>>
    %dma_start3A_20 = arith.constant 0 : i32
    %dma_start3A_21 = arith.constant 0 : i32
    %dma_start3A_22 = tpu.memref_slice %dma_start3A_19[%dma_start3A_20, %dma_start3A_21] : memref<10000x128xf32, #tpu.memory_space<hbm>> -> memref<10000x128xf32, #tpu.memory_space<hbm>>
    tpu.enqueue_indirect_dma source(%dma_start3A_22 : memref<10000x128xf32, #tpu.memory_space<hbm>>) target(%arg11 : memref<160x128xf32, #tpu.memory_space<vmem>>) offsets(%arg8 : memref<160xi32, #tpu.memory_space<vmem>>) semaphore(%arg12 : memref<!tpu.dma_semaphore, #tpu.memory_space<semaphore_mem>>)
    %scan3A_23 = arith.constant 0 : i32
    %scan3A_24 = arith.constant 31 : i32
    %scan3A_25 = arith.addi %scan3A_23, %scan3A_24 : i32
    %scan3A_26 = arith.constant 1 : i32
    scf.for %scan3A_46 = %scan3A_23 to %scan3A_25 step %scan3A_26  : i32 {
      %mul3A_47 = arith.constant 2 : i32
      %mul3A_48 = arith.muli %scan3A_46, %mul3A_47 : i32
      %dma_wait3A_49 = arith.constant 0 : i32
      %dma_wait3A_50 = arith.constant 0 : i32
      %dma_wait3A_51 = tpu.memref_slice %arg2[%arg0, %dma_wait3A_49, %dma_wait3A_50] : memref<2x10000x128xf32, #tpu.memory_space<hbm>> -> memref<1x10000x128xf32, #tpu.memory_space<hbm>>
      %dma_wait3A_52 = tpu.memref_squeeze %dma_wait3A_51 : memref<1x10000x128xf32, #tpu.memory_space<hbm>> -> memref<10000x128xf32, #tpu.memory_space<hbm>>
      %dma_wait3A_53 = arith.constant 0 : i32
      %dma_wait3A_54 = arith.constant 0 : i32
      %dma_wait3A_55 = tpu.memref_slice %dma_wait3A_52[%dma_wait3A_53, %dma_wait3A_54] : memref<10000x128xf32, #tpu.memory_space<hbm>> -> memref<10000x128xf32, #tpu.memory_space<hbm>>
      tpu.wait_indirect_dma semaphore(%arg12 : memref<!tpu.dma_semaphore, #tpu.memory_space<semaphore_mem>>) src(%dma_wait3A_55 : memref<10000x128xf32, #tpu.memory_space<hbm>>) dst(%arg11 : memref<160x128xf32, #tpu.memory_space<vmem>>)
      %gt3A = arith.constant 0 : i32
      %gt3A_56 = arith.cmpi sgt, %mul3A_48, %gt3A : i32
      %convert_element_type3A = arith.extui %gt3A_56 : i1 to i32
      %cond3A = arith.constant 0 : i32
      %cond3A_57 = arith.cmpi ne, %convert_element_type3A, %cond3A : i32
      scf.if %cond3A_57 {
        %dma_wait3A_97 = arith.constant 0 : i32
        %dma_wait3A_98 = arith.constant 0 : i32
        %dma_wait3A_99 = tpu.memref_slice %arg7[%dma_wait3A_97, %dma_wait3A_98] : memref<10000x128xf32, #tpu.memory_space<vmem_shared>> -> memref<10000x128xf32, #tpu.memory_space<vmem_shared>>
        tpu.wait_indirect_dma semaphore(%arg19 : memref<!tpu.dma_semaphore, #tpu.memory_space<semaphore_mem>>) src(%arg17 : memref<160x128xf32, #tpu.memory_space<vmem>>) dst(%dma_wait3A_99 : memref<10000x128xf32, #tpu.memory_space<vmem_shared>>)
      } else {
      }
      %add3A_58 = arith.constant 1 : i32
      %add3A_59 = arith.addi %mul3A_48, %add3A_58 : i32
      %lt3A = arith.constant 63 : i32
      %lt3A_60 = arith.cmpi slt, %add3A_59, %lt3A : i32
      %convert_element_type3A_61 = arith.extui %lt3A_60 : i1 to i32
      %cond3A_62 = arith.constant 0 : i32
      %cond3A_63 = arith.cmpi ne, %convert_element_type3A_61, %cond3A_62 : i32
      scf.if %cond3A_63 {
        %add3A_97 = arith.constant 1 : i32
        %add3A_98 = arith.addi %mul3A_48, %add3A_97 : i32
        %mul3A_99 = arith.constant 160 : i32
        %mul3A_100 = arith.muli %add3A_98, %mul3A_99 : i32
        %add3A_101 = arith.addi %mul3A_0, %mul3A_100 : i32
        "tpu.region"() ({
          %run_scoped3A = tpu.sem_alloc : memref<!tpu.dma_semaphore, #tpu.memory_space<semaphore_mem>>
          %dma_start3A_109 = tpu.memref_slice %arg3[%add3A_101] : memref<161280xi32, #tpu.memory_space<hbm>> -> memref<160xi32, #tpu.memory_space<hbm>>
          %dma_start3A_110 = tpu.memref_slice %arg3[%add3A_101] : memref<161280xi32, #tpu.memory_space<hbm>> -> memref<160xi32, #tpu.memory_space<hbm>>
          tpu.enqueue_dma source(%dma_start3A_110 : memref<160xi32, #tpu.memory_space<hbm>>) target(%arg14 : memref<160xi32, #tpu.memory_space<vmem>>) target_semaphore(%run_scoped3A : memref<!tpu.dma_semaphore, #tpu.memory_space<semaphore_mem>>)
          %dma_wait3A_111 = tpu.memref_slice %arg3[%add3A_101] : memref<161280xi32, #tpu.memory_space<hbm>> -> memref<160xi32, #tpu.memory_space<hbm>>
          %dma_wait3A_112 = tpu.memref_slice %arg3[%add3A_101] : memref<161280xi32, #tpu.memory_space<hbm>> -> memref<160xi32, #tpu.memory_space<hbm>>
          tpu.wait_dma2 semaphore(%run_scoped3A : memref<!tpu.dma_semaphore, #tpu.memory_space<semaphore_mem>>) src(%dma_wait3A_112 : memref<160xi32, #tpu.memory_space<hbm>>) dst(%arg14 : memref<160xi32, #tpu.memory_space<vmem>>)
          tpu.yield
        }) : () -> ()
        "tpu.region"() ({
          %run_scoped3A = tpu.sem_alloc : memref<!tpu.dma_semaphore, #tpu.memory_space<semaphore_mem>>
          %dma_start3A_109 = tpu.memref_slice %arg4[%add3A_101] : memref<161280xi32, #tpu.memory_space<hbm>> -> memref<160xi32, #tpu.memory_space<hbm>>
          %dma_start3A_110 = tpu.memref_slice %arg4[%add3A_101] : memref<161280xi32, #tpu.memory_space<hbm>> -> memref<160xi32, #tpu.memory_space<hbm>>
          tpu.enqueue_dma source(%dma_start3A_110 : memref<160xi32, #tpu.memory_space<hbm>>) target(%arg15 : memref<160xi32, #tpu.memory_space<vmem>>) target_semaphore(%run_scoped3A : memref<!tpu.dma_semaphore, #tpu.memory_space<semaphore_mem>>)
          %dma_wait3A_111 = tpu.memref_slice %arg4[%add3A_101] : memref<161280xi32, #tpu.memory_space<hbm>> -> memref<160xi32, #tpu.memory_space<hbm>>
          %dma_wait3A_112 = tpu.memref_slice %arg4[%add3A_101] : memref<161280xi32, #tpu.memory_space<hbm>> -> memref<160xi32, #tpu.memory_space<hbm>>
          tpu.wait_dma2 semaphore(%run_scoped3A : memref<!tpu.dma_semaphore, #tpu.memory_space<semaphore_mem>>) src(%dma_wait3A_112 : memref<160xi32, #tpu.memory_space<hbm>>) dst(%arg15 : memref<160xi32, #tpu.memory_space<vmem>>)
          tpu.yield
        }) : () -> ()
        "tpu.region"() ({
          %run_scoped3A = tpu.sem_alloc : memref<!tpu.dma_semaphore, #tpu.memory_space<semaphore_mem>>
          %dma_start3A_109 = tpu.memref_slice %arg5[%add3A_101] : memref<161280xf32, #tpu.memory_space<hbm>> -> memref<160xf32, #tpu.memory_space<hbm>>
          %dma_start3A_110 = tpu.memref_slice %arg5[%add3A_101] : memref<161280xf32, #tpu.memory_space<hbm>> -> memref<160xf32, #tpu.memory_space<hbm>>
          tpu.enqueue_dma source(%dma_start3A_110 : memref<160xf32, #tpu.memory_space<hbm>>) target(%arg16 : memref<160xf32, #tpu.memory_space<vmem>>) target_semaphore(%run_scoped3A : memref<!tpu.dma_semaphore, #tpu.memory_space<semaphore_mem>>)
          %dma_wait3A_111 = tpu.memref_slice %arg5[%add3A_101] : memref<161280xf32, #tpu.memory_space<hbm>> -> memref<160xf32, #tpu.memory_space<hbm>>
          %dma_wait3A_112 = tpu.memref_slice %arg5[%add3A_101] : memref<161280xf32, #tpu.memory_space<hbm>> -> memref<160xf32, #tpu.memory_space<hbm>>
          tpu.wait_dma2 semaphore(%run_scoped3A : memref<!tpu.dma_semaphore, #tpu.memory_space<semaphore_mem>>) src(%dma_wait3A_112 : memref<160xf32, #tpu.memory_space<hbm>>) dst(%arg16 : memref<160xf32, #tpu.memory_space<vmem>>)
          tpu.yield
        }) : () -> ()
        %dma_start3A_102 = arith.constant 0 : i32
        %dma_start3A_103 = arith.constant 0 : i32
        %dma_start3A_104 = tpu.memref_slice %arg2[%arg0, %dma_start3A_102, %dma_start3A_103] : memref<2x10000x128xf32, #tpu.memory_space<hbm>> -> memref<1x10000x128xf32, #tpu.memory_space<hbm>>
        %dma_start3A_105 = tpu.memref_squeeze %dma_start3A_104 : memref<1x10000x128xf32, #tpu.memory_space<hbm>> -> memref<10000x128xf32, #tpu.memory_space<hbm>>
        %dma_start3A_106 = arith.constant 0 : i32
        %dma_start3A_107 = arith.constant 0 : i32
        %dma_start3A_108 = tpu.memref_slice %dma_start3A_105[%dma_start3A_106, %dma_start3A_107] : memref<10000x128xf32, #tpu.memory_space<hbm>> -> memref<10000x128xf32, #tpu.memory_space<hbm>>
        tpu.enqueue_indirect_dma source(%dma_start3A_108 : memref<10000x128xf32, #tpu.memory_space<hbm>>) target(%arg17 : memref<160x128xf32, #tpu.memory_space<vmem>>) offsets(%arg14 : memref<160xi32, #tpu.memory_space<vmem>>) semaphore(%arg18 : memref<!tpu.dma_semaphore, #tpu.memory_space<semaphore_mem>>)
      } else {
      }
      %parallel_loop3A_64 = arith.constant 0 : i32
      %parallel_loop3A_65 = arith.constant 160 : i32
      %parallel_loop3A_66 = arith.constant 1 : i32
      scf.for %parallel_loop3A_97 = %parallel_loop3A_64 to %parallel_loop3A_65 step %parallel_loop3A_66  : i32 {
        %parallel_loop3A_98 = vector.broadcast %parallel_loop3A_97 : i32 to vector<16xi32>
        %parallel_loop3A_99 = tpu.vector_load_idx %arg10[%parallel_loop3A_98] : memref<160xf32, #tpu.memory_space<vmem>>[vector<16xi32>], vector<16xf32>,
        %parallel_loop3A_100 = arith.index_cast %parallel_loop3A_97 : i32 to index
        %parallel_loop3A_101 = arith.constant 0 : index
        %parallel_loop3A_102 = tpu.vector_load %arg11[%parallel_loop3A_100, %parallel_loop3A_101] {strides = array<i32>} : memref<160x128xf32, #tpu.memory_space<vmem>>, vector<16xf32>,
        %parallel_loop3A_103 = arith.mulf %parallel_loop3A_102, %parallel_loop3A_99 : vector<16xf32>
        %parallel_loop3A_104 = arith.index_cast %parallel_loop3A_97 : i32 to index
        %parallel_loop3A_105 = arith.constant 0 : index
        %parallel_loop3A_106 = tpu.vector_load %arg11[%parallel_loop3A_104, %parallel_loop3A_105] {strides = array<i32>} : memref<160x128xf32, #tpu.memory_space<vmem>>, vector<16xf32>,
        tpu.vector_store %arg11[%parallel_loop3A_104, %parallel_loop3A_105], %parallel_loop3A_103 {strides = array<i32>} : memref<160x128xf32, #tpu.memory_space<vmem>>, vector<16xf32>,
        %parallel_loop3A_107 = arith.index_cast %parallel_loop3A_97 : i32 to index
        %parallel_loop3A_108 = arith.constant 16 : index
        %parallel_loop3A_109 = tpu.vector_load %arg11[%parallel_loop3A_107, %parallel_loop3A_108] {strides = array<i32>} : memref<160x128xf32, #tpu.memory_space<vmem>>, vector<16xf32>,
        %parallel_loop3A_110 = arith.mulf %parallel_loop3A_109, %parallel_loop3A_99 : vector<16xf32>
        %parallel_loop3A_111 = arith.index_cast %parallel_loop3A_97 : i32 to index
        %parallel_loop3A_112 = arith.constant 16 : index
        %parallel_loop3A_113 = tpu.vector_load %arg11[%parallel_loop3A_111, %parallel_loop3A_112] {strides = array<i32>} : memref<160x128xf32, #tpu.memory_space<vmem>>, vector<16xf32>,
        tpu.vector_store %arg11[%parallel_loop3A_111, %parallel_loop3A_112], %parallel_loop3A_110 {strides = array<i32>} : memref<160x128xf32, #tpu.memory_space<vmem>>, vector<16xf32>,
        %parallel_loop3A_114 = arith.index_cast %parallel_loop3A_97 : i32 to index
        %parallel_loop3A_115 = arith.constant 32 : index
        %parallel_loop3A_116 = tpu.vector_load %arg11[%parallel_loop3A_114, %parallel_loop3A_115] {strides = array<i32>} : memref<160x128xf32, #tpu.memory_space<vmem>>, vector<16xf32>,
        %parallel_loop3A_117 = arith.mulf %parallel_loop3A_116, %parallel_loop3A_99 : vector<16xf32>
        %parallel_loop3A_118 = arith.index_cast %parallel_loop3A_97 : i32 to index
        %parallel_loop3A_119 = arith.constant 32 : index
        %parallel_loop3A_120 = tpu.vector_load %arg11[%parallel_loop3A_118, %parallel_loop3A_119] {strides = array<i32>} : memref<160x128xf32, #tpu.memory_space<vmem>>, vector<16xf32>,
        tpu.vector_store %arg11[%parallel_loop3A_118, %parallel_loop3A_119], %parallel_loop3A_117 {strides = array<i32>} : memref<160x128xf32, #tpu.memory_space<vmem>>, vector<16xf32>,
        %parallel_loop3A_121 = arith.index_cast %parallel_loop3A_97 : i32 to index
        %parallel_loop3A_122 = arith.constant 48 : index
        %parallel_loop3A_123 = tpu.vector_load %arg11[%parallel_loop3A_121, %parallel_loop3A_122] {strides = array<i32>} : memref<160x128xf32, #tpu.memory_space<vmem>>, vector<16xf32>,
        %parallel_loop3A_124 = arith.mulf %parallel_loop3A_123, %parallel_loop3A_99 : vector<16xf32>
        %parallel_loop3A_125 = arith.index_cast %parallel_loop3A_97 : i32 to index
        %parallel_loop3A_126 = arith.constant 48 : index
        %parallel_loop3A_127 = tpu.vector_load %arg11[%parallel_loop3A_125, %parallel_loop3A_126] {strides = array<i32>} : memref<160x128xf32, #tpu.memory_space<vmem>>, vector<16xf32>,
        tpu.vector_store %arg11[%parallel_loop3A_125, %parallel_loop3A_126], %parallel_loop3A_124 {strides = array<i32>} : memref<160x128xf32, #tpu.memory_space<vmem>>, vector<16xf32>,
        %parallel_loop3A_128 = arith.index_cast %parallel_loop3A_97 : i32 to index
        %parallel_loop3A_129 = arith.constant 64 : index
        %parallel_loop3A_130 = tpu.vector_load %arg11[%parallel_loop3A_128, %parallel_loop3A_129] {strides = array<i32>} : memref<160x128xf32, #tpu.memory_space<vmem>>, vector<16xf32>,
        %parallel_loop3A_131 = arith.mulf %parallel_loop3A_130, %parallel_loop3A_99 : vector<16xf32>
        %parallel_loop3A_132 = arith.index_cast %parallel_loop3A_97 : i32 to index
        %parallel_loop3A_133 = arith.constant 64 : index
        %parallel_loop3A_134 = tpu.vector_load %arg11[%parallel_loop3A_132, %parallel_loop3A_133] {strides = array<i32>} : memref<160x128xf32, #tpu.memory_space<vmem>>, vector<16xf32>,
        tpu.vector_store %arg11[%parallel_loop3A_132, %parallel_loop3A_133], %parallel_loop3A_131 {strides = array<i32>} : memref<160x128xf32, #tpu.memory_space<vmem>>, vector<16xf32>,
        %parallel_loop3A_135 = arith.index_cast %parallel_loop3A_97 : i32 to index
        %parallel_loop3A_136 = arith.constant 80 : index
        %parallel_loop3A_137 = tpu.vector_load %arg11[%parallel_loop3A_135, %parallel_loop3A_136] {strides = array<i32>} : memref<160x128xf32, #tpu.memory_space<vmem>>, vector<16xf32>,
        %parallel_loop3A_138 = arith.mulf %parallel_loop3A_137, %parallel_loop3A_99 : vector<16xf32>
        %parallel_loop3A_139 = arith.index_cast %parallel_loop3A_97 : i32 to index
        %parallel_loop3A_140 = arith.constant 80 : index
        %parallel_loop3A_141 = tpu.vector_load %arg11[%parallel_loop3A_139, %parallel_loop3A_140] {strides = array<i32>} : memref<160x128xf32, #tpu.memory_space<vmem>>, vector<16xf32>,
        tpu.vector_store %arg11[%parallel_loop3A_139, %parallel_loop3A_140], %parallel_loop3A_138 {strides = array<i32>} : memref<160x128xf32, #tpu.memory_space<vmem>>, vector<16xf32>,
        %parallel_loop3A_142 = arith.index_cast %parallel_loop3A_97 : i32 to index
        %parallel_loop3A_143 = arith.constant 96 : index
        %parallel_loop3A_144 = tpu.vector_load %arg11[%parallel_loop3A_142, %parallel_loop3A_143] {strides = array<i32>} : memref<160x128xf32, #tpu.memory_space<vmem>>, vector<16xf32>,
        %parallel_loop3A_145 = arith.mulf %parallel_loop3A_144, %parallel_loop3A_99 : vector<16xf32>
        %parallel_loop3A_146 = arith.index_cast %parallel_loop3A_97 : i32 to index
        %parallel_loop3A_147 = arith.constant 96 : index
        %parallel_loop3A_148 = tpu.vector_load %arg11[%parallel_loop3A_146, %parallel_loop3A_147] {strides = array<i32>} : memref<160x128xf32, #tpu.memory_space<vmem>>, vector<16xf32>,
        tpu.vector_store %arg11[%parallel_loop3A_146, %parallel_loop3A_147], %parallel_loop3A_145 {strides = array<i32>} : memref<160x128xf32, #tpu.memory_space<vmem>>, vector<16xf32>,
        %parallel_loop3A_149 = arith.index_cast %parallel_loop3A_97 : i32 to index
        %parallel_loop3A_150 = arith.constant 112 : index
        %parallel_loop3A_151 = tpu.vector_load %arg11[%parallel_loop3A_149, %parallel_loop3A_150] {strides = array<i32>} : memref<160x128xf32, #tpu.memory_space<vmem>>, vector<16xf32>,
        %parallel_loop3A_152 = arith.mulf %parallel_loop3A_151, %parallel_loop3A_99 : vector<16xf32>
        %parallel_loop3A_153 = arith.index_cast %parallel_loop3A_97 : i32 to index
        %parallel_loop3A_154 = arith.constant 112 : index
        %parallel_loop3A_155 = tpu.vector_load %arg11[%parallel_loop3A_153, %parallel_loop3A_154] {strides = array<i32>} : memref<160x128xf32, #tpu.memory_space<vmem>>, vector<16xf32>,
        tpu.vector_store %arg11[%parallel_loop3A_153, %parallel_loop3A_154], %parallel_loop3A_152 {strides = array<i32>} : memref<160x128xf32, #tpu.memory_space<vmem>>, vector<16xf32>,
      } {sc.loop_unroll_factor = 8 : i64, sc.parallel_access}
      %dma_start3A_67 = arith.constant 0 : i32
      %dma_start3A_68 = arith.constant 0 : i32
      %dma_start3A_69 = tpu.memref_slice %arg7[%dma_start3A_67, %dma_start3A_68] : memref<10000x128xf32, #tpu.memory_space<vmem_shared>> -> memref<10000x128xf32, #tpu.memory_space<vmem_shared>>
      tpu.enqueue_indirect_dma source(%arg11 : memref<160x128xf32, #tpu.memory_space<vmem>>) target(%dma_start3A_69 : memref<10000x128xf32, #tpu.memory_space<vmem_shared>>) offsets(%arg9 : memref<160xi32, #tpu.memory_space<vmem>>) semaphore(%arg13 : memref<!tpu.dma_semaphore, #tpu.memory_space<semaphore_mem>>) {add = true}
      %add3A_70 = arith.constant 1 : i32
      %add3A_71 = arith.addi %mul3A_48, %add3A_70 : i32
      %dma_wait3A_72 = arith.constant 0 : i32
      %dma_wait3A_73 = arith.constant 0 : i32
      %dma_wait3A_74 = tpu.memref_slice %arg2[%arg0, %dma_wait3A_72, %dma_wait3A_73] : memref<2x10000x128xf32, #tpu.memory_space<hbm>> -> memref<1x10000x128xf32, #tpu.memory_space<hbm>>
      %dma_wait3A_75 = tpu.memref_squeeze %dma_wait3A_74 : memref<1x10000x128xf32, #tpu.memory_space<hbm>> -> memref<10000x128xf32, #tpu.memory_space<hbm>>
      %dma_wait3A_76 = arith.constant 0 : i32
      %dma_wait3A_77 = arith.constant 0 : i32
      %dma_wait3A_78 = tpu.memref_slice %dma_wait3A_75[%dma_wait3A_76, %dma_wait3A_77] : memref<10000x128xf32, #tpu.memory_space<hbm>> -> memref<10000x128xf32, #tpu.memory_space<hbm>>
      tpu.wait_indirect_dma semaphore(%arg18 : memref<!tpu.dma_semaphore, #tpu.memory_space<semaphore_mem>>) src(%dma_wait3A_78 : memref<10000x128xf32, #tpu.memory_space<hbm>>) dst(%arg17 : memref<160x128xf32, #tpu.memory_space<vmem>>)
      %gt3A_79 = arith.constant 0 : i32
      %gt3A_80 = arith.cmpi sgt, %add3A_71, %gt3A_79 : i32
      %convert_element_type3A_81 = arith.extui %gt3A_80 : i1 to i32
      %cond3A_82 = arith.constant 0 : i32
      %cond3A_83 = arith.cmpi ne, %convert_element_type3A_81, %cond3A_82 : i32
      scf.if %cond3A_83 {
        %dma_wait3A_97 = arith.constant 0 : i32
        %dma_wait3A_98 = arith.constant 0 : i32
        %dma_wait3A_99 = tpu.memref_slice %arg7[%dma_wait3A_97, %dma_wait3A_98] : memref<10000x128xf32, #tpu.memory_space<vmem_shared>> -> memref<10000x128xf32, #tpu.memory_space<vmem_shared>>
        tpu.wait_indirect_dma semaphore(%arg13 : memref<!tpu.dma_semaphore, #tpu.memory_space<semaphore_mem>>) src(%arg11 : memref<160x128xf32, #tpu.memory_space<vmem>>) dst(%dma_wait3A_99 : memref<10000x128xf32, #tpu.memory_space<vmem_shared>>)
      } else {
      }
      %add3A_84 = arith.constant 1 : i32
      %add3A_85 = arith.addi %add3A_71, %add3A_84 : i32
      %lt3A_86 = arith.constant 63 : i32
      %lt3A_87 = arith.cmpi slt, %add3A_85, %lt3A_86 : i32
      %convert_element_type3A_88 = arith.extui %lt3A_87 : i1 to i32
      %cond3A_89 = arith.constant 0 : i32
      %cond3A_90 = arith.cmpi ne, %convert_element_type3A_88, %cond3A_89 : i32
      scf.if %cond3A_90 {
        %add3A_97 = arith.constant 1 : i32
        %add3A_98 = arith.addi %add3A_71, %add3A_97 : i32
        %mul3A_99 = arith.constant 160 : i32
        %mul3A_100 = arith.muli %add3A_98, %mul3A_99 : i32
        %add3A_101 = arith.addi %mul3A_0, %mul3A_100 : i32
        "tpu.region"() ({
          %run_scoped3A = tpu.sem_alloc : memref<!tpu.dma_semaphore, #tpu.memory_space<semaphore_mem>>
          %dma_start3A_109 = tpu.memref_slice %arg3[%add3A_101] : memref<161280xi32, #tpu.memory_space<hbm>> -> memref<160xi32, #tpu.memory_space<hbm>>
          %dma_start3A_110 = tpu.memref_slice %arg3[%add3A_101] : memref<161280xi32, #tpu.memory_space<hbm>> -> memref<160xi32, #tpu.memory_space<hbm>>
          tpu.enqueue_dma source(%dma_start3A_110 : memref<160xi32, #tpu.memory_space<hbm>>) target(%arg8 : memref<160xi32, #tpu.memory_space<vmem>>) target_semaphore(%run_scoped3A : memref<!tpu.dma_semaphore, #tpu.memory_space<semaphore_mem>>)
          %dma_wait3A_111 = tpu.memref_slice %arg3[%add3A_101] : memref<161280xi32, #tpu.memory_space<hbm>> -> memref<160xi32, #tpu.memory_space<hbm>>
          %dma_wait3A_112 = tpu.memref_slice %arg3[%add3A_101] : memref<161280xi32, #tpu.memory_space<hbm>> -> memref<160xi32, #tpu.memory_space<hbm>>
          tpu.wait_dma2 semaphore(%run_scoped3A : memref<!tpu.dma_semaphore, #tpu.memory_space<semaphore_mem>>) src(%dma_wait3A_112 : memref<160xi32, #tpu.memory_space<hbm>>) dst(%arg8 : memref<160xi32, #tpu.memory_space<vmem>>)
          tpu.yield
        }) : () -> ()
        "tpu.region"() ({
          %run_scoped3A = tpu.sem_alloc : memref<!tpu.dma_semaphore, #tpu.memory_space<semaphore_mem>>
          %dma_start3A_109 = tpu.memref_slice %arg4[%add3A_101] : memref<161280xi32, #tpu.memory_space<hbm>> -> memref<160xi32, #tpu.memory_space<hbm>>
          %dma_start3A_110 = tpu.memref_slice %arg4[%add3A_101] : memref<161280xi32, #tpu.memory_space<hbm>> -> memref<160xi32, #tpu.memory_space<hbm>>
          tpu.enqueue_dma source(%dma_start3A_110 : memref<160xi32, #tpu.memory_space<hbm>>) target(%arg9 : memref<160xi32, #tpu.memory_space<vmem>>) target_semaphore(%run_scoped3A : memref<!tpu.dma_semaphore, #tpu.memory_space<semaphore_mem>>)
          %dma_wait3A_111 = tpu.memref_slice %arg4[%add3A_101] : memref<161280xi32, #tpu.memory_space<hbm>> -> memref<160xi32, #tpu.memory_space<hbm>>
          %dma_wait3A_112 = tpu.memref_slice %arg4[%add3A_101] : memref<161280xi32, #tpu.memory_space<hbm>> -> memref<160xi32, #tpu.memory_space<hbm>>
          tpu.wait_dma2 semaphore(%run_scoped3A : memref<!tpu.dma_semaphore, #tpu.memory_space<semaphore_mem>>) src(%dma_wait3A_112 : memref<160xi32, #tpu.memory_space<hbm>>) dst(%arg9 : memref<160xi32, #tpu.memory_space<vmem>>)
          tpu.yield
        }) : () -> ()
        "tpu.region"() ({
          %run_scoped3A = tpu.sem_alloc : memref<!tpu.dma_semaphore, #tpu.memory_space<semaphore_mem>>
          %dma_start3A_109 = tpu.memref_slice %arg5[%add3A_101] : memref<161280xf32, #tpu.memory_space<hbm>> -> memref<160xf32, #tpu.memory_space<hbm>>
          %dma_start3A_110 = tpu.memref_slice %arg5[%add3A_101] : memref<161280xf32, #tpu.memory_space<hbm>> -> memref<160xf32, #tpu.memory_space<hbm>>
          tpu.enqueue_dma source(%dma_start3A_110 : memref<160xf32, #tpu.memory_space<hbm>>) target(%arg10 : memref<160xf32, #tpu.memory_space<vmem>>) target_semaphore(%run_scoped3A : memref<!tpu.dma_semaphore, #tpu.memory_space<semaphore_mem>>)
          %dma_wait3A_111 = tpu.memref_slice %arg5[%add3A_101] : memref<161280xf32, #tpu.memory_space<hbm>> -> memref<160xf32, #tpu.memory_space<hbm>>
          %dma_wait3A_112 = tpu.memref_slice %arg5[%add3A_101] : memref<161280xf32, #tpu.memory_space<hbm>> -> memref<160xf32, #tpu.memory_space<hbm>>
          tpu.wait_dma2 semaphore(%run_scoped3A : memref<!tpu.dma_semaphore, #tpu.memory_space<semaphore_mem>>) src(%dma_wait3A_112 : memref<160xf32, #tpu.memory_space<hbm>>) dst(%arg10 : memref<160xf32, #tpu.memory_space<vmem>>)
          tpu.yield
        }) : () -> ()
        %dma_start3A_102 = arith.constant 0 : i32
        %dma_start3A_103 = arith.constant 0 : i32
        %dma_start3A_104 = tpu.memref_slice %arg2[%arg0, %dma_start3A_102, %dma_start3A_103] : memref<2x10000x128xf32, #tpu.memory_space<hbm>> -> memref<1x10000x128xf32, #tpu.memory_space<hbm>>
        %dma_start3A_105 = tpu.memref_squeeze %dma_start3A_104 : memref<1x10000x128xf32, #tpu.memory_space<hbm>> -> memref<10000x128xf32, #tpu.memory_space<hbm>>
        %dma_start3A_106 = arith.constant 0 : i32
        %dma_start3A_107 = arith.constant 0 : i32
        %dma_start3A_108 = tpu.memref_slice %dma_start3A_105[%dma_start3A_106, %dma_start3A_107] : memref<10000x128xf32, #tpu.memory_space<hbm>> -> memref<10000x128xf32, #tpu.memory_space<hbm>>
        tpu.enqueue_indirect_dma source(%dma_start3A_108 : memref<10000x128xf32, #tpu.memory_space<hbm>>) target(%arg11 : memref<160x128xf32, #tpu.memory_space<vmem>>) offsets(%arg8 : memref<160xi32, #tpu.memory_space<vmem>>) semaphore(%arg12 : memref<!tpu.dma_semaphore, #tpu.memory_space<semaphore_mem>>)
      } else {
      }
      %parallel_loop3A_91 = arith.constant 0 : i32
      %parallel_loop3A_92 = arith.constant 160 : i32
      %parallel_loop3A_93 = arith.constant 1 : i32
      scf.for %parallel_loop3A_97 = %parallel_loop3A_91 to %parallel_loop3A_92 step %parallel_loop3A_93  : i32 {
        %parallel_loop3A_98 = vector.broadcast %parallel_loop3A_97 : i32 to vector<16xi32>
        %parallel_loop3A_99 = tpu.vector_load_idx %arg16[%parallel_loop3A_98] : memref<160xf32, #tpu.memory_space<vmem>>[vector<16xi32>], vector<16xf32>,
        %parallel_loop3A_100 = arith.index_cast %parallel_loop3A_97 : i32 to index
        %parallel_loop3A_101 = arith.constant 0 : index
        %parallel_loop3A_102 = tpu.vector_load %arg17[%parallel_loop3A_100, %parallel_loop3A_101] {strides = array<i32>} : memref<160x128xf32, #tpu.memory_space<vmem>>, vector<16xf32>,
        %parallel_loop3A_103 = arith.mulf %parallel_loop3A_102, %parallel_loop3A_99 : vector<16xf32>
        %parallel_loop3A_104 = arith.index_cast %parallel_loop3A_97 : i32 to index
        %parallel_loop3A_105 = arith.constant 0 : index
        %parallel_loop3A_106 = tpu.vector_load %arg17[%parallel_loop3A_104, %parallel_loop3A_105] {strides = array<i32>} : memref<160x128xf32, #tpu.memory_space<vmem>>, vector<16xf32>,
        tpu.vector_store %arg17[%parallel_loop3A_104, %parallel_loop3A_105], %parallel_loop3A_103 {strides = array<i32>} : memref<160x128xf32, #tpu.memory_space<vmem>>, vector<16xf32>,
        %parallel_loop3A_107 = arith.index_cast %parallel_loop3A_97 : i32 to index
        %parallel_loop3A_108 = arith.constant 16 : index
        %parallel_loop3A_109 = tpu.vector_load %arg17[%parallel_loop3A_107, %parallel_loop3A_108] {strides = array<i32>} : memref<160x128xf32, #tpu.memory_space<vmem>>, vector<16xf32>,
        %parallel_loop3A_110 = arith.mulf %parallel_loop3A_109, %parallel_loop3A_99 : vector<16xf32>
        %parallel_loop3A_111 = arith.index_cast %parallel_loop3A_97 : i32 to index
        %parallel_loop3A_112 = arith.constant 16 : index
        %parallel_loop3A_113 = tpu.vector_load %arg17[%parallel_loop3A_111, %parallel_loop3A_112] {strides = array<i32>} : memref<160x128xf32, #tpu.memory_space<vmem>>, vector<16xf32>,
        tpu.vector_store %arg17[%parallel_loop3A_111, %parallel_loop3A_112], %parallel_loop3A_110 {strides = array<i32>} : memref<160x128xf32, #tpu.memory_space<vmem>>, vector<16xf32>,
        %parallel_loop3A_114 = arith.index_cast %parallel_loop3A_97 : i32 to index
        %parallel_loop3A_115 = arith.constant 32 : index
        %parallel_loop3A_116 = tpu.vector_load %arg17[%parallel_loop3A_114, %parallel_loop3A_115] {strides = array<i32>} : memref<160x128xf32, #tpu.memory_space<vmem>>, vector<16xf32>,
        %parallel_loop3A_117 = arith.mulf %parallel_loop3A_116, %parallel_loop3A_99 : vector<16xf32>
        %parallel_loop3A_118 = arith.index_cast %parallel_loop3A_97 : i32 to index
        %parallel_loop3A_119 = arith.constant 32 : index
        %parallel_loop3A_120 = tpu.vector_load %arg17[%parallel_loop3A_118, %parallel_loop3A_119] {strides = array<i32>} : memref<160x128xf32, #tpu.memory_space<vmem>>, vector<16xf32>,
        tpu.vector_store %arg17[%parallel_loop3A_118, %parallel_loop3A_119], %parallel_loop3A_117 {strides = array<i32>} : memref<160x128xf32, #tpu.memory_space<vmem>>, vector<16xf32>,
        %parallel_loop3A_121 = arith.index_cast %parallel_loop3A_97 : i32 to index
        %parallel_loop3A_122 = arith.constant 48 : index
        %parallel_loop3A_123 = tpu.vector_load %arg17[%parallel_loop3A_121, %parallel_loop3A_122] {strides = array<i32>} : memref<160x128xf32, #tpu.memory_space<vmem>>, vector<16xf32>,
        %parallel_loop3A_124 = arith.mulf %parallel_loop3A_123, %parallel_loop3A_99 : vector<16xf32>
        %parallel_loop3A_125 = arith.index_cast %parallel_loop3A_97 : i32 to index
        %parallel_loop3A_126 = arith.constant 48 : index
        %parallel_loop3A_127 = tpu.vector_load %arg17[%parallel_loop3A_125, %parallel_loop3A_126] {strides = array<i32>} : memref<160x128xf32, #tpu.memory_space<vmem>>, vector<16xf32>,
        tpu.vector_store %arg17[%parallel_loop3A_125, %parallel_loop3A_126], %parallel_loop3A_124 {strides = array<i32>} : memref<160x128xf32, #tpu.memory_space<vmem>>, vector<16xf32>,
        %parallel_loop3A_128 = arith.index_cast %parallel_loop3A_97 : i32 to index
        %parallel_loop3A_129 = arith.constant 64 : index
        %parallel_loop3A_130 = tpu.vector_load %arg17[%parallel_loop3A_128, %parallel_loop3A_129] {strides = array<i32>} : memref<160x128xf32, #tpu.memory_space<vmem>>, vector<16xf32>,
        %parallel_loop3A_131 = arith.mulf %parallel_loop3A_130, %parallel_loop3A_99 : vector<16xf32>
        %parallel_loop3A_132 = arith.index_cast %parallel_loop3A_97 : i32 to index
        %parallel_loop3A_133 = arith.constant 64 : index
        %parallel_loop3A_134 = tpu.vector_load %arg17[%parallel_loop3A_132, %parallel_loop3A_133] {strides = array<i32>} : memref<160x128xf32, #tpu.memory_space<vmem>>, vector<16xf32>,
        tpu.vector_store %arg17[%parallel_loop3A_132, %parallel_loop3A_133], %parallel_loop3A_131 {strides = array<i32>} : memref<160x128xf32, #tpu.memory_space<vmem>>, vector<16xf32>,
        %parallel_loop3A_135 = arith.index_cast %parallel_loop3A_97 : i32 to index
        %parallel_loop3A_136 = arith.constant 80 : index
        %parallel_loop3A_137 = tpu.vector_load %arg17[%parallel_loop3A_135, %parallel_loop3A_136] {strides = array<i32>} : memref<160x128xf32, #tpu.memory_space<vmem>>, vector<16xf32>,
        %parallel_loop3A_138 = arith.mulf %parallel_loop3A_137, %parallel_loop3A_99 : vector<16xf32>
        %parallel_loop3A_139 = arith.index_cast %parallel_loop3A_97 : i32 to index
        %parallel_loop3A_140 = arith.constant 80 : index
        %parallel_loop3A_141 = tpu.vector_load %arg17[%parallel_loop3A_139, %parallel_loop3A_140] {strides = array<i32>} : memref<160x128xf32, #tpu.memory_space<vmem>>, vector<16xf32>,
        tpu.vector_store %arg17[%parallel_loop3A_139, %parallel_loop3A_140], %parallel_loop3A_138 {strides = array<i32>} : memref<160x128xf32, #tpu.memory_space<vmem>>, vector<16xf32>,
        %parallel_loop3A_142 = arith.index_cast %parallel_loop3A_97 : i32 to index
        %parallel_loop3A_143 = arith.constant 96 : index
        %parallel_loop3A_144 = tpu.vector_load %arg17[%parallel_loop3A_142, %parallel_loop3A_143] {strides = array<i32>} : memref<160x128xf32, #tpu.memory_space<vmem>>, vector<16xf32>,
        %parallel_loop3A_145 = arith.mulf %parallel_loop3A_144, %parallel_loop3A_99 : vector<16xf32>
        %parallel_loop3A_146 = arith.index_cast %parallel_loop3A_97 : i32 to index
        %parallel_loop3A_147 = arith.constant 96 : index
        %parallel_loop3A_148 = tpu.vector_load %arg17[%parallel_loop3A_146, %parallel_loop3A_147] {strides = array<i32>} : memref<160x128xf32, #tpu.memory_space<vmem>>, vector<16xf32>,
        tpu.vector_store %arg17[%parallel_loop3A_146, %parallel_loop3A_147], %parallel_loop3A_145 {strides = array<i32>} : memref<160x128xf32, #tpu.memory_space<vmem>>, vector<16xf32>,
        %parallel_loop3A_149 = arith.index_cast %parallel_loop3A_97 : i32 to index
        %parallel_loop3A_150 = arith.constant 112 : index
        %parallel_loop3A_151 = tpu.vector_load %arg17[%parallel_loop3A_149, %parallel_loop3A_150] {strides = array<i32>} : memref<160x128xf32, #tpu.memory_space<vmem>>, vector<16xf32>,
        %parallel_loop3A_152 = arith.mulf %parallel_loop3A_151, %parallel_loop3A_99 : vector<16xf32>
        %parallel_loop3A_153 = arith.index_cast %parallel_loop3A_97 : i32 to index
        %parallel_loop3A_154 = arith.constant 112 : index
        %parallel_loop3A_155 = tpu.vector_load %arg17[%parallel_loop3A_153, %parallel_loop3A_154] {strides = array<i32>} : memref<160x128xf32, #tpu.memory_space<vmem>>, vector<16xf32>,
        tpu.vector_store %arg17[%parallel_loop3A_153, %parallel_loop3A_154], %parallel_loop3A_152 {strides = array<i32>} : memref<160x128xf32, #tpu.memory_space<vmem>>, vector<16xf32>,
      } {sc.loop_unroll_factor = 8 : i64, sc.parallel_access}
      %dma_start3A_94 = arith.constant 0 : i32
      %dma_start3A_95 = arith.constant 0 : i32
      %dma_start3A_96 = tpu.memref_slice %arg7[%dma_start3A_94, %dma_start3A_95] : memref<10000x128xf32, #tpu.memory_space<vmem_shared>> -> memref<10000x128xf32, #tpu.memory_space<vmem_shared>>
      tpu.enqueue_indirect_dma source(%arg17 : memref<160x128xf32, #tpu.memory_space<vmem>>) target(%dma_start3A_96 : memref<10000x128xf32, #tpu.memory_space<vmem_shared>>) offsets(%arg15 : memref<160xi32, #tpu.memory_space<vmem>>) semaphore(%arg19 : memref<!tpu.dma_semaphore, #tpu.memory_space<semaphore_mem>>) {add = true}
    }
    %scan3A_27 = arith.constant 31 : i32
    %dma_wait3A = arith.constant 0 : i32
    %dma_wait3A_28 = arith.constant 0 : i32
    %dma_wait3A_29 = tpu.memref_slice %arg2[%arg0, %dma_wait3A, %dma_wait3A_28] : memref<2x10000x128xf32, #tpu.memory_space<hbm>> -> memref<1x10000x128xf32, #tpu.memory_space<hbm>>
    %dma_wait3A_30 = tpu.memref_squeeze %dma_wait3A_29 : memref<1x10000x128xf32, #tpu.memory_space<hbm>> -> memref<10000x128xf32, #tpu.memory_space<hbm>>
    %dma_wait3A_31 = arith.constant 0 : i32
    %dma_wait3A_32 = arith.constant 0 : i32
    %dma_wait3A_33 = tpu.memref_slice %dma_wait3A_30[%dma_wait3A_31, %dma_wait3A_32] : memref<10000x128xf32, #tpu.memory_space<hbm>> -> memref<10000x128xf32, #tpu.memory_space<hbm>>
    tpu.wait_indirect_dma semaphore(%arg12 : memref<!tpu.dma_semaphore, #tpu.memory_space<semaphore_mem>>) src(%dma_wait3A_33 : memref<10000x128xf32, #tpu.memory_space<hbm>>) dst(%arg11 : memref<160x128xf32, #tpu.memory_space<vmem>>)
    %dma_wait3A_34 = arith.constant 0 : i32
    %dma_wait3A_35 = arith.constant 0 : i32
    %dma_wait3A_36 = tpu.memref_slice %arg7[%dma_wait3A_34, %dma_wait3A_35] : memref<10000x128xf32, #tpu.memory_space<vmem_shared>> -> memref<10000x128xf32, #tpu.memory_space<vmem_shared>>
    tpu.wait_indirect_dma semaphore(%arg19 : memref<!tpu.dma_semaphore, #tpu.memory_space<semaphore_mem>>) src(%arg17 : memref<160x128xf32, #tpu.memory_space<vmem>>) dst(%dma_wait3A_36 : memref<10000x128xf32, #tpu.memory_space<vmem_shared>>)
    %parallel_loop3A = arith.constant 0 : i32
    %parallel_loop3A_37 = arith.constant 160 : i32
    %parallel_loop3A_38 = arith.constant 1 : i32
    scf.for %parallel_loop3A_46 = %parallel_loop3A to %parallel_loop3A_37 step %parallel_loop3A_38  : i32 {
      %parallel_loop3A_47 = vector.broadcast %parallel_loop3A_46 : i32 to vector<16xi32>
      %parallel_loop3A_48 = tpu.vector_load_idx %arg10[%parallel_loop3A_47] : memref<160xf32, #tpu.memory_space<vmem>>[vector<16xi32>], vector<16xf32>,
      %parallel_loop3A_49 = arith.index_cast %parallel_loop3A_46 : i32 to index
      %parallel_loop3A_50 = arith.constant 0 : index
      %parallel_loop3A_51 = tpu.vector_load %arg11[%parallel_loop3A_49, %parallel_loop3A_50] {strides = array<i32>} : memref<160x128xf32, #tpu.memory_space<vmem>>, vector<16xf32>,
      %parallel_loop3A_52 = arith.mulf %parallel_loop3A_51, %parallel_loop3A_48 : vector<16xf32>
      %parallel_loop3A_53 = arith.index_cast %parallel_loop3A_46 : i32 to index
      %parallel_loop3A_54 = arith.constant 0 : index
      %parallel_loop3A_55 = tpu.vector_load %arg11[%parallel_loop3A_53, %parallel_loop3A_54] {strides = array<i32>} : memref<160x128xf32, #tpu.memory_space<vmem>>, vector<16xf32>,
      tpu.vector_store %arg11[%parallel_loop3A_53, %parallel_loop3A_54], %parallel_loop3A_52 {strides = array<i32>} : memref<160x128xf32, #tpu.memory_space<vmem>>, vector<16xf32>,
      %parallel_loop3A_56 = arith.index_cast %parallel_loop3A_46 : i32 to index
      %parallel_loop3A_57 = arith.constant 16 : index
      %parallel_loop3A_58 = tpu.vector_load %arg11[%parallel_loop3A_56, %parallel_loop3A_57] {strides = array<i32>} : memref<160x128xf32, #tpu.memory_space<vmem>>, vector<16xf32>,
      %parallel_loop3A_59 = arith.mulf %parallel_loop3A_58, %parallel_loop3A_48 : vector<16xf32>
      %parallel_loop3A_60 = arith.index_cast %parallel_loop3A_46 : i32 to index
      %parallel_loop3A_61 = arith.constant 16 : index
      %parallel_loop3A_62 = tpu.vector_load %arg11[%parallel_loop3A_60, %parallel_loop3A_61] {strides = array<i32>} : memref<160x128xf32, #tpu.memory_space<vmem>>, vector<16xf32>,
      tpu.vector_store %arg11[%parallel_loop3A_60, %parallel_loop3A_61], %parallel_loop3A_59 {strides = array<i32>} : memref<160x128xf32, #tpu.memory_space<vmem>>, vector<16xf32>,
      %parallel_loop3A_63 = arith.index_cast %parallel_loop3A_46 : i32 to index
      %parallel_loop3A_64 = arith.constant 32 : index
      %parallel_loop3A_65 = tpu.vector_load %arg11[%parallel_loop3A_63, %parallel_loop3A_64] {strides = array<i32>} : memref<160x128xf32, #tpu.memory_space<vmem>>, vector<16xf32>,
      %parallel_loop3A_66 = arith.mulf %parallel_loop3A_65, %parallel_loop3A_48 : vector<16xf32>
      %parallel_loop3A_67 = arith.index_cast %parallel_loop3A_46 : i32 to index
      %parallel_loop3A_68 = arith.constant 32 : index
      %parallel_loop3A_69 = tpu.vector_load %arg11[%parallel_loop3A_67, %parallel_loop3A_68] {strides = array<i32>} : memref<160x128xf32, #tpu.memory_space<vmem>>, vector<16xf32>,
      tpu.vector_store %arg11[%parallel_loop3A_67, %parallel_loop3A_68], %parallel_loop3A_66 {strides = array<i32>} : memref<160x128xf32, #tpu.memory_space<vmem>>, vector<16xf32>,
      %parallel_loop3A_70 = arith.index_cast %parallel_loop3A_46 : i32 to index
      %parallel_loop3A_71 = arith.constant 48 : index
      %parallel_loop3A_72 = tpu.vector_load %arg11[%parallel_loop3A_70, %parallel_loop3A_71] {strides = array<i32>} : memref<160x128xf32, #tpu.memory_space<vmem>>, vector<16xf32>,
      %parallel_loop3A_73 = arith.mulf %parallel_loop3A_72, %parallel_loop3A_48 : vector<16xf32>
      %parallel_loop3A_74 = arith.index_cast %parallel_loop3A_46 : i32 to index
      %parallel_loop3A_75 = arith.constant 48 : index
      %parallel_loop3A_76 = tpu.vector_load %arg11[%parallel_loop3A_74, %parallel_loop3A_75] {strides = array<i32>} : memref<160x128xf32, #tpu.memory_space<vmem>>, vector<16xf32>,
      tpu.vector_store %arg11[%parallel_loop3A_74, %parallel_loop3A_75], %parallel_loop3A_73 {strides = array<i32>} : memref<160x128xf32, #tpu.memory_space<vmem>>, vector<16xf32>,
      %parallel_loop3A_77 = arith.index_cast %parallel_loop3A_46 : i32 to index
      %parallel_loop3A_78 = arith.constant 64 : index
      %parallel_loop3A_79 = tpu.vector_load %arg11[%parallel_loop3A_77, %parallel_loop3A_78] {strides = array<i32>} : memref<160x128xf32, #tpu.memory_space<vmem>>, vector<16xf32>,
      %parallel_loop3A_80 = arith.mulf %parallel_loop3A_79, %parallel_loop3A_48 : vector<16xf32>
      %parallel_loop3A_81 = arith.index_cast %parallel_loop3A_46 : i32 to index
      %parallel_loop3A_82 = arith.constant 64 : index
      %parallel_loop3A_83 = tpu.vector_load %arg11[%parallel_loop3A_81, %parallel_loop3A_82] {strides = array<i32>} : memref<160x128xf32, #tpu.memory_space<vmem>>, vector<16xf32>,
      tpu.vector_store %arg11[%parallel_loop3A_81, %parallel_loop3A_82], %parallel_loop3A_80 {strides = array<i32>} : memref<160x128xf32, #tpu.memory_space<vmem>>, vector<16xf32>,
      %parallel_loop3A_84 = arith.index_cast %parallel_loop3A_46 : i32 to index
      %parallel_loop3A_85 = arith.constant 80 : index
      %parallel_loop3A_86 = tpu.vector_load %arg11[%parallel_loop3A_84, %parallel_loop3A_85] {strides = array<i32>} : memref<160x128xf32, #tpu.memory_space<vmem>>, vector<16xf32>,
      %parallel_loop3A_87 = arith.mulf %parallel_loop3A_86, %parallel_loop3A_48 : vector<16xf32>
      %parallel_loop3A_88 = arith.index_cast %parallel_loop3A_46 : i32 to index
      %parallel_loop3A_89 = arith.constant 80 : index
      %parallel_loop3A_90 = tpu.vector_load %arg11[%parallel_loop3A_88, %parallel_loop3A_89] {strides = array<i32>} : memref<160x128xf32, #tpu.memory_space<vmem>>, vector<16xf32>,
      tpu.vector_store %arg11[%parallel_loop3A_88, %parallel_loop3A_89], %parallel_loop3A_87 {strides = array<i32>} : memref<160x128xf32, #tpu.memory_space<vmem>>, vector<16xf32>,
      %parallel_loop3A_91 = arith.index_cast %parallel_loop3A_46 : i32 to index
      %parallel_loop3A_92 = arith.constant 96 : index
      %parallel_loop3A_93 = tpu.vector_load %arg11[%parallel_loop3A_91, %parallel_loop3A_92] {strides = array<i32>} : memref<160x128xf32, #tpu.memory_space<vmem>>, vector<16xf32>,
      %parallel_loop3A_94 = arith.mulf %parallel_loop3A_93, %parallel_loop3A_48 : vector<16xf32>
      %parallel_loop3A_95 = arith.index_cast %parallel_loop3A_46 : i32 to index
      %parallel_loop3A_96 = arith.constant 96 : index
      %parallel_loop3A_97 = tpu.vector_load %arg11[%parallel_loop3A_95, %parallel_loop3A_96] {strides = array<i32>} : memref<160x128xf32, #tpu.memory_space<vmem>>, vector<16xf32>,
      tpu.vector_store %arg11[%parallel_loop3A_95, %parallel_loop3A_96], %parallel_loop3A_94 {strides = array<i32>} : memref<160x128xf32, #tpu.memory_space<vmem>>, vector<16xf32>,
      %parallel_loop3A_98 = arith.index_cast %parallel_loop3A_46 : i32 to index
      %parallel_loop3A_99 = arith.constant 112 : index
      %parallel_loop3A_100 = tpu.vector_load %arg11[%parallel_loop3A_98, %parallel_loop3A_99] {strides = array<i32>} : memref<160x128xf32, #tpu.memory_space<vmem>>, vector<16xf32>,
      %parallel_loop3A_101 = arith.mulf %parallel_loop3A_100, %parallel_loop3A_48 : vector<16xf32>
      %parallel_loop3A_102 = arith.index_cast %parallel_loop3A_46 : i32 to index
      %parallel_loop3A_103 = arith.constant 112 : index
      %parallel_loop3A_104 = tpu.vector_load %arg11[%parallel_loop3A_102, %parallel_loop3A_103] {strides = array<i32>} : memref<160x128xf32, #tpu.memory_space<vmem>>, vector<16xf32>,
      tpu.vector_store %arg11[%parallel_loop3A_102, %parallel_loop3A_103], %parallel_loop3A_101 {strides = array<i32>} : memref<160x128xf32, #tpu.memory_space<vmem>>, vector<16xf32>,
    } {sc.loop_unroll_factor = 8 : i64, sc.parallel_access}
    %dma_start3A_39 = arith.constant 0 : i32
    %dma_start3A_40 = arith.constant 0 : i32
    %dma_start3A_41 = tpu.memref_slice %arg7[%dma_start3A_39, %dma_start3A_40] : memref<10000x128xf32, #tpu.memory_space<vmem_shared>> -> memref<10000x128xf32, #tpu.memory_space<vmem_shared>>
    tpu.enqueue_indirect_dma source(%arg11 : memref<160x128xf32, #tpu.memory_space<vmem>>) target(%dma_start3A_41 : memref<10000x128xf32, #tpu.memory_space<vmem_shared>>) offsets(%arg9 : memref<160xi32, #tpu.memory_space<vmem>>) semaphore(%arg13 : memref<!tpu.dma_semaphore, #tpu.memory_space<semaphore_mem>>) {add = true}
    %dma_wait3A_42 = arith.constant 0 : i32
    %dma_wait3A_43 = arith.constant 0 : i32
    %dma_wait3A_44 = tpu.memref_slice %arg7[%dma_wait3A_42, %dma_wait3A_43] : memref<10000x128xf32, #tpu.memory_space<vmem_shared>> -> memref<10000x128xf32, #tpu.memory_space<vmem_shared>>
    tpu.wait_indirect_dma semaphore(%arg13 : memref<!tpu.dma_semaphore, #tpu.memory_space<semaphore_mem>>) src(%arg11 : memref<160x128xf32, #tpu.memory_space<vmem>>) dst(%dma_wait3A_44 : memref<10000x128xf32, #tpu.memory_space<vmem_shared>>)
    %barrier3A_45 = arith.constant 0 : index
    tpu.barrier barrier_id(%barrier3A_45)
    "tpu.region"() ({
      %run_scoped3A = tpu.sem_alloc : memref<!tpu.dma_semaphore, #tpu.memory_space<semaphore_mem>>
      %dma_start3A_46 = arith.constant 0 : i32
      %dma_start3A_47 = arith.constant 0 : i32
      %dma_start3A_48 = tpu.memref_slice %arg6[%arg0, %dma_start3A_46, %dma_start3A_47] : memref<2x10000x128xf32, #tpu.memory_space<hbm>> -> memref<1x10000x128xf32, #tpu.memory_space<hbm>>
      %dma_start3A_49 = tpu.memref_squeeze %dma_start3A_48 : memref<1x10000x128xf32, #tpu.memory_space<hbm>> -> memref<10000x128xf32, #tpu.memory_space<hbm>>
      %dma_start3A_50 = arith.constant 0 : i32
      %dma_start3A_51 = tpu.memref_slice %dma_start3A_49[%min3A_3, %dma_start3A_50] : memref<10000x128xf32, #tpu.memory_space<hbm>> -> memref<640x128xf32, #tpu.memory_space<hbm>>
      %dma_start3A_52 = arith.constant 0 : i32
      %dma_start3A_53 = tpu.memref_slice %arg7[%min3A_3, %dma_start3A_52] : memref<10000x128xf32, #tpu.memory_space<vmem_shared>> -> memref<640x128xf32, #tpu.memory_space<vmem_shared>>
      tpu.enqueue_dma source(%dma_start3A_53 : memref<640x128xf32, #tpu.memory_space<vmem_shared>>) target(%dma_start3A_51 : memref<640x128xf32, #tpu.memory_space<hbm>>) target_semaphore(%run_scoped3A : memref<!tpu.dma_semaphore, #tpu.memory_space<semaphore_mem>>)
      %dma_wait3A_54 = arith.constant 0 : i32
      %dma_wait3A_55 = arith.constant 0 : i32
      %dma_wait3A_56 = tpu.memref_slice %arg6[%arg0, %dma_wait3A_54, %dma_wait3A_55] : memref<2x10000x128xf32, #tpu.memory_space<hbm>> -> memref<1x10000x128xf32, #tpu.memory_space<hbm>>
      %dma_wait3A_57 = tpu.memref_squeeze %dma_wait3A_56 : memref<1x10000x128xf32, #tpu.memory_space<hbm>> -> memref<10000x128xf32, #tpu.memory_space<hbm>>
      %dma_wait3A_58 = arith.constant 0 : i32
      %dma_wait3A_59 = tpu.memref_slice %dma_wait3A_57[%min3A_3, %dma_wait3A_58] : memref<10000x128xf32, #tpu.memory_space<hbm>> -> memref<640x128xf32, #tpu.memory_space<hbm>>
      %dma_wait3A_60 = arith.constant 0 : i32
      %dma_wait3A_61 = tpu.memref_slice %arg7[%min3A_3, %dma_wait3A_60] : memref<10000x128xf32, #tpu.memory_space<vmem_shared>> -> memref<640x128xf32, #tpu.memory_space<vmem_shared>>
      tpu.wait_dma2 semaphore(%run_scoped3A : memref<!tpu.dma_semaphore, #tpu.memory_space<semaphore_mem>>) src(%dma_wait3A_61 : memref<640x128xf32, #tpu.memory_space<vmem_shared>>) dst(%dma_wait3A_59 : memref<640x128xf32, #tpu.memory_space<hbm>>)
      tpu.yield
    }) : () -> ()
    return
  }
}

module attributes {stable_mosaic.version = 14 : i64} {
  func.func @_pre_body(%arg0: i32, %arg1: memref<2000x1xf32, #tpu.memory_space<vmem>>, %arg2: memref<2000x256xf32, #tpu.memory_space<vmem>>, %arg3: memref<2x2000x128xf32, #tpu.memory_space<vmem>>, %arg4: memref<2000x1xf32, #tpu.memory_space<vmem>>) attributes {dimension_semantics = [#tpu.dimension_semantics<arbitrary>], iteration_bounds = array<i64: 5>, scalar_prefetch = 0 : i64, scratch_operands = 0 : i64, tpu.core_type = #tpu.core_type<tc>, window_params = [{transform_indices = @transform_0, window_bounds = array<i64: 2000, 1>}, {transform_indices = @transform_1, window_bounds = array<i64: 2000, 256>}, {transform_indices = @transform_2, window_bounds = array<i64: 2, 2000, 128>}, {transform_indices = @transform_3, window_bounds = array<i64: 2000, 1>}]} {
    %get3A = arith.constant 0 : index
    %get3A_0 = arith.constant 0 : index
    %get3A_1 = vector.load %arg1[%get3A, %get3A_0] : memref<2000x1xf32, #tpu.memory_space<vmem>>, vector<2000x1xf32>
    %add3A = arith.constant 1.000000e+00 : f32
    %add3A_2 = vector.broadcast %add3A : f32 to vector<2000x1xf32>
    %add3A_3 = arith.addf %add3A_2, %get3A_1 : vector<2000x1xf32>
    %rsqrt3A = math.rsqrt %add3A_3 : vector<2000x1xf32>
    %get3A_4 = arith.constant 0 : index
    %get3A_5 = arith.constant 0 : index
    %get3A_6 = vector.load %arg2[%get3A_4, %get3A_5] : memref<2000x256xf32, #tpu.memory_space<vmem>>, vector<2000x256xf32>
    %mul3A = vector.broadcast %rsqrt3A : vector<2000x1xf32> to vector<2000x256xf32>
    %mul3A_7 = arith.mulf %get3A_6, %mul3A : vector<2000x256xf32>
    %slice3A = vector.extract_strided_slice %mul3A_7 {offsets = [0, 0], sizes = [2000, 128], strides = [1, 1]} : vector<2000x256xf32> to vector<2000x128xf32>
    %swap3A = arith.constant 0 : index
    %swap3A_8 = arith.constant 0 : index
    %swap3A_9 = arith.constant 0 : index
    %swap3A_10 = vector.load %arg3[%swap3A, %swap3A_8, %swap3A_9] : memref<2x2000x128xf32, #tpu.memory_space<vmem>>, vector<1x2000x128xf32>
    %swap3A_11 = vector.shape_cast %swap3A_10 : vector<1x2000x128xf32> to vector<2000x128xf32>
    %swap3A_12 = vector.shape_cast %slice3A : vector<2000x128xf32> to vector<1x2000x128xf32>
    tpu.vector_store %arg3[%swap3A, %swap3A_8, %swap3A_9], %swap3A_12 {strides = array<i32>} : memref<2x2000x128xf32, #tpu.memory_space<vmem>>, vector<1x2000x128xf32>,
    %slice3A_13 = vector.extract_strided_slice %mul3A_7 {offsets = [0, 128], sizes = [2000, 128], strides = [1, 1]} : vector<2000x256xf32> to vector<2000x128xf32>
    %swap3A_14 = arith.constant 1 : index
    %swap3A_15 = arith.constant 0 : index
    %swap3A_16 = arith.constant 0 : index
    %swap3A_17 = vector.load %arg3[%swap3A_14, %swap3A_15, %swap3A_16] : memref<2x2000x128xf32, #tpu.memory_space<vmem>>, vector<1x2000x128xf32>
    %swap3A_18 = vector.shape_cast %swap3A_17 : vector<1x2000x128xf32> to vector<2000x128xf32>
    %swap3A_19 = vector.shape_cast %slice3A_13 : vector<2000x128xf32> to vector<1x2000x128xf32>
    tpu.vector_store %arg3[%swap3A_14, %swap3A_15, %swap3A_16], %swap3A_19 {strides = array<i32>} : memref<2x2000x128xf32, #tpu.memory_space<vmem>>, vector<1x2000x128xf32>,
    %swap3A_20 = arith.constant 0 : index
    %swap3A_21 = arith.constant 0 : index
    %swap3A_22 = vector.load %arg4[%swap3A_20, %swap3A_21] : memref<2000x1xf32, #tpu.memory_space<vmem>>, vector<2000x1xf32>
    tpu.vector_store %arg4[%swap3A_20, %swap3A_21], %rsqrt3A {strides = array<i32>} : memref<2000x1xf32, #tpu.memory_space<vmem>>, vector<2000x1xf32>,
    return
  }
  func.func @transform_0(%arg0: i32) -> (i32, i32) {
    %c0_i32 = arith.constant 0 : i32
    %c0_i32_0 = arith.constant 0 : i32
    return %arg0, %c0_i32 : i32, i32
  }
  func.func @transform_1(%arg0: i32) -> (i32, i32) {
    %c0_i32 = arith.constant 0 : i32
    %c0_i32_0 = arith.constant 0 : i32
    return %arg0, %c0_i32 : i32, i32
  }
  func.func @transform_2(%arg0: i32) -> (i32, i32, i32) {
    %c0_i32 = arith.constant 0 : i32
    %c0_i32_0 = arith.constant 0 : i32
    %c0_i32_1 = arith.constant 0 : i32
    return %c0_i32, %arg0, %c0_i32_0 : i32, i32, i32
  }
  func.func @transform_3(%arg0: i32) -> (i32, i32) {
    %c0_i32 = arith.constant 0 : i32
    %c0_i32_0 = arith.constant 0 : i32
    return %arg0, %c0_i32 : i32, i32
  }
}

module attributes {stable_mosaic.version = 14 : i64} {
  func.func @_tc_body(%arg0: i32, %arg1: memref<2x2000x128xf32, #tpu.memory_space<vmem>>, %arg2: memref<2x2000x128xf32, #tpu.memory_space<vmem>>, %arg3: memref<2000x1xf32, #tpu.memory_space<vmem>>, %arg4: memref<256x512xf32, #tpu.memory_space<vmem>>, %arg5: memref<1x512xf32, #tpu.memory_space<vmem>>, %arg6: memref<1x64xf32, #tpu.memory_space<vmem>>, %arg7: memref<64x512xf32, #tpu.memory_space<vmem>>, %arg8: memref<1x512xf32, #tpu.memory_space<vmem>>, %arg9: memref<1024x512xf32, #tpu.memory_space<vmem>>, %arg10: memref<1x512xf32, #tpu.memory_space<vmem>>, %arg11: memref<512x2xf32, #tpu.memory_space<vmem>>, %arg12: memref<1x2xf32, #tpu.memory_space<vmem>>, %arg13: memref<1x2xf32, #tpu.memory_space<vmem>>, %arg14: memref<1x512xf32, #tpu.memory_space<vmem>>) attributes {dimension_semantics = [#tpu.dimension_semantics<arbitrary>], iteration_bounds = array<i64: 5>, scalar_prefetch = 0 : i64, scratch_operands = 1 : i64, tpu.core_type = #tpu.core_type<tc>, window_params = [{transform_indices = @transform_0, window_bounds = array<i64: 2, 2000, 128>}, {transform_indices = @transform_1, window_bounds = array<i64: 2, 2000, 128>}, {transform_indices = @transform_2, window_bounds = array<i64: 2000, 1>}, {pipeline_mode = #tpu.pipeline_mode<synchronous>, transform_indices = @transform_3, window_bounds = array<i64: 256, 512>}, {pipeline_mode = #tpu.pipeline_mode<synchronous>, transform_indices = @transform_4, window_bounds = array<i64: 1, 512>}, {pipeline_mode = #tpu.pipeline_mode<synchronous>, transform_indices = @transform_5, window_bounds = array<i64: 1, 64>}, {pipeline_mode = #tpu.pipeline_mode<synchronous>, transform_indices = @transform_6, window_bounds = array<i64: 64, 512>}, {pipeline_mode = #tpu.pipeline_mode<synchronous>, transform_indices = @transform_7, window_bounds = array<i64: 1, 512>}, {pipeline_mode = #tpu.pipeline_mode<synchronous>, transform_indices = @transform_8, window_bounds = array<i64: 1024, 512>}, {pipeline_mode = #tpu.pipeline_mode<synchronous>, transform_indices = @transform_9, window_bounds = array<i64: 1, 512>}, {pipeline_mode = #tpu.pipeline_mode<synchronous>, transform_indices = @transform_10, window_bounds = array<i64: 512, 2>}, {pipeline_mode = #tpu.pipeline_mode<synchronous>, transform_indices = @transform_11, window_bounds = array<i64: 1, 2>}, {pipeline_mode = #tpu.pipeline_mode<synchronous>, transform_indices = @transform_12, window_bounds = array<i64: 1, 2>}]} {
    %eq3A = arith.constant 0 : i32
    %eq3A_0 = arith.cmpi eq, %arg0, %eq3A : i32
    %convert_element_type3A = arith.extui %eq3A_0 : i1 to i32
    %cond3A = arith.constant 0 : i32
    %cond3A_1 = arith.cmpi ne, %convert_element_type3A, %cond3A : i32
    scf.if %cond3A_1 {
      %broadcast_in_dim3A_51 = arith.constant 0.000000e+00 : f32
      %broadcast_in_dim3A_52 = vector.broadcast %broadcast_in_dim3A_51 : f32 to vector<1x512xf32>
      %swap3A_53 = arith.constant 0 : index
      %swap3A_54 = arith.constant 0 : index
      %swap3A_55 = vector.load %arg14[%swap3A_53, %swap3A_54] : memref<1x512xf32, #tpu.memory_space<vmem>>, vector<1x512xf32>
      tpu.vector_store %arg14[%swap3A_53, %swap3A_54], %broadcast_in_dim3A_52 {strides = array<i32>} : memref<1x512xf32, #tpu.memory_space<vmem>>, vector<1x512xf32>,
    } else {
    }
    %get3A = arith.constant 0 : index
    %get3A_2 = arith.constant 0 : index
    %get3A_3 = vector.load %arg3[%get3A, %get3A_2] : memref<2000x1xf32, #tpu.memory_space<vmem>>, vector<2000x1xf32>
    %get3A_4 = arith.constant 0 : index
    %get3A_5 = arith.constant 0 : index
    %get3A_6 = arith.constant 0 : index
    %get3A_7 = vector.load %arg1[%get3A_4, %get3A_5, %get3A_6] : memref<2x2000x128xf32, #tpu.memory_space<vmem>>, vector<1x2000x128xf32>
    %get3A_8 = vector.shape_cast %get3A_7 : vector<1x2000x128xf32> to vector<2000x128xf32>
    %get3A_9 = arith.constant 0 : index
    %get3A_10 = arith.constant 0 : index
    %get3A_11 = arith.constant 0 : index
    %get3A_12 = vector.load %arg2[%get3A_9, %get3A_10, %get3A_11] : memref<2x2000x128xf32, #tpu.memory_space<vmem>>, vector<1x2000x128xf32>
    %get3A_13 = vector.shape_cast %get3A_12 : vector<1x2000x128xf32> to vector<2000x128xf32>
    %add3A = arith.addf %get3A_8, %get3A_13 : vector<2000x128xf32>
    %get3A_14 = arith.constant 1 : index
    %get3A_15 = arith.constant 0 : index
    %get3A_16 = arith.constant 0 : index
    %get3A_17 = vector.load %arg1[%get3A_14, %get3A_15, %get3A_16] : memref<2x2000x128xf32, #tpu.memory_space<vmem>>, vector<1x2000x128xf32>
    %get3A_18 = vector.shape_cast %get3A_17 : vector<1x2000x128xf32> to vector<2000x128xf32>
    %get3A_19 = arith.constant 1 : index
    %get3A_20 = arith.constant 0 : index
    %get3A_21 = arith.constant 0 : index
    %get3A_22 = vector.load %arg2[%get3A_19, %get3A_20, %get3A_21] : memref<2x2000x128xf32, #tpu.memory_space<vmem>>, vector<1x2000x128xf32>
    %get3A_23 = vector.shape_cast %get3A_22 : vector<1x2000x128xf32> to vector<2000x128xf32>
    %add3A_24 = arith.addf %get3A_18, %get3A_23 : vector<2000x128xf32>
    %concatenate3A = tpu.concatenate %add3A, %add3A_24 in 1 : vector<2000x128xf32>, vector<2000x128xf32> -> vector<2000x256xf32>
    %mul3A = vector.broadcast %get3A_3 : vector<2000x1xf32> to vector<2000x256xf32>
    %mul3A_25 = arith.mulf %mul3A, %concatenate3A : vector<2000x256xf32>
    %convert_element_type3A_26 = arith.truncf %mul3A_25 : vector<2000x256xf32> to vector<2000x256xbf16>
    %get3A_27 = arith.constant 0 : index
    %get3A_28 = arith.constant 0 : index
    %get3A_29 = vector.load %arg4[%get3A_27, %get3A_28] : memref<256x512xf32, #tpu.memory_space<vmem>>, vector<256x512xf32>
    %convert_element_type3A_30 = arith.truncf %get3A_29 : vector<256x512xf32> to vector<256x512xbf16>
    %dot_general3A = arith.constant dense<0.000000e+00> : vector<2000x512xf32>
    %dot_general3A_31 = tpu.matmul %convert_element_type3A_26, %convert_element_type3A_30, %dot_general3A {dimension_numbers = #tpu.dot_dimension_numbers<[1], [0], [0], [1], [0, 0, 1, 1], [], []>, transpose_lhs_hint = false} : vector<2000x256xbf16>, vector<256x512xbf16>, vector<2000x512xf32> -> vector<2000x512xf32>
    %get3A_32 = arith.constant 0 : index
    %get3A_33 = arith.constant 0 : index
    %get3A_34 = vector.load %arg5[%get3A_32, %get3A_33] : memref<1x512xf32, #tpu.memory_space<vmem>>, vector<1x512xf32>
    %add3A_35 = vector.broadcast %get3A_34 : vector<1x512xf32> to vector<2000x512xf32>
    %add3A_36 = arith.addf %dot_general3A_31, %add3A_35 : vector<2000x512xf32>
    %max3A = arith.constant 0.000000e+00 : f32
    %max3A_37 = vector.broadcast %max3A : f32 to vector<2000x512xf32>
    %max3A_38 = arith.maximumf %add3A_36, %max3A_37 : vector<2000x512xf32>
    %get3A_39 = arith.constant 0 : index
    %get3A_40 = arith.constant 0 : index
    %get3A_41 = vector.load %arg14[%get3A_39, %get3A_40] : memref<1x512xf32, #tpu.memory_space<vmem>>, vector<1x512xf32>
    %reduce_sum3A = arith.constant dense<0.000000e+00> : vector<512xf32>
    %reduce_sum3A_42 = vector.multi_reduction <add>, %max3A_38, %reduce_sum3A [0] : vector<2000x512xf32> to vector<512xf32>
    %broadcast_in_dim3A = vector.shape_cast %reduce_sum3A_42 : vector<512xf32> to vector<1x512xf32>
    %add3A_43 = arith.addf %get3A_41, %broadcast_in_dim3A : vector<1x512xf32>
    %swap3A = arith.constant 0 : index
    %swap3A_44 = arith.constant 0 : index
    %swap3A_45 = vector.load %arg14[%swap3A, %swap3A_44] : memref<1x512xf32, #tpu.memory_space<vmem>>, vector<1x512xf32>
    tpu.vector_store %arg14[%swap3A, %swap3A_44], %add3A_43 {strides = array<i32>} : memref<1x512xf32, #tpu.memory_space<vmem>>, vector<1x512xf32>,
    %eq3A_46 = arith.constant 4 : i32
    %eq3A_47 = arith.cmpi eq, %arg0, %eq3A_46 : i32
    %convert_element_type3A_48 = arith.extui %eq3A_47 : i1 to i32
    %cond3A_49 = arith.constant 0 : i32
    %cond3A_50 = arith.cmpi ne, %convert_element_type3A_48, %cond3A_49 : i32
    scf.if %cond3A_50 {
      %get3A_51 = arith.constant 0 : index
      %get3A_52 = arith.constant 0 : index
      %get3A_53 = vector.load %arg14[%get3A_51, %get3A_52] : memref<1x512xf32, #tpu.memory_space<vmem>>, vector<1x512xf32>
      %div3A = arith.constant 1.000000e+04 : f32
      %div3A_54 = vector.broadcast %div3A : f32 to vector<1x512xf32>
      %div3A_55 = arith.divf %get3A_53, %div3A_54 : vector<1x512xf32>
      %get3A_56 = arith.constant 0 : index
      %get3A_57 = arith.constant 0 : index
      %get3A_58 = vector.load %arg6[%get3A_56, %get3A_57] : memref<1x64xf32, #tpu.memory_space<vmem>>, vector<1x64xf32>
      %get3A_59 = arith.constant 0 : index
      %get3A_60 = arith.constant 0 : index
      %get3A_61 = vector.load %arg7[%get3A_59, %get3A_60] : memref<64x512xf32, #tpu.memory_space<vmem>>, vector<64x512xf32>
      %dot_general3A_62 = arith.constant dense<0.000000e+00> : vector<1x512xf32>
      %dot_general3A_63 = tpu.matmul %get3A_58, %get3A_61, %dot_general3A_62 {dimension_numbers = #tpu.dot_dimension_numbers<[1], [0], [0], [1], [0, 0, 1, 1], [], []>, transpose_lhs_hint = false} : vector<1x64xf32>, vector<64x512xf32>, vector<1x512xf32> -> vector<1x512xf32>
      %get3A_64 = arith.constant 0 : index
      %get3A_65 = arith.constant 0 : index
      %get3A_66 = vector.load %arg8[%get3A_64, %get3A_65] : memref<1x512xf32, #tpu.memory_space<vmem>>, vector<1x512xf32>
      %add3A_67 = arith.addf %dot_general3A_63, %get3A_66 : vector<1x512xf32>
      %max3A_68 = arith.constant 0.000000e+00 : f32
      %max3A_69 = vector.broadcast %max3A_68 : f32 to vector<1x512xf32>
      %max3A_70 = arith.maximumf %add3A_67, %max3A_69 : vector<1x512xf32>
      %concatenate3A_71 = tpu.concatenate %div3A_55, %max3A_70 in 1 : vector<1x512xf32>, vector<1x512xf32> -> vector<1x1024xf32>
      %get3A_72 = arith.constant 0 : index
      %get3A_73 = arith.constant 0 : index
      %get3A_74 = vector.load %arg9[%get3A_72, %get3A_73] : memref<1024x512xf32, #tpu.memory_space<vmem>>, vector<1024x512xf32>
      %dot_general3A_75 = arith.constant dense<0.000000e+00> : vector<1x512xf32>
      %dot_general3A_76 = tpu.matmul %concatenate3A_71, %get3A_74, %dot_general3A_75 {dimension_numbers = #tpu.dot_dimension_numbers<[1], [0], [0], [1], [0, 0, 1, 1], [], []>, transpose_lhs_hint = false} : vector<1x1024xf32>, vector<1024x512xf32>, vector<1x512xf32> -> vector<1x512xf32>
      %get3A_77 = arith.constant 0 : index
      %get3A_78 = arith.constant 0 : index
      %get3A_79 = vector.load %arg10[%get3A_77, %get3A_78] : memref<1x512xf32, #tpu.memory_space<vmem>>, vector<1x512xf32>
      %add3A_80 = arith.addf %dot_general3A_76, %get3A_79 : vector<1x512xf32>
      %max3A_81 = arith.constant 0.000000e+00 : f32
      %max3A_82 = vector.broadcast %max3A_81 : f32 to vector<1x512xf32>
      %max3A_83 = arith.maximumf %add3A_80, %max3A_82 : vector<1x512xf32>
      %get3A_84 = arith.constant 0 : index
      %get3A_85 = arith.constant 0 : index
      %get3A_86 = vector.load %arg11[%get3A_84, %get3A_85] : memref<512x2xf32, #tpu.memory_space<vmem>>, vector<512x2xf32>
      %dot_general3A_87 = arith.constant dense<0.000000e+00> : vector<1x2xf32>
      %dot_general3A_88 = tpu.matmul %max3A_83, %get3A_86, %dot_general3A_87 {dimension_numbers = #tpu.dot_dimension_numbers<[1], [0], [0], [1], [0, 0, 1, 1], [], []>, transpose_lhs_hint = false} : vector<1x512xf32>, vector<512x2xf32>, vector<1x2xf32> -> vector<1x2xf32>
      %get3A_89 = arith.constant 0 : index
      %get3A_90 = arith.constant 0 : index
      %get3A_91 = vector.load %arg12[%get3A_89, %get3A_90] : memref<1x2xf32, #tpu.memory_space<vmem>>, vector<1x2xf32>
      %add3A_92 = arith.addf %dot_general3A_88, %get3A_91 : vector<1x2xf32>
      %reduce_max3A = arith.constant dense<0xFF800000> : vector<1xf32>
      %reduce_max3A_93 = vector.multi_reduction <maximumf>, %add3A_92, %reduce_max3A [1] : vector<1x2xf32> to vector<1xf32>
      %broadcast_in_dim3A_94 = vector.shape_cast %reduce_max3A_93 : vector<1xf32> to vector<1x1xf32>
      %sub3A = vector.broadcast %broadcast_in_dim3A_94 : vector<1x1xf32> to vector<1x2xf32>
      %sub3A_95 = arith.subf %add3A_92, %sub3A : vector<1x2xf32>
      %exp3A = math.exp %sub3A_95 : vector<1x2xf32>
      %reduce_sum3A_96 = arith.constant dense<0.000000e+00> : vector<1xf32>
      %reduce_sum3A_97 = vector.multi_reduction <add>, %exp3A, %reduce_sum3A_96 [1] : vector<1x2xf32> to vector<1xf32>
      %broadcast_in_dim3A_98 = vector.shape_cast %reduce_sum3A_97 : vector<1xf32> to vector<1x1xf32>
      %log3A = math.log %broadcast_in_dim3A_98 : vector<1x1xf32>
      %add3A_99 = arith.addf %broadcast_in_dim3A_94, %log3A : vector<1x1xf32>
      %sub3A_100 = vector.broadcast %add3A_99 : vector<1x1xf32> to vector<1x2xf32>
      %sub3A_101 = arith.subf %add3A_92, %sub3A_100 : vector<1x2xf32>
      %swap3A_102 = arith.constant 0 : index
      %swap3A_103 = arith.constant 0 : index
      %swap3A_104 = vector.load %arg13[%swap3A_102, %swap3A_103] : memref<1x2xf32, #tpu.memory_space<vmem>>, vector<1x2xf32>
      tpu.vector_store %arg13[%swap3A_102, %swap3A_103], %sub3A_101 {strides = array<i32>} : memref<1x2xf32, #tpu.memory_space<vmem>>, vector<1x2xf32>,
    } else {
    }
    return
  }
  func.func @transform_0(%arg0: i32) -> (i32, i32, i32) {
    %c0_i32 = arith.constant 0 : i32
    %c0_i32_0 = arith.constant 0 : i32
    %c0_i32_1 = arith.constant 0 : i32
    return %c0_i32, %arg0, %c0_i32_0 : i32, i32, i32
  }
  func.func @transform_1(%arg0: i32) -> (i32, i32, i32) {
    %c0_i32 = arith.constant 0 : i32
    %c0_i32_0 = arith.constant 0 : i32
    %c0_i32_1 = arith.constant 0 : i32
    return %c0_i32, %arg0, %c0_i32_0 : i32, i32, i32
  }
  func.func @transform_2(%arg0: i32) -> (i32, i32) {
    %c0_i32 = arith.constant 0 : i32
    %c0_i32_0 = arith.constant 0 : i32
    return %arg0, %c0_i32 : i32, i32
  }
  func.func @transform_3(%arg0: i32) -> (i32, i32) {
    %c0_i32 = arith.constant 0 : i32
    %c0_i32_0 = arith.constant 0 : i32
    %c0_i32_1 = arith.constant 0 : i32
    return %c0_i32, %c0_i32_0 : i32, i32
  }
  func.func @transform_4(%arg0: i32) -> (i32, i32) {
    %c0_i32 = arith.constant 0 : i32
    %c0_i32_0 = arith.constant 0 : i32
    %c0_i32_1 = arith.constant 0 : i32
    return %c0_i32, %c0_i32_0 : i32, i32
  }
  func.func @transform_5(%arg0: i32) -> (i32, i32) {
    %c0_i32 = arith.constant 0 : i32
    %c0_i32_0 = arith.constant 0 : i32
    %c0_i32_1 = arith.constant 0 : i32
    return %c0_i32, %c0_i32_0 : i32, i32
  }
  func.func @transform_6(%arg0: i32) -> (i32, i32) {
    %c0_i32 = arith.constant 0 : i32
    %c0_i32_0 = arith.constant 0 : i32
    %c0_i32_1 = arith.constant 0 : i32
    return %c0_i32, %c0_i32_0 : i32, i32
  }
  func.func @transform_7(%arg0: i32) -> (i32, i32) {
    %c0_i32 = arith.constant 0 : i32
    %c0_i32_0 = arith.constant 0 : i32
    %c0_i32_1 = arith.constant 0 : i32
    return %c0_i32, %c0_i32_0 : i32, i32
  }
  func.func @transform_8(%arg0: i32) -> (i32, i32) {
    %c0_i32 = arith.constant 0 : i32
    %c0_i32_0 = arith.constant 0 : i32
    %c0_i32_1 = arith.constant 0 : i32
    return %c0_i32, %c0_i32_0 : i32, i32
  }
  func.func @transform_9(%arg0: i32) -> (i32, i32) {
    %c0_i32 = arith.constant 0 : i32
    %c0_i32_0 = arith.constant 0 : i32
    %c0_i32_1 = arith.constant 0 : i32
    return %c0_i32, %c0_i32_0 : i32, i32
  }
  func.func @transform_10(%arg0: i32) -> (i32, i32) {
    %c0_i32 = arith.constant 0 : i32
    %c0_i32_0 = arith.constant 0 : i32
    %c0_i32_1 = arith.constant 0 : i32
    return %c0_i32, %c0_i32_0 : i32, i32
  }
  func.func @transform_11(%arg0: i32) -> (i32, i32) {
    %c0_i32 = arith.constant 0 : i32
    %c0_i32_0 = arith.constant 0 : i32
    %c0_i32_1 = arith.constant 0 : i32
    return %c0_i32, %c0_i32_0 : i32, i32
  }
  func.func @transform_12(%arg0: i32) -> (i32, i32) {
    %c0_i32 = arith.constant 0 : i32
    %c0_i32_0 = arith.constant 0 : i32
    %c0_i32_1 = arith.constant 0 : i32
    return %c0_i32, %c0_i32_0 : i32, i32
  }
}

</mosaic_0001>

<sc_bundles>
// kernel: kernel.6.cloned.1.call-start
scs
__scs_entry_jumppad:
0x0: {  	(pc) =	sbr.rel $0x88, $3  }
0x1: {  	(tag) =	ssettag $0x0;
	lr =	simm.s32 $0x1  }
0x2: {  	[smem:$0x3F95] =	sst lr;
	_ =	strace $0xD0000000  }
0x3: {  	_ = 	snop  }
0x4: {  	_ = 	snop  }
0x5: {  	_ = 	snop  }
0x6: {  	_ = 	snop  }
0x7: {  	_ = 	snop  }
__scs_overlays_trampoline_lowered:
0x8: {  	[smem:$0x3FA4] =	sst s0  }
0x9: {  	[smem:$0x3FA5] =	sst s1  }
0xa: {  	[smem:$0x3FA6] =	sst s2  }
0xb: {  	[smem:$0x3FA7] =	sst s3  }
0xc: {  	[smem:$0x3FA8] =	sst s4  }
0xd: {  	[smem:$0x3FA9] =	sst s5  }
0xe: {  	[smem:$0x3FAA] =	sst s6  }
0xf: {  	[smem:$0x3FAB] =	sst s7  }
0x10: {  	[smem:$0x3FAC] =	sst s8  }
0x11: {  	[smem:$0x3FAD] =	sst s9;
	s0 =	simm.s32 @!p0 $0x0  }
0x12: {  	s1 =	sld [smem:$0x3F93];
	s0 =	simm.s32 @p0 $0x1  }
0x13: {  	[smem:$0x3FAE] =	sst s0;
	s0 =	simm.s32 @!p1 $0x0  }
0x14: {  	s2 =	sld [smem:$0x3F92];
	s0 =	simm.s32 @p1 $0x1  }
0x15: {  	[smem:$0x3FAF] =	sst s0;
	s0 =	simm.s32 @!p2 $0x0  }
0x16: {  	s3 =	sld [smem:$0x3FDB];
	s0 =	simm.s32 @p2 $0x1  }
0x17: {  	s4 =	simm.s32 $0x1BF5;
	[smem:$0x3FB1] =	sst s0  }
0x18: {  	s0 =	sld [smem:$0x3F94];
	_ =	swait.ge [sflag:s4], $0x0  }
0x19: {  	s7 =	sld [smem:$0x3F95]  }
0x1a: {  	s8 =	sadd.s32 $0xFFFFE003, lr  }
0x1b: {  	s9 =	sadd.s32 $0xFFFFFEF7, lr;
	s5 =	simm.s32 $0xFFFFFFFF;
	p2 =	slt.u32 s8, $0xFFFFF086  }
0x1c: {  	p1 =	slt.u32 s9, $0xF7A;
	s5 =	simm.s32 @!p2 $0x0  }
0x1d: {  	s5 =	simm.s32 @p1 $0x1;
	p0 =	seq.s32 s7, s2  }
0x1e: {  	s7 =	smul.u32 @!p0 $0xF7A, s2;
	p2 =	seq.s32 @!p0 s5, $0x0  }
0x1f: {  	s9 =	smul.u32 $0xF7A, s1;
	s8 =	simm.s32 @!p0 $0x1BF5;
	p2 =	por !p2, p0  }
0x20: {  	[sflag:s8] =	ssyncset.s32 @!p0 $0xFFFFF086;
	s6 =	sadd.s32 @!p0 s3, s7;
	s7 =	simm.s32 @!p0 $0x108  }
0x21: {  	s3 =	sadd.s32 s3, s9;
	s6 =	sadd.s32 @!p0 $0x88, s6;
	s7 =	simm.s32 @p2 $0x1082  }
0x22: {  	[simem:s7], [sflag:s8] =	dma.local @!p0 [hbm:s6], $0xF7A  }
0x23: {  	s9 =	sor.u32 $0xD0000000, s2;
	s6 =	simm.s32 $0x108;
	_ =	swait.ge @!p0 [sflag:s8], $0x0  }
0x24: {  	s3 =	sadd.s32 $0x88, s3;
	s6 =	simm.s32 @!p1 $0x1082;
	[sflag:s4] =	ssyncset.s32 $0xFFFFF086  }
0x25: {  	[simem:s6], [sflag:s4] =	dma.local [hbm:s3], $0xF7A  }
0x26: {  	[smem:$0x3F95] =	sst s1;
	(tag) =	ssettag s2;
	_ =	strace s9  }
0x27: {  	s1 =	sld [smem:$0x3FA5]  }
0x28: {  	s2 =	sld [smem:$0x3FA6]  }
0x29: {  	s4 =	sld [smem:$0x3FA8]  }
0x2a: {  	p0 =	seq.s32 s5, $0x0;
	s5 =	sld [smem:$0x3FA9]  }
0x2b: {  	s6 =	sld [smem:$0x3FAA]  }
0x2c: {  	s7 =	sld [smem:$0x3FAB]  }
0x2d: {  	s3 =	simm.s32 $0x108;
	s8 =	sld [smem:$0x3FAC]  }
0x2e: {  	s3 =	simm.s32 @!p0 $0x1082;
	s9 =	sld [smem:$0x3FAD]  }
0x2f: {  	lr =	sadd.s32 s0, s3;
	s0 =	sld [smem:$0x3FA4]  }
0x30: {  	s3 =	sld [smem:$0x3FA7]  }
0x31: {  	[smem:$0x3FB0] =	sst s10  }
0x32: {  	s10 =	sld [smem:$0x3FAE];
	_ =	sdelay $0x3  }
0x33: {  	p0 =	seq.s32 s10, $0x1;
	s10 =	sld [smem:$0x3FB0];
	_ =	sdelay $0x3  }
0x34: {  	[smem:$0x3FB0] =	sst s10  }
0x35: {  	s10 =	sld [smem:$0x3FAF];
	_ =	sdelay $0x3  }
0x36: {  	p1 =	seq.s32 s10, $0x1;
	s10 =	sld [smem:$0x3FB0];
	_ =	sdelay $0x3  }
0x37: {  	[smem:$0x3FB0] =	sst s10  }
0x38: {  	s10 =	sld [smem:$0x3FB1]  }
0x39: {  	_ = 	snop;
	(pc) =	sbr.ind lr, $3  }
0x3a: {  	_ = 	snop  }
0x3b: {  	_ = 	snop  }
0x3c: {  	p2 =	seq.s32 s10, $0x1;
	s10 =	sld [smem:$0x3FB0]  }
0x3d: {  	_ =	shalt  }
0x3e: {  	_ =	shalt  }
0x3f: {  	_ =	shalt  }
0x40: {  	_ =	shalt  }
0x41: {  	_ =	shalt  }
0x42: {  	_ =	shalt  }
0x43: {  	_ =	shalt  }
0x44: {  	_ =	shalt  }
0x45: {  	_ =	shalt  }
0x46: {  	_ =	shalt  }
0x47: {  	_ =	shalt  }
0x48: {  	_ =	shalt  }
0x49: {  	_ =	shalt  }
0x4a: {  	_ =	shalt  }
0x4b: {  	_ =	shalt  }
0x4c: {  	_ =	shalt  }
0x4d: {  	_ =	shalt  }
0x4e: {  	_ =	shalt  }
0x4f: {  	_ =	shalt  }
0x50: {  	_ =	shalt  }
0x51: {  	_ =	shalt  }
0x52: {  	_ =	shalt  }
0x53: {  	_ =	shalt  }
0x54: {  	_ =	shalt  }
0x55: {  	_ =	shalt  }
0x56: {  	_ =	shalt  }
0x57: {  	_ =	shalt  }
0x58: {  	_ =	shalt  }
0x59: {  	_ =	shalt  }
0x5a: {  	_ =	shalt  }
0x5b: {  	_ =	shalt  }
0x5c: {  	_ =	shalt  }
0x5d: {  	_ =	shalt  }
0x5e: {  	_ =	shalt  }
0x5f: {  	_ =	shalt  }
0x60: {  	_ =	shalt  }
0x61: {  	_ =	shalt  }
0x62: {  	_ =	shalt  }
0x63: {  	_ =	shalt  }
0x64: {  	_ =	shalt  }
0x65: {  	_ =	shalt  }
0x66: {  	_ =	shalt  }
0x67: {  	_ =	shalt  }
0x68: {  	_ =	shalt  }
0x69: {  	_ =	shalt  }
0x6a: {  	_ =	shalt  }
0x6b: {  	_ =	shalt  }
0x6c: {  	_ =	shalt  }
0x6d: {  	_ =	shalt  }
0x6e: {  	_ =	shalt  }
0x6f: {  	_ =	shalt  }
0x70: {  	_ =	shalt  }
0x71: {  	_ =	shalt  }
0x72: {  	_ =	shalt  }
0x73: {  	_ =	shalt  }
0x74: {  	_ =	shalt  }
0x75: {  	_ =	shalt  }
0x76: {  	_ =	shalt  }
0x77: {  	_ =	shalt  }
0x78: {  	_ =	shalt  }
0x79: {  	_ =	shalt  }
0x7a: {  	_ =	shalt  }
0x7b: {  	_ =	shalt  }
0x7c: {  	_ =	shalt  }
0x7d: {  	_ =	shalt  }
0x7e: {  	_ =	shalt  }
0x7f: {  	_ =	shalt  }
0x80: {  	_ =	shalt  }
0x81: {  	_ =	shalt  }
0x82: {  	_ =	shalt  }
0x83: {  	_ =	shalt  }
0x84: {  	_ =	shalt  }
0x85: {  	_ =	shalt  }
0x86: {  	_ =	shalt  }
0x87: {  	_ =	shalt  }
.Lfunc_end0:
.L_simem_size_0:
called_computation_lowered:
.L_overlay_start_0:
0x88: {  	s2 =	sld [smem:$0x3FD9]  }
0x89: {  	s3 =	sld [smem:$0x3FFE];
	_ =	sdelay $0x1  }
0x8a: {  	s1 =	srdreg.scid  }
0x8b: {  	s0 =	sand.u32 $0x1, s1  }
0x8c: {  	s17 =	sshll.u32 s0, $0xA;
	s2 =	sadd.s32 s3, s2  }
0x8d: {  	s2 =	sadd.s32 s2, s17  }
0x8e: {  	[smem:$0x3FBC] =	sst s2  }
0x8f: {  	_ = 	snop  }
0x90: {  	s2 =	sld [smem:$0x3FC7];
	(tm) =	ssettm $0x1  }
0x91: {  	s18 =	sld [smem:$0x3FFB];
	_ =	sdelay $0x3  }
0x92: {  	_ =	strace s18  }
0x93: {  	s3 =	sld [smem:$0x3FFC];
	_ =	sdelay $0x3  }
0x94: {  	_ =	strace s3  }
0x95: {  	s3 =	sld [smem:$0x3FFD];
	_ =	sdelay $0x3  }
0x96: {  	_ =	strace s3  }
0x97: {  	_ =	strace $0x8FFFFFFF  }
0x98: {  	s19 =	sld [smem:$0x3FDB];
	_ =	sdelay $0x1  }
0x99: {  	s4 =	simm.s32 $_scs_section_size  }
0x9a: {  	s5 =	simm.s32 $_size__tile_overlayer_lowered;
	s6 =	simm.s32 $_tile_overlayer_lowered  }
0x9b: {  	s22 =	simm.s32 $0x1BFF;
	s21 =	sshll.u32 s6, $0x1;
	s3 =	sadd.s32 s4, s19  }
0x9c: {  	s7 =	simm.s32 $0x0;
	s20 =	sshll.u32 s5, $0x1;
	s5 =	sadd.s32 s21, s3  }
0x9d: {  	[timem:s7], [sflag:s22] =	dma.local [hbm:s5], s20  }
0x9e: {  	_ =	swait.ge [sflag:s22], s20  }
0x9f: {  	s4 =	ssub.s32 $0x0, s20;
	[sflag:s22] =	ssyncset.done $0x0  }
0xa0: {  	[sflag:s22] =	ssyncadd.s32 s4;
	_ =	sdelay $0x1  }
0xa1: {  	s23 =	simm.s32 $0x1B8B  }
0xa2: {  	_ =	swait.ge [sflag:s23], $0x1  }
0xa3: {  	[sflag:s23] =	ssyncset.done $0x0  }
0xa4: {  	s25 =	simm.s32 $0x1B8E;
	s24 =	sld [smem:$0x3FFE];
	[sflag:s23] =	ssyncadd.s32 $0xFFFFFFFF  }
0xa5: {  	s26 =	simm.s32 $execute0_lowered;
	[smem:$0x3FD2] =	sst s25  }
0xa6: {  	s5 =	sshll.u32 s26, $0x1;
	_ =	strace $0x80000046;
	[dreg:$0x1] =	wrdreg $0xFFFFFFFF  }
0xa7: {  	s28 =	simm.s32 $_size_execute0_lowered;
	s3 =	sadd.s32 s3, s5;
	[dreg:$0x0] =	wrdreg $0x0  }
0xa8: {  	s5 =	sshll.u32 s28, $0x1;
	[dreg:$0x2] =	wrdreg s3  }
0xa9: {  	[dreg:$0x3] =	wrdreg s5  }
0xaa: {  	[dreg:$0x4] =	wrdreg $0xC0  }
0xab: {  	_ =	task [dreg:s7], $0x5FFFF  }
0xac: {  	[dreg:$0x1] =	wrdreg $0xFFFFFFFF  }
0xad: {  	[dreg:$0x0] =	wrdreg $0x60  }
0xae: {  	[dreg:$0x2] =	wrdreg s24  }
0xaf: {  	[dreg:$0x3] =	wrdreg s2  }
0xb0: {  	[dreg:$0x4] =	wrdreg $0x0  }
0xb1: {  	[dreg:$0x5] =	wrdreg $0x9  }
0xb2: {  	_ =	task.clear_ibuf [dreg:s7], $0x6FFFF;
	_ =	strace $0x90000046  }
0xb3: {  	s29 =	simm.s32 $0x9;
	_ =	strace $0x80000048  }
0xb4: {  	_ =	swait.ge [sflag:s29], $0x1  }
0xb5: {  	[sflag:s29] =	ssyncadd.s32 $0xFFFFFFFF  }
0xb6: {  	_ =	strace $0x90000048  }
0xb7: {  	_ =	sfence  }
0xb8: {  	s30 =	sld [smem:$0x0];
	_ =	sdelay $0x2  }
0xb9: {  	s31 =	sshll.u32 s1, $0xD;
	s1 =	sshrl.u32 s1, $0x2  }
0xba: {  	s3 =	sand.u32 $0x4000, s31;
	s1 =	sadd.s32 s1, s30  }
0xbb: {  	s0 =	sor.u32 s3, s0;
	s1 =	sshll.u32 s1, $0x11  }
0xbc: {  	s0 =	sor.u32 s1, s0  }
0xbd: {  	s0 =	sadd.s32 $0x8F2B, s0  }
0xbe: {  	[sflag:s0] =	ssyncadd.remote.s32 $0x1  }
0xbf: {  	_ =	sfence.sel $0xFFFF  }
0xc0: {  	[dreg:$0x0] =	wrdreg $0xFFFFFFFF;
	(pc) =	sbr.abs _section_cstart, $3  }
0xc1: {  	[dreg:$0x1] =	wrdreg $0xFFFFFFFF  }
0xc2: {  	_ =	task.clear_ibuf [dreg:s7], $0x2FFFF;
	_ =	strace $0x9FFFFFFF  }
0xc3: {  	(tm) =	ssettm $0x7FFFFFFF  }
tec
execute0_lowered:
.L_overlay_start_1:
0x0: {  	(tag) =	ssettag $0x1  }
0x1: {  	s4 =	rddreg [dreg:$0x0]  }
0x2: {  	s7 =	rddreg [dreg:$0x1]  }
0x3: {  	s2 =	rddreg [dreg:$0x2]  }
0x4: {  	s0 =	rddreg [dreg:$0x3];
	s1 =	stileid.u32  }
0x5: {  	s3 =	simm.s32 $0x0;
	s6 =	srdreg.scid;
	s13 =	simm.s32 $0x3E8  }
0x6: {  	s14 =	simm.s32 $0x0;
	s5 =	smul.u32 $0x280, s1;
	s9 =	sand.u32 $0x1, s6  }
0x7: {  	[smem:$0x7FF] =	sst s3;
	s8 =	smul.u32 $0x4E2, s1;
	s6 =	ssub.s32 $0x2, s9  }
0x8: {  	_ =	strace $0x80000047;
	p0 =	sne.s32 s9, $0x0;
	s9 =	simm.s32 $0x278  }
.Ltmp0:
0x9: {  	s5 =	smin.u32 s5, $0x2490;
	s11 =	sshrl.u32 s6, $0x1;
	(pc) =	sbr.rel .LBB2_1-.Ltmp0, $4  }
0xa: {  	s12 =	sadd.s32 s8, s4;
	s7 =	sadd.s32 s8, s7;
	s10 =	sshrl.u32 s5, $0x3  }
0xb: {  	s6 =	ssub.s32 s6, s11;
	s8 =	sadd.s32 $0x1A00, s12;
	s11 =	simm.s32 $0x4F8  }
0xc: {  	s12 =	simm.s32 $0x8F8;
	s10 =	sadd.s32 s10, s4;
	s4 =	sadd.s32 s5, s2  }
0xd: {  	v0 =	vimm.f32 $0.0e+00;
	s6 =	smax.u32 s6, $0x1;
	s5 =	sadd.s32 $0x6A00, s10;
	s10 =	simm.s32 $0x1  }
.LBB2_7:
0xe: {  	[bflag:$0x0] =	sbarrier.arrive $0xFFFF  }
0xf: {  	[bflag:$0x0] =	sbarrier.arrive $0xFFFF  }
.LBB2_5:
0x10: {  	s14 =	sadd.s32 $0x1, s14  }
0x11: {  	p1 =	sne.s32 s14, s6  }
.Ltmp1:
0x12: {  	_ = 	snop;
	(pc) =	sbr.rel @!p1 .LBB2_6-.Ltmp1, $1  }
0x13: {  	_ =	sdelay $0x3  }
.LBB2_1:
.Ltmp2:
0x14: {  	(pc) =	sbr.rel @p0 .LBB2_7-.Ltmp2, $1  }
0x15: {  	_ =	sdelay $0x3  }
0x16: {  	[tilespmem:$0x278] =	vst v0  }
0x17: {  	[tilespmem:$0x288] =	vst v0  }
0x18: {  	[tilespmem:$0x298] =	vst v0  }
0x19: {  	[tilespmem:$0x2A8] =	vst v0  }
0x1a: {  	[tilespmem:$0x2B8] =	vst v0  }
0x1b: {  	[tilespmem:$0x2C8] =	vst v0  }
0x1c: {  	[tilespmem:$0x2D8] =	vst v0  }
0x1d: {  	[tilespmem:$0x2E8] =	vst v0  }
0x1e: {  	[tilespmem:$0x2F8] =	vst v0  }
0x1f: {  	[tilespmem:$0x308] =	vst v0  }
0x20: {  	[tilespmem:$0x318] =	vst v0  }
0x21: {  	[tilespmem:$0x328] =	vst v0  }
0x22: {  	[tilespmem:$0x338] =	vst v0  }
0x23: {  	[tilespmem:$0x348] =	vst v0  }
0x24: {  	[tilespmem:$0x358] =	vst v0  }
0x25: {  	[tilespmem:$0x368] =	vst v0  }
0x26: {  	[tilespmem:$0x378] =	vst v0  }
0x27: {  	[tilespmem:$0x388] =	vst v0  }
0x28: {  	[tilespmem:$0x398] =	vst v0  }
0x29: {  	[tilespmem:$0x3A8] =	vst v0  }
0x2a: {  	[tilespmem:$0x3B8] =	vst v0  }
0x2b: {  	[tilespmem:$0x3C8] =	vst v0  }
0x2c: {  	[tilespmem:$0x3D8] =	vst v0  }
0x2d: {  	[tilespmem:$0x3E8] =	vst v0  }
0x2e: {  	[tilespmem:$0x3F8] =	vst v0  }
0x2f: {  	[tilespmem:$0x408] =	vst v0  }
0x30: {  	[tilespmem:$0x418] =	vst v0  }
0x31: {  	[tilespmem:$0x428] =	vst v0  }
0x32: {  	[tilespmem:$0x438] =	vst v0  }
0x33: {  	[tilespmem:$0x448] =	vst v0  }
0x34: {  	[tilespmem:$0x458] =	vst v0  }
0x35: {  	[tilespmem:$0x468] =	vst v0  }
0x36: {  	[tilespmem:$0x478] =	vst v0  }
0x37: {  	[tilespmem:$0x488] =	vst v0  }
0x38: {  	[tilespmem:$0x498] =	vst v0  }
0x39: {  	[tilespmem:$0x4A8] =	vst v0  }
0x3a: {  	[tilespmem:$0x4B8] =	vst v0  }
0x3b: {  	[tilespmem:$0x4C8] =	vst v0  }
0x3c: {  	[tilespmem:$0x4D8] =	vst v0  }
0x3d: {  	[tilespmem:$0x4E8] =	vst v0  }
0x3e: {  	[spmem:s4] =	stream.linear.scatter [tilespmem:s9], [sflag:$0x1], $0x280, $0x38;
	[tilespmem:$0xCF8] =	vst v63  }
0x3f: {  	_ =	swait.ge [sflag:s10], $0x280  }
0x40: {  	[sflag:s10] =	ssyncset.done $0x0  }
0x41: {  	[sflag:s10] =	ssyncadd.s32 $0xFFFFFD80  }
0x42: {  	s15 =	sadd.s32 $0x0, s8;
	[bflag:$0x0] =	sbarrier.arrive $0xFFFF  }
0x43: {  	[tilespmem:s11], [sflag:$0x1] =	stream.linear.gather [hbm4b:s15+s3], $0x3E8, $0x38;
	[tilespmem:$0xCF8] =	vst v63  }
0x44: {  	_ =	swait.ge [sflag:s10], $0x3E8  }
0x45: {  	[sflag:s10] =	ssyncset.done $0x0  }
0x46: {  	s31 =	sadd.s32 $0x0, s7;
	[sflag:s10] =	ssyncadd.s32 $0xFFFFFC18  }
0x47: {  	[tilespmem:s12], [sflag:$0x1] =	stream.linear.gather [hbm4b:s31+s3], $0x3E8, $0x38;
	[tilespmem:$0xCF8] =	vst v63  }
0x48: {  	_ =	swait.ge [sflag:s10], $0x3E8  }
0x49: {  	[sflag:s10] =	ssyncset.done $0x0  }
0x4a: {  	[sflag:s10] =	ssyncadd.s32 $0xFFFFFC18  }
0x4b: {  	[spmem:s2] =	stream.indirect.scatter.add.f32 [tilespmem:s12], [sflag:$0x1], $0x1, s11, s13, $0xb8;
	[tilespmem:$0xCF8] =	vst v63  }
0x4c: {  	_ =	swait.ge [sflag:s10], $0x3E8  }
0x4d: {  	s16 =	simm.s32 $0xFA;
	s15 =	simm.s32 $0x7D;
	[sflag:s10] =	ssyncset.done $0x0  }
.LBB2_3:
0x4e: {  	s17 =	sadd.s32 s15, s8  }
0x4f: {  	[sflag:s10] =	ssyncadd.s32 $0xFFFFFC18;
	s18 =	smov.u32 s16;
	s19 =	sadd.s32 $0x7D, s16  }
0x50: {  	[tilespmem:s11], [sflag:$0x1] =	stream.linear.gather [hbm4b:s17+s3], $0x3E8, $0x38;
	[tilespmem:$0xCF8] =	vst v63  }
0x51: {  	p1 =	seq.s32 s16, $0x465;
	_ =	swait.ge [sflag:s10], $0x3E8  }
0x52: {  	[sflag:s10] =	ssyncset.done $0x0  }
0x53: {  	s16 =	sadd.s32 s15, s7;
	s15 =	smov.u32 s18;
	[sflag:s10] =	ssyncadd.s32 $0xFFFFFC18  }
0x54: {  	[tilespmem:s12], [sflag:$0x1] =	stream.linear.gather [hbm4b:s16+s3], $0x3E8, $0x38;
	[tilespmem:$0xCF8] =	vst v63  }
0x55: {  	_ =	swait.ge [sflag:s10], $0x3E8  }
.Ltmp3:
0x56: {  	[sflag:s10] =	ssyncset.done $0x0;
	(pc) =	sbr.rel @!p1 .LBB2_3-.Ltmp3, $4  }
0x57: {  	[sflag:s10] =	ssyncadd.s32 $0xFFFFFC18  }
0x58: {  	[spmem:s2] =	stream.indirect.scatter.add.f32 [tilespmem:s12], [sflag:$0x1], $0x1, s11, s13, $0xb8;
	[tilespmem:$0xCF8] =	vst v63  }
0x59: {  	_ =	swait.ge [sflag:s10], $0x3E8  }
0x5a: {  	s16 =	smov.u32 s19;
	[sflag:s10] =	ssyncset.done $0x0  }
0x5b: {  	s16 =	sadd.s32 s15, s8;
	[sflag:s10] =	ssyncadd.s32 $0xFFFFFC18  }
0x5c: {  	[tilespmem:s11], [sflag:$0x1] =	stream.linear.gather [hbm4b:s16+s3], $0x3E8, $0x38;
	[tilespmem:$0xCF8] =	vst v63  }
0x5d: {  	_ =	swait.ge [sflag:s10], $0x3E8  }
0x5e: {  	[sflag:s10] =	ssyncset.done $0x0  }
0x5f: {  	s31 =	sadd.s32 s15, s7;
	[sflag:s10] =	ssyncadd.s32 $0xFFFFFC18  }
0x60: {  	[tilespmem:s12], [sflag:$0x1] =	stream.linear.gather [hbm4b:s31+s3], $0x3E8, $0x38;
	[tilespmem:$0xCF8] =	vst v63  }
0x61: {  	_ =	swait.ge [sflag:s10], $0x3E8  }
0x62: {  	[sflag:s10] =	ssyncset.done $0x0  }
0x63: {  	[sflag:s10] =	ssyncadd.s32 $0xFFFFFC18  }
0x64: {  	[spmem:s2] =	stream.indirect.scatter.add.f32 [tilespmem:s12], [sflag:$0x1], $0x1, s11, s13, $0xb8;
	[tilespmem:$0xCF8] =	vst v63  }
0x65: {  	_ =	swait.ge [sflag:s10], $0x3E8  }
0x66: {  	[sflag:s10] =	ssyncset.done $0x0  }
0x67: {  	[sflag:s10] =	ssyncadd.s32 $0xFFFFFC18  }
0x68: {  	[bflag:$0x0] =	sbarrier.arrive $0xFFFF  }
0x69: {  	[tilespmem:s9], [sflag:$0x1] =	stream.linear.gather [spmem:s4], $0x280, $0x38;
	[tilespmem:$0xCF8] =	vst v63  }
0x6a: {  	_ =	swait.ge [sflag:s10], $0x280  }
0x6b: {  	[sflag:s10] =	ssyncset.done $0x0  }
.Ltmp4:
0x6c: {  	[sflag:s10] =	ssyncadd.s32 $0xFFFFFD80;
	(pc) =	sbr.rel .LBB2_5-.Ltmp4, $4  }
0x6d: {  	[hbm4b:s5+s3] =	stream.linear.scatter [tilespmem:s9], [sflag:$0x1], $0x280, $0x38;
	[tilespmem:$0xCF8] =	vst v63  }
0x6e: {  	_ =	swait.ge [sflag:s10], $0x280  }
0x6f: {  	[sflag:s10] =	ssyncset.done $0x0  }
0x70: {  	[sflag:s10] =	ssyncadd.s32 $0xFFFFFD80  }
.LBB2_6:
0x71: {  	_ =	sfence.sel $0x180000  }
0x72: {  	[bflag:$0x0] =	sbarrier.arrive $0xFFFF  }
0x73: {  	p0 =	sne.s32 s1, $0x0;
	_ =	strace $0x90000047  }
0x74: {  	s0 =	sadd.s32 @!p0 $0x100000, s0;
	[bflag:$0x2] =	sbarrier.arrive $0xFFFF  }
0x75: {  	[sflag:s0] =	ssyncadd.tile.s32 @!p0 $0x1;
	_ =	shalt  }
.Lfunc_end2:
_tile_overlayer_lowered:
.L_overlay_start_2:
0x76: {  	(tag) =	ssettag $0x2  }
0x77: {  	s0 =	rddreg [dreg:$0x0];
	s2 =	stileid.u32  }
0x78: {  	s1 =	rddreg [dreg:$0x1];
	p0 =	sne.s32 s2, $0x0  }
0x79: {  	s3 =	rddreg [dreg:$0x2];
	[bflag:$0x3] =	sbarrier.arrive $0xFFFF;
	s2 =	simm.s32 @!p0 $0x1C01  }
0x7a: {  	[timem:s3], [sflag:s2] =	dma.local @!p0 [hbm:s0], s1  }
0x7b: {  	s0 =	simm.s32 @!p0 $0x1  }
0x7c: {  	_ =	swait.ge @!p0 [sflag:s0], s1  }
0x7d: {  	s1 =	ssub.s32 @!p0 $0x0, s1;
	[sflag:s0] =	ssyncset.done @!p0 $0x0  }
0x7e: {  	[sflag:s0] =	ssyncadd.s32 @!p0 s1  }
0x7f: {  	[bflag:$0x3] =	sbarrier.arrive $0xFFFF  }
0x80: {  	_ =	shalt  }

// kernel: kernel.9.cloned.1.call-start
scs
__scs_entry_jumppad:
0x0: {  	(pc) =	sbr.rel $0x88, $3  }
0x1: {  	(tag) =	ssettag $0x0;
	lr =	simm.s32 $0x1  }
0x2: {  	[smem:$0x3F95] =	sst lr;
	_ =	strace $0xD0000000  }
0x3: {  	_ = 	snop  }
0x4: {  	_ = 	snop  }
0x5: {  	_ = 	snop  }
0x6: {  	_ = 	snop  }
0x7: {  	_ = 	snop  }
__scs_overlays_trampoline_lowered:
0x8: {  	[smem:$0x3FA4] =	sst s0  }
0x9: {  	[smem:$0x3FA5] =	sst s1  }
0xa: {  	[smem:$0x3FA6] =	sst s2  }
0xb: {  	[smem:$0x3FA7] =	sst s3  }
0xc: {  	[smem:$0x3FA8] =	sst s4  }
0xd: {  	[smem:$0x3FA9] =	sst s5  }
0xe: {  	[smem:$0x3FAA] =	sst s6  }
0xf: {  	[smem:$0x3FAB] =	sst s7  }
0x10: {  	[smem:$0x3FAC] =	sst s8  }
0x11: {  	[smem:$0x3FAD] =	sst s9;
	s0 =	simm.s32 @!p0 $0x0  }
0x12: {  	s1 =	sld [smem:$0x3F93];
	s0 =	simm.s32 @p0 $0x1  }
0x13: {  	[smem:$0x3FAE] =	sst s0;
	s0 =	simm.s32 @!p1 $0x0  }
0x14: {  	s2 =	sld [smem:$0x3F92];
	s0 =	simm.s32 @p1 $0x1  }
0x15: {  	[smem:$0x3FAF] =	sst s0;
	s0 =	simm.s32 @!p2 $0x0  }
0x16: {  	s3 =	sld [smem:$0x3FDB];
	s0 =	simm.s32 @p2 $0x1  }
0x17: {  	s4 =	simm.s32 $0x1BF5;
	[smem:$0x3FB1] =	sst s0  }
0x18: {  	s0 =	sld [smem:$0x3F94];
	_ =	swait.ge [sflag:s4], $0x0  }
0x19: {  	s7 =	sld [smem:$0x3F95]  }
0x1a: {  	s8 =	sadd.s32 $0xFFFFE003, lr  }
0x1b: {  	s9 =	sadd.s32 $0xFFFFFEF7, lr;
	s5 =	simm.s32 $0xFFFFFFFF;
	p2 =	slt.u32 s8, $0xFFFFF086  }
0x1c: {  	p1 =	slt.u32 s9, $0xF7A;
	s5 =	simm.s32 @!p2 $0x0  }
0x1d: {  	s5 =	simm.s32 @p1 $0x1;
	p0 =	seq.s32 s7, s2  }
0x1e: {  	s7 =	smul.u32 @!p0 $0xF7A, s2;
	p2 =	seq.s32 @!p0 s5, $0x0  }
0x1f: {  	s9 =	smul.u32 $0xF7A, s1;
	s8 =	simm.s32 @!p0 $0x1BF5;
	p2 =	por !p2, p0  }
0x20: {  	[sflag:s8] =	ssyncset.s32 @!p0 $0xFFFFF086;
	s6 =	sadd.s32 @!p0 s3, s7;
	s7 =	simm.s32 @!p0 $0x108  }
0x21: {  	s3 =	sadd.s32 s3, s9;
	s6 =	sadd.s32 @!p0 $0x88, s6;
	s7 =	simm.s32 @p2 $0x1082  }
0x22: {  	[simem:s7], [sflag:s8] =	dma.local @!p0 [hbm:s6], $0xF7A  }
0x23: {  	s9 =	sor.u32 $0xD0000000, s2;
	s6 =	simm.s32 $0x108;
	_ =	swait.ge @!p0 [sflag:s8], $0x0  }
0x24: {  	s3 =	sadd.s32 $0x88, s3;
	s6 =	simm.s32 @!p1 $0x1082;
	[sflag:s4] =	ssyncset.s32 $0xFFFFF086  }
0x25: {  	[simem:s6], [sflag:s4] =	dma.local [hbm:s3], $0xF7A  }
0x26: {  	[smem:$0x3F95] =	sst s1;
	(tag) =	ssettag s2;
	_ =	strace s9  }
0x27: {  	s1 =	sld [smem:$0x3FA5]  }
0x28: {  	s2 =	sld [smem:$0x3FA6]  }
0x29: {  	s4 =	sld [smem:$0x3FA8]  }
0x2a: {  	p0 =	seq.s32 s5, $0x0;
	s5 =	sld [smem:$0x3FA9]  }
0x2b: {  	s6 =	sld [smem:$0x3FAA]  }
0x2c: {  	s7 =	sld [smem:$0x3FAB]  }
0x2d: {  	s3 =	simm.s32 $0x108;
	s8 =	sld [smem:$0x3FAC]  }
0x2e: {  	s3 =	simm.s32 @!p0 $0x1082;
	s9 =	sld [smem:$0x3FAD]  }
0x2f: {  	lr =	sadd.s32 s0, s3;
	s0 =	sld [smem:$0x3FA4]  }
0x30: {  	s3 =	sld [smem:$0x3FA7]  }
0x31: {  	[smem:$0x3FB0] =	sst s10  }
0x32: {  	s10 =	sld [smem:$0x3FAE];
	_ =	sdelay $0x3  }
0x33: {  	p0 =	seq.s32 s10, $0x1;
	s10 =	sld [smem:$0x3FB0];
	_ =	sdelay $0x3  }
0x34: {  	[smem:$0x3FB0] =	sst s10  }
0x35: {  	s10 =	sld [smem:$0x3FAF];
	_ =	sdelay $0x3  }
0x36: {  	p1 =	seq.s32 s10, $0x1;
	s10 =	sld [smem:$0x3FB0];
	_ =	sdelay $0x3  }
0x37: {  	[smem:$0x3FB0] =	sst s10  }
0x38: {  	s10 =	sld [smem:$0x3FB1]  }
0x39: {  	_ = 	snop;
	(pc) =	sbr.ind lr, $3  }
0x3a: {  	_ = 	snop  }
0x3b: {  	_ = 	snop  }
0x3c: {  	p2 =	seq.s32 s10, $0x1;
	s10 =	sld [smem:$0x3FB0]  }
0x3d: {  	_ =	shalt  }
0x3e: {  	_ =	shalt  }
0x3f: {  	_ =	shalt  }
0x40: {  	_ =	shalt  }
0x41: {  	_ =	shalt  }
0x42: {  	_ =	shalt  }
0x43: {  	_ =	shalt  }
0x44: {  	_ =	shalt  }
0x45: {  	_ =	shalt  }
0x46: {  	_ =	shalt  }
0x47: {  	_ =	shalt  }
0x48: {  	_ =	shalt  }
0x49: {  	_ =	shalt  }
0x4a: {  	_ =	shalt  }
0x4b: {  	_ =	shalt  }
0x4c: {  	_ =	shalt  }
0x4d: {  	_ =	shalt  }
0x4e: {  	_ =	shalt  }
0x4f: {  	_ =	shalt  }
0x50: {  	_ =	shalt  }
0x51: {  	_ =	shalt  }
0x52: {  	_ =	shalt  }
0x53: {  	_ =	shalt  }
0x54: {  	_ =	shalt  }
0x55: {  	_ =	shalt  }
0x56: {  	_ =	shalt  }
0x57: {  	_ =	shalt  }
0x58: {  	_ =	shalt  }
0x59: {  	_ =	shalt  }
0x5a: {  	_ =	shalt  }
0x5b: {  	_ =	shalt  }
0x5c: {  	_ =	shalt  }
0x5d: {  	_ =	shalt  }
0x5e: {  	_ =	shalt  }
0x5f: {  	_ =	shalt  }
0x60: {  	_ =	shalt  }
0x61: {  	_ =	shalt  }
0x62: {  	_ =	shalt  }
0x63: {  	_ =	shalt  }
0x64: {  	_ =	shalt  }
0x65: {  	_ =	shalt  }
0x66: {  	_ =	shalt  }
0x67: {  	_ =	shalt  }
0x68: {  	_ =	shalt  }
0x69: {  	_ =	shalt  }
0x6a: {  	_ =	shalt  }
0x6b: {  	_ =	shalt  }
0x6c: {  	_ =	shalt  }
0x6d: {  	_ =	shalt  }
0x6e: {  	_ =	shalt  }
0x6f: {  	_ =	shalt  }
0x70: {  	_ =	shalt  }
0x71: {  	_ =	shalt  }
0x72: {  	_ =	shalt  }
0x73: {  	_ =	shalt  }
0x74: {  	_ =	shalt  }
0x75: {  	_ =	shalt  }
0x76: {  	_ =	shalt  }
0x77: {  	_ =	shalt  }
0x78: {  	_ =	shalt  }
0x79: {  	_ =	shalt  }
0x7a: {  	_ =	shalt  }
0x7b: {  	_ =	shalt  }
0x7c: {  	_ =	shalt  }
0x7d: {  	_ =	shalt  }
0x7e: {  	_ =	shalt  }
0x7f: {  	_ =	shalt  }
0x80: {  	_ =	shalt  }
0x81: {  	_ =	shalt  }
0x82: {  	_ =	shalt  }
0x83: {  	_ =	shalt  }
0x84: {  	_ =	shalt  }
0x85: {  	_ =	shalt  }
0x86: {  	_ =	shalt  }
0x87: {  	_ =	shalt  }
.Lfunc_end0:
.L_simem_size_0:
called_computation.1_lowered:
.L_overlay_start_0:
0x88: {  	s2 =	sld [smem:$0x3FD9]  }
0x89: {  	s3 =	sld [smem:$0x3FFE];
	_ =	sdelay $0x1  }
0x8a: {  	s1 =	srdreg.scid  }
0x8b: {  	s0 =	sand.u32 $0x1, s1  }
0x8c: {  	s16 =	sshll.u32 s0, $0xA;
	s2 =	sadd.s32 s3, s2  }
0x8d: {  	s2 =	sadd.s32 s2, s16  }
0x8e: {  	[smem:$0x3FBC] =	sst s2  }
0x8f: {  	_ = 	snop  }
0x90: {  	(tm) =	ssettm $0x1  }
0x91: {  	s17 =	sld [smem:$0x3FFB];
	_ =	sdelay $0x3  }
0x92: {  	_ =	strace s17  }
0x93: {  	s2 =	sld [smem:$0x3FFC];
	_ =	sdelay $0x3  }
0x94: {  	_ =	strace s2  }
0x95: {  	s2 =	sld [smem:$0x3FFD];
	_ =	sdelay $0x3  }
0x96: {  	_ =	strace s2  }
0x97: {  	_ =	strace $0x8FFFFFFF  }
0x98: {  	s18 =	sld [smem:$0x3FDB];
	_ =	sdelay $0x1  }
0x99: {  	s19 =	simm.s32 $_scs_section_size  }
0x9a: {  	s4 =	simm.s32 $_size__tile_overlayer_lowered;
	s5 =	simm.s32 $_tile_overlayer_lowered  }
0x9b: {  	s22 =	simm.s32 $0x1BFF;
	s21 =	sshll.u32 s5, $0x1;
	s2 =	sadd.s32 s19, s18  }
0x9c: {  	s6 =	simm.s32 $0x0;
	s20 =	sshll.u32 s4, $0x1;
	s4 =	sadd.s32 s21, s2  }
0x9d: {  	[timem:s6], [sflag:s22] =	dma.local [hbm:s4], s20  }
0x9e: {  	_ =	swait.ge [sflag:s22], s20  }
0x9f: {  	s3 =	ssub.s32 $0x0, s20;
	[sflag:s22] =	ssyncset.done $0x0  }
0xa0: {  	[sflag:s22] =	ssyncadd.s32 s3;
	_ =	sdelay $0x1  }
0xa1: {  	s23 =	simm.s32 $0x1B8B  }
0xa2: {  	_ =	swait.ge [sflag:s23], $0x1  }
0xa3: {  	[sflag:s23] =	ssyncset.done $0x0  }
0xa4: {  	s25 =	simm.s32 $0x1B8E;
	s24 =	sld [smem:$0x3FFE];
	[sflag:s23] =	ssyncadd.s32 $0xFFFFFFFF  }
0xa5: {  	s26 =	simm.s32 $execute0_lowered;
	[smem:$0x3FD2] =	sst s25  }
0xa6: {  	s4 =	sshll.u32 s26, $0x1;
	_ =	strace $0x80000049;
	[dreg:$0x1] =	wrdreg $0xFFFFFFFF  }
0xa7: {  	s28 =	simm.s32 $_size_execute0_lowered;
	s2 =	sadd.s32 s2, s4;
	[dreg:$0x0] =	wrdreg $0x0  }
0xa8: {  	s4 =	sshll.u32 s28, $0x1;
	[dreg:$0x2] =	wrdreg s2  }
0xa9: {  	[dreg:$0x3] =	wrdreg s4  }
0xaa: {  	[dreg:$0x4] =	wrdreg $0xC0  }
0xab: {  	_ =	task [dreg:s6], $0x5FFFF  }
0xac: {  	[dreg:$0x1] =	wrdreg $0xFFFFFFFF  }
0xad: {  	[dreg:$0x0] =	wrdreg $0x60  }
0xae: {  	[dreg:$0x2] =	wrdreg s24  }
0xaf: {  	[dreg:$0x3] =	wrdreg $0x0  }
0xb0: {  	[dreg:$0x4] =	wrdreg $0x9  }
0xb1: {  	_ =	task.clear_ibuf [dreg:s6], $0x5FFFF;
	_ =	strace $0x90000049  }
0xb2: {  	s29 =	simm.s32 $0x9;
	_ =	strace $0x8000004B  }
0xb3: {  	_ =	swait.ge [sflag:s29], $0x1  }
0xb4: {  	[sflag:s29] =	ssyncadd.s32 $0xFFFFFFFF  }
0xb5: {  	_ =	strace $0x9000004B  }
0xb6: {  	_ =	sfence  }
0xb7: {  	s30 =	sld [smem:$0x0];
	_ =	sdelay $0x2  }
0xb8: {  	s31 =	sshll.u32 s1, $0xD;
	s1 =	sshrl.u32 s1, $0x2  }
0xb9: {  	s3 =	sand.u32 $0x4000, s31;
	s1 =	sadd.s32 s1, s30  }
0xba: {  	s0 =	sor.u32 s3, s0;
	s1 =	sshll.u32 s1, $0x11  }
0xbb: {  	s0 =	sor.u32 s1, s0  }
0xbc: {  	s0 =	sadd.s32 $0x8F2B, s0  }
0xbd: {  	[sflag:s0] =	ssyncadd.remote.s32 $0x1  }
0xbe: {  	_ =	sfence.sel $0xFFFF  }
0xbf: {  	[dreg:$0x0] =	wrdreg $0xFFFFFFFF;
	(pc) =	sbr.abs _section_cstart, $3  }
0xc0: {  	[dreg:$0x1] =	wrdreg $0xFFFFFFFF  }
0xc1: {  	_ =	task.clear_ibuf [dreg:s6], $0x2FFFF;
	_ =	strace $0x9FFFFFFF  }
0xc2: {  	(tm) =	ssettm $0x7FFFFFFF  }
0xc3: {  	_ =	shalt  }
tec
execute0_lowered:
.L_overlay_start_1:
0x0: {  	(tag) =	ssettag $0x1  }
0x1: {  	s0 =	rddreg [dreg:$0x0]  }
0x2: {  	s1 =	rddreg [dreg:$0x1];
	s3 =	simm.s32 $0x0;
	s11 =	stileid.u32  }
0x3: {  	s2 =	srdreg.scid;
	s18 =	simm.s32 $0x13B80;
	s19 =	simm.s32 $0x5  }
0x4: {  	s20 =	simm.s32 $0x13880;
	s28 =	simm.s32 $0x18C80;
	s29 =	simm.s32 $0x18D80  }
0x5: {  	s30 =	simm.s32 $0x18E80;
	s31 =	simm.s32 $0x3;
	[smem:$0x7FF] =	sst s3  }
0x6: {  	s4 =	sadd.s32 $0xC000, s0;
	s7 =	smul.u32 $0x280, s11;
	s5 =	sadd.s32 $0x7000, s0  }
0x7: {  	s6 =	sadd.s32 $0x11000, s0;
	s2 =	sand.u32 $0x1, s2;
	_ =	strace $0x8000004A  }
0x8: {  	s8 =	smul.u32 $0x27100, s2;
	s2 =	ssub.s32 $0x2, s2;
	s9 =	smin.u32 s7, $0x2490  }
0x9: {  	s10 =	sshrl.u32 s2, $0x1;
	s7 =	smul.u32 $0x2760, s11;
	s21 =	sshll.u32 s9, $0x7  }
0xa: {  	s0 =	sadd.s32 s8, s0;
	s2 =	ssub.s32 s2, s10;
	s9 =	sshll.u32 s9, $0x4  }
0xb: {  	s8 =	sadd.s32 s21, s1;
	s24 =	sshrl.u32 s7, $0x3;
	s2 =	smax.u32 s2, $0x1  }
0xc: {  	s15 =	sadd.s32 $0x16000, s0;
	s22 =	sadd.s32 $0x5000, s8;
	[dreg:$0x9] =	wrdreg s2  }
0xd: {  	s16 =	sadd.s32 $0x140, s7;
	s23 =	sadd.s32 $0xA000, s8;
	[dreg:$0x3] =	wrdreg s22  }
0xe: {  	s0 =	sadd.s32 $0x64200, s0;
	s11 =	sadd.s32 $0xF000, s8;
	[dreg:$0x4] =	wrdreg s23  }
0xf: {  	s21 =	simm.s32 $0x13980;
	s25 =	sadd.s32 s4, s24;
	[dreg:$0x5] =	wrdreg s11  }
0x10: {  	s26 =	sadd.s32 s5, s24;
	s10 =	sadd.s32 s6, s24;
	[dreg:$0x6] =	wrdreg s25  }
0x11: {  	s24 =	sadd.s32 s9, s0;
	s0 =	simm.s32 $0x2;
	[dreg:$0x7] =	wrdreg s26  }
0x12: {  	s2 =	simm.s32 $0x4;
	[dreg:$0x8] =	wrdreg s10;
	s22 =	simm.s32 $0x13A80  }
0x13: {  	v0 =	vimm.f32 $0.0e+00;
	s23 =	simm.s32 $0xA0;
	s25 =	simm.s32 $0x1;
	s26 =	simm.s32 $0x18B80  }
.LBB2_1:
0x14: {  	s9 =	simm.s32 $0x0;
	s10 =	simm.s32 $0x200  }
.LBB2_2:
0x15: {  	p0 =	sne.s32 s10, $0x13E00;
	[tilespmem:s9+$0x13BF0] =	vst v0  }
0x16: {  	[tilespmem:s9+$0x13B80] =	vst v0  }
0x17: {  	[tilespmem:s9+$0x13B90] =	vst v0  }
.Ltmp0:
0x18: {  	[tilespmem:s9+$0x13BA0] =	vst v0;
	(pc) =	sbr.rel @p0 .LBB2_2-.Ltmp0, $4  }
0x19: {  	[tilespmem:s9+$0x13BB0] =	vst v0  }
0x1a: {  	[tilespmem:s9+$0x13BC0] =	vst v0  }
0x1b: {  	[tilespmem:s9+$0x13BD0] =	vst v0  }
0x1c: {  	[tilespmem:s9+$0x13BE0] =	vst v0;
	s9 =	sshra.s32 s10, $0x2;
	s10 =	sadd.s32 $0x200, s10  }
0x1d: {  	[tilespmem:s9+$0x13BF0] =	vst v0  }
0x1e: {  	[tilespmem:s9+$0x13B80] =	vst v0  }
0x1f: {  	[tilespmem:s9+$0x13B90] =	vst v0  }
0x20: {  	[tilespmem:s9+$0x13BA0] =	vst v0  }
0x21: {  	[tilespmem:s9+$0x13BB0] =	vst v0  }
0x22: {  	[tilespmem:s9+$0x13BC0] =	vst v0  }
0x23: {  	[tilespmem:s9+$0x13BD0] =	vst v0  }
0x24: {  	[tilespmem:s9+$0x13BE0] =	vst v0  }
0x25: {  	[spmem:s8] =	stream.linear.scatter [tilespmem:s18], [sflag:$0x5], $0x5000, $0x38;
	[tilespmem:$0x1DE80] =	vst v63  }
0x26: {  	_ =	swait.ge [sflag:s19], $0x5000  }
0x27: {  	[sflag:s19] =	ssyncset.done $0x0  }
0x28: {  	s11 =	rddreg [dreg:$0x3];
	[sflag:s19] =	ssyncadd.s32 $0xFFFFB000  }
0x29: {  	[spmem:s11] =	stream.linear.scatter [tilespmem:s18], [sflag:$0x5], $0x5000, $0x38;
	[tilespmem:$0x1DE80] =	vst v63  }
0x2a: {  	_ =	swait.ge [sflag:s19], $0x5000  }
0x2b: {  	[sflag:s19] =	ssyncset.done $0x0  }
0x2c: {  	s12 =	rddreg [dreg:$0x4];
	[sflag:s19] =	ssyncadd.s32 $0xFFFFB000  }
0x2d: {  	[spmem:s12] =	stream.linear.scatter [tilespmem:s18], [sflag:$0x5], $0x5000, $0x38;
	[tilespmem:$0x1DE80] =	vst v63  }
0x2e: {  	_ =	swait.ge [sflag:s19], $0x5000  }
0x2f: {  	[sflag:s19] =	ssyncset.done $0x0  }
0x30: {  	s13 =	rddreg [dreg:$0x5];
	[sflag:s19] =	ssyncadd.s32 $0xFFFFB000  }
0x31: {  	[spmem:s13] =	stream.linear.scatter [tilespmem:s18], [sflag:$0x5], $0x5000, $0x38;
	[tilespmem:$0x1DE80] =	vst v63  }
0x32: {  	_ =	swait.ge [sflag:s19], $0x5000  }
0x33: {  	[sflag:s19] =	ssyncset.done $0x0  }
0x34: {  	[sflag:s19] =	ssyncadd.s32 $0xFFFFB000  }
0x35: {  	[bflag:$0x0] =	sbarrier.arrive $0xFFFF  }
0x36: {  	s9 =	simm.s32 $0x0;
	s10 =	rddreg [dreg:$0x6]  }
0x37: {  	[tilespmem:s20], [sflag:$0x5] =	stream.linear.gather [hbm4b:s10+s9], $0xA0, $0x38;
	[tilespmem:$0x1DE80] =	vst v63  }
0x38: {  	_ =	swait.ge [sflag:s19], $0xA0  }
0x39: {  	[sflag:s19] =	ssyncset.done $0x0  }
0x3a: {  	s14 =	rddreg [dreg:$0x7];
	[sflag:s19] =	ssyncadd.s32 $0xFFFFFF60  }
0x3b: {  	[tilespmem:s21], [sflag:$0x5] =	stream.linear.gather [hbm4b:s14+s9], $0xA0, $0x38;
	[tilespmem:$0x1DE80] =	vst v63  }
0x3c: {  	_ =	swait.ge [sflag:s19], $0xA0  }
0x3d: {  	[sflag:s19] =	ssyncset.done $0x0  }
0x3e: {  	s17 =	rddreg [dreg:$0x8];
	[sflag:s19] =	ssyncadd.s32 $0xFFFFFF60  }
0x3f: {  	[tilespmem:s22], [sflag:$0x5] =	stream.linear.gather [hbm4b:s17+s9], $0xA0, $0x38;
	[tilespmem:$0x1DE80] =	vst v63  }
0x40: {  	_ =	swait.ge [sflag:s19], $0xA0  }
0x41: {  	[sflag:s19] =	ssyncset.done $0x0  }
0x42: {  	s10 =	simm.s32 $0x0;
	[sflag:s19] =	ssyncadd.s32 $0xFFFFFF60  }
0x43: {  	[tilespmem:s18], [sflag:$0x1] =	stream.indirect.gather [hbm4b:s15+s23], $0x80, s20, s23, $0xb8;
	[tilespmem:$0x1DE80] =	vst v63  }
.LBB2_4:
0x44: {  	p0 =	seq.s32 s10, $0x0  }
0x45: {  	s11 =	smul.u32 @!p0 $0x140, s10  }
0x46: {  	_ =	swait.ge [sflag:s25], $0x5000  }
0x47: {  	[sflag:s25] =	ssyncset.done $0x0;
	s11 =	sadd.s32 @!p0 $0xA0, s11  }
0x48: {  	s12 =	simm.s32 @!p0 $0x4;
	[sflag:s25] =	ssyncadd.s32 $0xFFFFB000;
	s11 =	simm.s32 @p0 $0xA0  }
0x49: {  	_ =	swait.ge @!p0 [sflag:s12], $0x5000;
	s11 =	sadd.s32 s7, s11  }
0x4a: {  	[sflag:s12] =	ssyncset.done @!p0 $0x0;
	s11 =	sshrl.u32 s11, $0x3  }
0x4b: {  	[sflag:s12] =	ssyncadd.s32 @!p0 $0xFFFFB000;
	s14 =	sadd.s32 s4, s11  }
0x4c: {  	[tilespmem:s26], [sflag:$0x5] =	stream.linear.gather [hbm4b:s14+s9], $0xA0, $0x38;
	[tilespmem:$0x1DE80] =	vst v63  }
0x4d: {  	_ =	swait.ge [sflag:s19], $0xA0  }
0x4e: {  	[sflag:s19] =	ssyncset.done $0x0  }
0x4f: {  	s17 =	sadd.s32 s5, s11;
	[sflag:s19] =	ssyncadd.s32 $0xFFFFFF60  }
0x50: {  	[tilespmem:s28], [sflag:$0x5] =	stream.linear.gather [hbm4b:s17+s9], $0xA0, $0x38;
	[tilespmem:$0x1DE80] =	vst v63  }
0x51: {  	v1 =	vmov s9;
	s13 =	simm.s32 $0x6;
	_ =	swait.ge [sflag:s19], $0xA0  }
0x52: {  	v1 =	vand.u32 $0xFFFFFFF8, v1;
	v2 =	vmov s13;
	[sflag:s19] =	ssyncset.done $0x0  }
0x53: {  	v1 =	vbroadcast v1, $0x0;
	v2 =	vand.u32 $0xFFFFFFFE, v2;
	s11 =	sadd.s32 s6, s11;
	[sflag:s19] =	ssyncadd.s32 $0xFFFFFF60  }
0x54: {  	v2 =	vbroadcast v2, $0x0;
	[tilespmem:s29], [sflag:$0x5] =	stream.linear.gather [hbm4b:s11+s9], $0xA0, $0x38;
	[tilespmem:$0x1DE80] =	vst v63  }
0x55: {  	_ =	swait.ge [sflag:s19], $0xA0  }
0x56: {  	[sflag:s19] =	ssyncset.done $0x0  }
0x57: {  	[sflag:s19] =	ssyncadd.s32 $0xFFFFFF60  }
0x58: {  	[tilespmem:s30], [sflag:$0x3] =	stream.indirect.gather [hbm4b:s15+s23], $0x80, s26, s23, $0xb8;
	[tilespmem:$0x1DE80] =	vst v63  }
0x59: {  	v1 =	vld.idx.msk [tilespmem:v1+s22+$0x0], $0xffff  }
0x5a: {  	s14 =	simm.s32 $0x1;
	s11 =	simm.s32 $0x13D80;
	v2 =	vld.idx.msk [tilespmem:v2+s22+$0x0], $0xffff  }
0x5b: {  	v3 =	vmov s14;
	v4 =	vld [tilespmem:s11+$0x170]  }
0x5c: {  	v3 =	vand.u32 $0xFFFFFFF9, v3;
	v5 =	vld [tilespmem:s11+$0xFFFFFE00]  }
0x5d: {  	v3 =	vbroadcast v3, $0x0;
	v6 =	vld [tilespmem:s11+$0xFFFFFE10]  }
0x5e: {  	v7 =	vld [tilespmem:s11+$0xFFFFFE20]  }
0x5f: {  	v8 =	vld [tilespmem:s11+$0xFFFFFE30]  }
0x60: {  	v9 =	vld [tilespmem:s11+$0xFFFFFE40]  }
0x61: {  	v10 =	vld [tilespmem:s11+$0xFFFFFE50]  }
0x62: {  	v11 =	vld [tilespmem:s11+$0xFFFFFE60]  }
0x63: {  	v3 =	vld.idx.msk [tilespmem:v3+s22+$0x0], $0xffff  }
0x64: {  	v12 =	vld [tilespmem:s11+$0xFFFFFE70]  }
0x65: {  	v13 =	vld [tilespmem:s11+$0xFFFFFE80];
	v5 =	vmul.f32 v5, v1  }
0x66: {  	v14 =	vld [tilespmem:s11+$0xFFFFFE90];
	v4 =	vmul.f32 v4, v2  }
0x67: {  	v15 =	vld [tilespmem:s11+$0xFFFFFEA0];
	v6 =	vmul.f32 v6, v1;
	[tilespmem:s11+$0xFFFFFE00] =	vst v5  }
0x68: {  	s17 =	simm.s32 $0x2;
	v16 =	vld [tilespmem:s11+$0xFFFFFEB0];
	v8 =	vmul.f32 v8, v1;
	[tilespmem:s11+$0x170] =	vst v4  }
0x69: {  	v9 =	vmul.f32 v9, v1;
	v5 =	vmov s17;
	v4 =	vmul.f32 v7, v1;
	v7 =	vld [tilespmem:s11+$0xFFFFFEC0];
	[tilespmem:s11+$0xFFFFFE10] =	vst v6  }
0x6a: {  	v6 =	vmul.f32 v13, v3;
	v13 =	vld [tilespmem:s11+$0xFFFFFED0];
	[tilespmem:s11+$0xFFFFFE30] =	vst v8;
	v5 =	vand.u32 $0xFFFFFFFA, v5  }
0x6b: {  	v8 =	vmul.f32 v10, v1;
	v10 =	vld [tilespmem:s11+$0xFFFFFEF0];
	[tilespmem:s11+$0xFFFFFE40] =	vst v9;
	v5 =	vbroadcast v5, $0x0  }
0x6c: {  	v9 =	vmul.f32 v11, v1;
	v11 =	vld [tilespmem:s11+$0xFFFFFF00];
	[tilespmem:s11+$0xFFFFFE20] =	vst v4  }
0x6d: {  	v1 =	vmul.f32 v12, v1;
	v12 =	vld [tilespmem:s11+$0xFFFFFF20];
	[tilespmem:s11+$0xFFFFFE80] =	vst v6  }
0x6e: {  	s13 =	simm.s32 $0x3;
	v4 =	vld [tilespmem:s11+$0xFFFFFEE0];
	[tilespmem:s11+$0xFFFFFE50] =	vst v8  }
0x6f: {  	v6 =	vmov s13;
	v8 =	vld [tilespmem:s11+$0xFFFFFF10];
	[tilespmem:s11+$0xFFFFFE60] =	vst v9;
	v9 =	vmul.f32 v14, v3  }
0x70: {  	[tilespmem:s11+$0xFFFFFE70] =	vst v1;
	v1 =	vmul.f32 v15, v3;
	v14 =	vld [tilespmem:s11+$0xFFFFFF30];
	v6 =	vand.u32 $0xFFFFFFFB, v6  }
0x71: {  	v6 =	vbroadcast v6, $0x0;
	[tilespmem:s11+$0xFFFFFE90] =	vst v9;
	v9 =	vmul.f32 v16, v3;
	v5 =	vld.idx.msk [tilespmem:v5+s22+$0x0], $0xffff  }
0x72: {  	v15 =	vld [tilespmem:s11+$0xFFFFFF40];
	[tilespmem:s11+$0xFFFFFEA0] =	vst v1;
	v7 =	vmul.f32 v7, v3  }
0x73: {  	v13 =	vmul.f32 v13, v3;
	[tilespmem:s11+$0xFFFFFEB0] =	vst v9;
	v9 =	vld [tilespmem:s11+$0xFFFFFF60]  }
0x74: {  	[tilespmem:s11+$0xFFFFFEC0] =	vst v7;
	v4 =	vmul.f32 v4, v3;
	v7 =	vld [tilespmem:s11+$0xFFFFFF70]  }
0x75: {  	[tilespmem:s11+$0xFFFFFED0] =	vst v13;
	v3 =	vmul.f32 v10, v3;
	v10 =	vld [tilespmem:s11+$0xFFFFFF80]  }
0x76: {  	v13 =	vld [tilespmem:s11+$0xFFFFFFB0];
	[tilespmem:s11+$0xFFFFFEE0] =	vst v4;
	v1 =	vmul.f32 v11, v5  }
0x77: {  	[tilespmem:s11+$0xFFFFFEF0] =	vst v3;
	v6 =	vld.idx.msk [tilespmem:v6+s22+$0x0], $0xffff;
	v4 =	vmul.f32 v8, v5  }
0x78: {  	s14 =	simm.s32 $0x4;
	v11 =	vld [tilespmem:s11+$0xFFFFFF50];
	v3 =	vmul.f32 v12, v5;
	[tilespmem:s11+$0xFFFFFF00] =	vst v1  }
0x79: {  	v8 =	vld [tilespmem:s11+$0xFFFFFF90];
	v9 =	vmul.f32 v9, v5;
	v1 =	vmov s14;
	[tilespmem:s11+$0xFFFFFF10] =	vst v4  }
0x7a: {  	v12 =	vld [tilespmem:s11+$0xFFFFFFA0];
	v4 =	vmul.f32 v14, v5;
	[tilespmem:s11+$0xFFFFFF20] =	vst v3;
	v1 =	vand.u32 $0xFFFFFFFC, v1  }
0x7b: {  	v3 =	vmul.f32 v15, v5;
	v14 =	vld [tilespmem:s11+$0xFFFFFFC0];
	[tilespmem:s11+$0xFFFFFF60] =	vst v9;
	v1 =	vbroadcast v1, $0x0  }
0x7c: {  	v9 =	vld [tilespmem:s11+$0x0];
	[tilespmem:s11+$0xFFFFFF30] =	vst v4;
	v4 =	vmul.f32 v10, v6  }
0x7d: {  	s17 =	simm.s32 $0x5;
	v10 =	vld [tilespmem:s11+$0xFFFFFFD0];
	[tilespmem:s11+$0xFFFFFF40] =	vst v3;
	v11 =	vmul.f32 v11, v5  }
0x7e: {  	v3 =	vld [tilespmem:s11+$0xFFFFFFE0];
	v5 =	vmul.f32 v7, v5;
	[tilespmem:s11+$0xFFFFFF80] =	vst v4;
	v4 =	vmov s17  }
0x7f: {  	v7 =	vld [tilespmem:s11+$0xFFFFFFF0];
	v8 =	vmul.f32 v8, v6;
	[tilespmem:s11+$0xFFFFFF50] =	vst v11;
	v4 =	vand.u32 $0xFFFFFFFD, v4  }
0x80: {  	[tilespmem:s11+$0xFFFFFF70] =	vst v5;
	v5 =	vmul.f32 v12, v6;
	v11 =	vld [tilespmem:s11+$0x10];
	v4 =	vbroadcast v4, $0x0  }
0x81: {  	[tilespmem:s11+$0xFFFFFF90] =	vst v8;
	v8 =	vmul.f32 v13, v6;
	v1 =	vld.idx.msk [tilespmem:v1+s22+$0x0], $0xffff  }
0x82: {  	v12 =	vld [tilespmem:s11+$0x20];
	[tilespmem:s11+$0xFFFFFFA0] =	vst v5;
	v5 =	vmul.f32 v14, v6  }
0x83: {  	v13 =	vld [tilespmem:s11+$0x30];
	[tilespmem:s11+$0xFFFFFFB0] =	vst v8;
	v8 =	vmul.f32 v10, v6  }
0x84: {  	v10 =	vld [tilespmem:s11+$0x40];
	v3 =	vmul.f32 v3, v6;
	[tilespmem:s11+$0xFFFFFFC0] =	vst v5  }
0x85: {  	v6 =	vmul.f32 v7, v6;
	[tilespmem:s11+$0xFFFFFFD0] =	vst v8;
	v8 =	vld [tilespmem:s11+$0x60]  }
0x86: {  	[tilespmem:s11+$0xFFFFFFE0] =	vst v3;
	v4 =	vld.idx.msk [tilespmem:v4+s22+$0x0], $0xffff;
	v5 =	vmul.f32 v9, v1  }
0x87: {  	[tilespmem:s11+$0xFFFFFFF0] =	vst v6;
	v9 =	vld [tilespmem:s11+$0x50];
	v6 =	vmul.f32 v12, v1  }
0x88: {  	v3 =	vmul.f32 v11, v1;
	v11 =	vld [tilespmem:s11+$0x90];
	[tilespmem:s11+$0x0] =	vst v5  }
0x89: {  	v7 =	vld [tilespmem:s11+$0x80];
	[tilespmem:s11+$0x20] =	vst v6;
	v6 =	vmul.f32 v10, v1  }
0x8a: {  	v5 =	vld [tilespmem:s11+$0x70];
	[tilespmem:s11+$0x10] =	vst v3;
	v3 =	vmul.f32 v13, v1  }
0x8b: {  	v10 =	vld [tilespmem:s11+$0xA0];
	[tilespmem:s11+$0x40] =	vst v6;
	v6 =	vmul.f32 v8, v1  }
0x8c: {  	[tilespmem:s11+$0x30] =	vst v3;
	v8 =	vld [tilespmem:s11+$0xC0];
	v3 =	vmul.f32 v9, v1  }
0x8d: {  	v9 =	vld [tilespmem:s11+$0xB0];
	v11 =	vmul.f32 v11, v4;
	[tilespmem:s11+$0x60] =	vst v6  }
0x8e: {  	s13 =	simm.s32 $0x7;
	v6 =	vld [tilespmem:s11+$0xE0];
	[tilespmem:s11+$0x50] =	vst v3;
	v3 =	vmul.f32 v7, v4  }
0x8f: {  	v12 =	vmov s13;
	v7 =	vld [tilespmem:s11+$0xD0];
	v5 =	vmul.f32 v5, v1;
	[tilespmem:s11+$0x90] =	vst v11  }
0x90: {  	v11 =	vld [tilespmem:s11+$0x150];
	[tilespmem:s11+$0x80] =	vst v3  }
0x91: {  	[tilespmem:s11+$0x70] =	vst v5;
	v3 =	vmul.f32 v10, v4;
	v5 =	vld [tilespmem:s11+$0xF0]  }
0x92: {  	v10 =	vld [tilespmem:s11+$0x100];
	v9 =	vmul.f32 v9, v4  }
0x93: {  	[tilespmem:s11+$0xA0] =	vst v3;
	v3 =	vmul.f32 v8, v4;
	v8 =	vld [tilespmem:s11+$0x110]  }
0x94: {  	v1 =	vld.idx.msk [tilespmem:v12+s22+$0x0], $0xffff;
	[tilespmem:s11+$0xB0] =	vst v9;
	v7 =	vmul.f32 v7, v4  }
0x95: {  	v9 =	vld [tilespmem:s11+$0x120];
	v11 =	vmul.f32 v11, v2;
	[tilespmem:s11+$0xC0] =	vst v3  }
0x96: {  	s13 =	simm.s32 $0x9;
	v3 =	vmul.f32 v6, v4;
	v6 =	vld [tilespmem:s11+$0x130];
	[tilespmem:s11+$0xD0] =	vst v7;
	v4 =	vmul.f32 v5, v4  }
0x97: {  	s14 =	simm.s32 $0x8;
	v12 =	vmov s13;
	v5 =	vld [tilespmem:s11+$0x140];
	[tilespmem:s11+$0x150] =	vst v11  }
0x98: {  	s17 =	simm.s32 $0xF;
	v7 =	vmov s14;
	v10 =	vmul.f32 v10, v2;
	s14 =	simm.s32 $0xA;
	[tilespmem:s11+$0xF0] =	vst v4;
	v4 =	vmul.f32 v8, v2;
	v8 =	vld [tilespmem:s11+$0x160]  }
0x99: {  	v14 =	vld [tilespmem:s11+$0x180];
	s13 =	simm.s32 $0xB;
	[tilespmem:s11+$0xE0] =	vst v3;
	v7 =	vand.u32 $0xFFFFFFF8, v7;
	v3 =	vmov s17;
	v13 =	vmov s14;
	s14 =	simm.s32 $0xC  }
0x9a: {  	v17 =	vld [tilespmem:s11+$0x190];
	s17 =	simm.s32 $0xD;
	[tilespmem:s11+$0x100] =	vst v10;
	v10 =	vmov s13;
	v15 =	vmov s14;
	v9 =	vmul.f32 v9, v2  }
0x9b: {  	v18 =	vmov s17;
	[tilespmem:s11+$0x110] =	vst v4;
	v16 =	vmul.f32 v6, v2;
	v4 =	vbroadcast v7, $0x0;
	v6 =	vld [tilespmem:s11+$0x1A0]  }
0x9c: {  	v7 =	vld [tilespmem:s11+$0x1B0];
	[tilespmem:s11+$0x120] =	vst v9;
	v9 =	vmul.f32 v5, v2;
	v5 =	vand.u32 $0xFFFFFFF9, v12;
	v12 =	vand.u32 $0xFFFFFFFA, v13  }
0x9d: {  	v13 =	vand.u32 $0xFFFFFFFB, v10;
	[tilespmem:s11+$0x130] =	vst v16;
	v5 =	vbroadcast v5, $0x0;
	v16 =	vmul.f32 v8, v2;
	v8 =	vld [tilespmem:s11+$0x1C0]  }
0x9e: {  	v10 =	vbroadcast v12, $0x0;
	[tilespmem:s11+$0x140] =	vst v9;
	v2 =	vand.u32 $0xFFFFFFFC, v15;
	v15 =	vmul.f32 v14, v1;
	v9 =	vld [tilespmem:s11+$0x1D0]  }
0x9f: {  	s12 =	simm.s32 $0x10;
	v11 =	vld [tilespmem:s11+$0x1E0];
	s13 =	simm.s32 $0xE;
	v12 =	vbroadcast v13, $0x0;
	v13 =	vmul.f32 v17, v1;
	v14 =	vand.u32 $0xFFFFFFFD, v18;
	[tilespmem:s11+$0x160] =	vst v16  }
.LBB2_5:
0xa0: {  	p0 =	slt.u32 s12, $0x98;
	v2 =	vbroadcast v2, $0x0;
	v16 =	vmov s13;
	[tilespmem:s11+$0x180] =	vst v15;
	v6 =	vmul.f32 v6, v1;
	v15 =	vld [tilespmem:s11+$0x1F0]  }
0xa1: {  	v14 =	vbroadcast v14, $0x0;
	v16 =	vand.u32 $0xFFFFFFFE, v16;
	v17 =	vld.idx.msk [tilespmem:v3+s22+$0x0], $0xffff;
	[tilespmem:s11+$0x190] =	vst v13;
	v3 =	vmul.f32 v7, v1  }
0xa2: {  	v7 =	vld.idx.msk [tilespmem:v4+s22+$0x0], $0xffff;
	v13 =	vbroadcast v16, $0x0;
	[tilespmem:s11+$0x1A0] =	vst v6;
	v4 =	vmul.f32 v8, v1  }
0xa3: {  	v6 =	vld.idx.msk [tilespmem:v5+s22+$0x0], $0xffff;
	[tilespmem:s11+$0x1B0] =	vst v3;
	v3 =	vmul.f32 v9, v1  }
0xa4: {  	v8 =	vld.idx.msk [tilespmem:v10+s22+$0x0], $0xffff;
	[tilespmem:s11+$0x1C0] =	vst v4;
	v9 =	vmul.f32 v11, v1  }
0xa5: {  	v5 =	vld.idx.msk [tilespmem:v12+s22+$0x0], $0xffff;
	[tilespmem:s11+$0x1D0] =	vst v3;
	v10 =	vmul.f32 v15, v1  }
0xa6: {  	v4 =	vld.idx.msk [tilespmem:v2+s22+$0x0], $0xffff;
	[tilespmem:s11+$0x1E0] =	vst v9  }
0xa7: {  	v1 =	vmov v17;
	v3 =	vld.idx.msk [tilespmem:v14+s22+$0x0], $0xffff;
	[tilespmem:s11+$0x1F0] =	vst v10  }
0xa8: {  	s11 =	sadd.s32 $0x400, s11;
	v2 =	vld.idx.msk [tilespmem:v13+s22+$0x0], $0xffff  }
0xa9: {  	v9 =	vld [tilespmem:s11+$0x170]  }
0xaa: {  	v10 =	vld [tilespmem:s11+$0xFFFFFE00]  }
0xab: {  	v11 =	vld [tilespmem:s11+$0xFFFFFE10]  }
0xac: {  	v12 =	vld [tilespmem:s11+$0xFFFFFE20]  }
0xad: {  	v13 =	vld [tilespmem:s11+$0xFFFFFE30]  }
0xae: {  	v14 =	vld [tilespmem:s11+$0xFFFFFE40];
	v9 =	vmul.f32 v9, v2  }
0xaf: {  	v10 =	vmul.f32 v10, v7;
	v15 =	vld [tilespmem:s11+$0xFFFFFE50]  }
0xb0: {  	v11 =	vmul.f32 v11, v7;
	v16 =	vld [tilespmem:s11+$0xFFFFFE60];
	[tilespmem:s11+$0x170] =	vst v9  }
0xb1: {  	[tilespmem:s11+$0xFFFFFE00] =	vst v10;
	v9 =	vmul.f32 v12, v7;
	v10 =	vld [tilespmem:s11+$0xFFFFFE70]  }
0xb2: {  	[tilespmem:s11+$0xFFFFFE10] =	vst v11;
	v11 =	vmul.f32 v13, v7;
	v12 =	vld [tilespmem:s11+$0xFFFFFE80]  }
0xb3: {  	[tilespmem:s11+$0xFFFFFE20] =	vst v9;
	v9 =	vmul.f32 v14, v7;
	v13 =	vld [tilespmem:s11+$0xFFFFFE90]  }
0xb4: {  	[tilespmem:s11+$0xFFFFFE30] =	vst v11;
	v11 =	vmul.f32 v15, v7;
	v14 =	vld [tilespmem:s11+$0xFFFFFEA0]  }
0xb5: {  	[tilespmem:s11+$0xFFFFFE40] =	vst v9;
	v9 =	vmul.f32 v16, v7;
	v15 =	vld [tilespmem:s11+$0xFFFFFEB0]  }
0xb6: {  	[tilespmem:s11+$0xFFFFFE50] =	vst v11;
	v7 =	vmul.f32 v10, v7;
	v10 =	vld [tilespmem:s11+$0xFFFFFEC0]  }
0xb7: {  	[tilespmem:s11+$0xFFFFFE60] =	vst v9;
	v9 =	vmul.f32 v12, v6;
	v11 =	vld [tilespmem:s11+$0xFFFFFED0]  }
0xb8: {  	[tilespmem:s11+$0xFFFFFE70] =	vst v7;
	v7 =	vmul.f32 v13, v6;
	v12 =	vld [tilespmem:s11+$0xFFFFFEE0]  }
0xb9: {  	[tilespmem:s11+$0xFFFFFE80] =	vst v9;
	v9 =	vmul.f32 v14, v6;
	v13 =	vld [tilespmem:s11+$0xFFFFFEF0]  }
0xba: {  	[tilespmem:s11+$0xFFFFFE90] =	vst v7;
	v7 =	vmul.f32 v15, v6;
	v14 =	vld [tilespmem:s11+$0xFFFFFF00]  }
0xbb: {  	[tilespmem:s11+$0xFFFFFEA0] =	vst v9;
	v9 =	vmul.f32 v10, v6;
	v10 =	vld [tilespmem:s11+$0xFFFFFF10]  }
0xbc: {  	[tilespmem:s11+$0xFFFFFEB0] =	vst v7;
	v7 =	vmul.f32 v11, v6;
	v11 =	vld [tilespmem:s11+$0xFFFFFF20]  }
0xbd: {  	[tilespmem:s11+$0xFFFFFEC0] =	vst v9;
	v9 =	vmul.f32 v12, v6;
	v12 =	vld [tilespmem:s11+$0xFFFFFF30]  }
0xbe: {  	[tilespmem:s11+$0xFFFFFED0] =	vst v7;
	v6 =	vmul.f32 v13, v6;
	v7 =	vld [tilespmem:s11+$0xFFFFFF40]  }
0xbf: {  	[tilespmem:s11+$0xFFFFFEE0] =	vst v9;
	v9 =	vmul.f32 v14, v8;
	v13 =	vld [tilespmem:s11+$0xFFFFFF50]  }
0xc0: {  	[tilespmem:s11+$0xFFFFFEF0] =	vst v6;
	v6 =	vmul.f32 v10, v8;
	v10 =	vld [tilespmem:s11+$0xFFFFFF60]  }
0xc1: {  	[tilespmem:s11+$0xFFFFFF00] =	vst v9;
	v9 =	vmul.f32 v11, v8;
	v11 =	vld [tilespmem:s11+$0xFFFFFF70]  }
0xc2: {  	[tilespmem:s11+$0xFFFFFF10] =	vst v6;
	v6 =	vmul.f32 v12, v8;
	v12 =	vld [tilespmem:s11+$0xFFFFFF80]  }
0xc3: {  	[tilespmem:s11+$0xFFFFFF20] =	vst v9;
	v7 =	vmul.f32 v7, v8;
	v9 =	vld [tilespmem:s11+$0xFFFFFF90]  }
0xc4: {  	[tilespmem:s11+$0xFFFFFF30] =	vst v6;
	v6 =	vmul.f32 v13, v8;
	v13 =	vld [tilespmem:s11+$0xFFFFFFA0]  }
0xc5: {  	[tilespmem:s11+$0xFFFFFF40] =	vst v7;
	v7 =	vmul.f32 v10, v8;
	v10 =	vld [tilespmem:s11+$0xFFFFFFB0]  }
0xc6: {  	[tilespmem:s11+$0xFFFFFF50] =	vst v6;
	v6 =	vmul.f32 v11, v8;
	v8 =	vld [tilespmem:s11+$0xFFFFFFC0]  }
0xc7: {  	[tilespmem:s11+$0xFFFFFF60] =	vst v7;
	v7 =	vmul.f32 v12, v5;
	v11 =	vld [tilespmem:s11+$0xFFFFFFD0]  }
0xc8: {  	[tilespmem:s11+$0xFFFFFF70] =	vst v6;
	v6 =	vmul.f32 v9, v5;
	v9 =	vld [tilespmem:s11+$0xFFFFFFE0]  }
0xc9: {  	[tilespmem:s11+$0xFFFFFF80] =	vst v7;
	v7 =	vmul.f32 v13, v5;
	v12 =	vld [tilespmem:s11+$0xFFFFFFF0]  }
0xca: {  	[tilespmem:s11+$0xFFFFFF90] =	vst v6;
	v6 =	vmul.f32 v10, v5;
	v10 =	vld [tilespmem:s11+$0x0]  }
0xcb: {  	[tilespmem:s11+$0xFFFFFFA0] =	vst v7;
	v7 =	vmul.f32 v8, v5;
	v8 =	vld [tilespmem:s11+$0x10]  }
0xcc: {  	[tilespmem:s11+$0xFFFFFFB0] =	vst v6;
	v6 =	vmul.f32 v11, v5;
	v11 =	vld [tilespmem:s11+$0x20]  }
0xcd: {  	[tilespmem:s11+$0xFFFFFFC0] =	vst v7;
	v7 =	vmul.f32 v9, v5;
	v9 =	vld [tilespmem:s11+$0x30]  }
0xce: {  	[tilespmem:s11+$0xFFFFFFD0] =	vst v6;
	v5 =	vmul.f32 v12, v5;
	v6 =	vld [tilespmem:s11+$0x40]  }
0xcf: {  	[tilespmem:s11+$0xFFFFFFE0] =	vst v7;
	v7 =	vmul.f32 v10, v4;
	v10 =	vld [tilespmem:s11+$0x50]  }
0xd0: {  	[tilespmem:s11+$0xFFFFFFF0] =	vst v5;
	v5 =	vmul.f32 v8, v4;
	v8 =	vld [tilespmem:s11+$0x60]  }
0xd1: {  	[tilespmem:s11+$0x0] =	vst v7;
	v7 =	vmul.f32 v11, v4;
	v11 =	vld [tilespmem:s11+$0x70]  }
0xd2: {  	[tilespmem:s11+$0x10] =	vst v5;
	v5 =	vmul.f32 v9, v4;
	v9 =	vld [tilespmem:s11+$0x80]  }
0xd3: {  	[tilespmem:s11+$0x20] =	vst v7;
	v6 =	vmul.f32 v6, v4;
	v7 =	vld [tilespmem:s11+$0x90]  }
0xd4: {  	[tilespmem:s11+$0x30] =	vst v5;
	v5 =	vmul.f32 v10, v4;
	v10 =	vld [tilespmem:s11+$0xA0]  }
0xd5: {  	[tilespmem:s11+$0x40] =	vst v6;
	v6 =	vmul.f32 v8, v4;
	v8 =	vld [tilespmem:s11+$0xB0]  }
0xd6: {  	[tilespmem:s11+$0x50] =	vst v5;
	v4 =	vmul.f32 v11, v4;
	v5 =	vld [tilespmem:s11+$0xC0]  }
0xd7: {  	[tilespmem:s11+$0x60] =	vst v6;
	v6 =	vmul.f32 v9, v3;
	v9 =	vld [tilespmem:s11+$0xD0]  }
0xd8: {  	[tilespmem:s11+$0x70] =	vst v4;
	v4 =	vmul.f32 v7, v3;
	v7 =	vld [tilespmem:s11+$0xE0]  }
0xd9: {  	[tilespmem:s11+$0x80] =	vst v6;
	v6 =	vmul.f32 v10, v3;
	v10 =	vld [tilespmem:s11+$0xF0]  }
0xda: {  	[tilespmem:s11+$0x90] =	vst v4;
	v4 =	vmul.f32 v8, v3;
	v8 =	vld [tilespmem:s11+$0x100]  }
0xdb: {  	[tilespmem:s11+$0xA0] =	vst v6;
	v5 =	vmul.f32 v5, v3;
	v6 =	vld [tilespmem:s11+$0x110]  }
0xdc: {  	[tilespmem:s11+$0xB0] =	vst v4;
	v4 =	vmul.f32 v9, v3;
	v9 =	vld [tilespmem:s11+$0x120]  }
0xdd: {  	[tilespmem:s11+$0xC0] =	vst v5;
	v5 =	vmul.f32 v7, v3;
	v7 =	vld [tilespmem:s11+$0x130]  }
0xde: {  	[tilespmem:s11+$0xD0] =	vst v4;
	v4 =	vmul.f32 v10, v3;
	v10 =	vld [tilespmem:s11+$0x140]  }
0xdf: {  	s13 =	sadd.s32 $0x7, s12;
	v3 =	vmov s12;
	[tilespmem:s11+$0xE0] =	vst v5;
	v5 =	vmul.f32 v8, v2;
	v8 =	vld [tilespmem:s11+$0x150]  }
0xe0: {  	s14 =	sadd.s32 $0x1, s12;
	s17 =	sadd.s32 $0x2, s12;
	v11 =	vand.u32 $0xFFFFFFF8, v3;
	v3 =	vmov s13;
	[tilespmem:s11+$0xF0] =	vst v4;
	v4 =	vmul.f32 v6, v2;
	v12 =	vld [tilespmem:s11+$0x160]  }
0xe1: {  	v14 =	vmov s17;
	v13 =	vmov s14;
	s14 =	sadd.s32 $0x4, s12;
	s13 =	sadd.s32 $0x3, s12;
	[tilespmem:s11+$0x100] =	vst v5;
	v5 =	vmul.f32 v9, v2;
	v9 =	vld [tilespmem:s11+$0x180]  }
0xe2: {  	v16 =	vmov s14;
	v15 =	vmov s13;
	s13 =	sadd.s32 $0x5, s12;
	[tilespmem:s11+$0x110] =	vst v4;
	v7 =	vmul.f32 v7, v2;
	v17 =	vld [tilespmem:s11+$0x190]  }
.Ltmp1:
0xe3: {  	v4 =	vbroadcast v11, $0x0;
	v11 =	vmov s13;
	[tilespmem:s11+$0x120] =	vst v5;
	v10 =	vmul.f32 v10, v2;
	v6 =	vld [tilespmem:s11+$0x1A0];
	(pc) =	sbr.rel @p0 .LBB2_5-.Ltmp1, $4  }
0xe4: {  	v5 =	vand.u32 $0xFFFFFFF9, v13;
	v13 =	vand.u32 $0xFFFFFFFA, v14;
	[tilespmem:s11+$0x130] =	vst v7;
	v14 =	vmul.f32 v8, v2;
	v7 =	vld [tilespmem:s11+$0x1B0]  }
0xe5: {  	v18 =	vand.u32 $0xFFFFFFFB, v15;
	v5 =	vbroadcast v5, $0x0;
	[tilespmem:s11+$0x140] =	vst v10;
	v19 =	vmul.f32 v12, v2;
	v8 =	vld [tilespmem:s11+$0x1C0]  }
0xe6: {  	v10 =	vbroadcast v13, $0x0;
	v2 =	vand.u32 $0xFFFFFFFC, v16;
	[tilespmem:s11+$0x150] =	vst v14;
	v15 =	vmul.f32 v9, v1;
	v9 =	vld [tilespmem:s11+$0x1D0]  }
0xe7: {  	s13 =	sadd.s32 $0x6, s12;
	s12 =	sadd.s32 $0x8, s12;
	v12 =	vbroadcast v18, $0x0;
	v14 =	vand.u32 $0xFFFFFFFD, v11;
	[tilespmem:s11+$0x160] =	vst v19;
	v13 =	vmul.f32 v17, v1;
	v11 =	vld [tilespmem:s11+$0x1E0]  }
0xe8: {  	_ =	sdelay $0x2  }
0xe9: {  	v16 =	vld [tilespmem:s11+$0x1F0]  }
0xea: {  	v18 =	vld.idx.msk [tilespmem:v4+s22+$0x0], $0xffff  }
0xeb: {  	[tilespmem:s11+$0x180] =	vst v15;
	v15 =	vbroadcast v2, $0x0;
	v2 =	vmov s13;
	v10 =	vld.idx.msk [tilespmem:v10+s22+$0x0], $0xffff  }
0xec: {  	v17 =	vand.u32 $0xFFFFFFFE, v2;
	v2 =	vld.idx.msk [tilespmem:v3+s22+$0x0], $0xffff  }
0xed: {  	s12 =	sadd.s32 $0x400, s11;
	v12 =	vld.idx.msk [tilespmem:v12+s22+$0x0], $0xffff  }
0xee: {  	v14 =	vbroadcast v14, $0x0;
	v6 =	vmul.f32 v6, v1;
	[tilespmem:s11+$0x190] =	vst v13;
	v13 =	vld [tilespmem:s12+$0x170]  }
0xef: {  	v7 =	vmul.f32 v7, v1;
	v3 =	vbroadcast v17, $0x0;
	v17 =	vld.idx.msk [tilespmem:v5+s22+$0x0], $0xffff  }
0xf0: {  	[tilespmem:s11+$0x1A0] =	vst v6;
	v6 =	vmul.f32 v8, v1;
	v8 =	vld [tilespmem:s12+$0xFFFFFE00]  }
0xf1: {  	[tilespmem:s11+$0x1B0] =	vst v7;
	v7 =	vmul.f32 v9, v1;
	v9 =	vld [tilespmem:s12+$0xFFFFFE10]  }
0xf2: {  	[tilespmem:s11+$0x1C0] =	vst v6;
	v6 =	vmul.f32 v11, v1;
	v11 =	vld [tilespmem:s12+$0xFFFFFE20]  }
0xf3: {  	[tilespmem:s11+$0x1D0] =	vst v7;
	v7 =	vld [tilespmem:s12+$0xFFFFFE30]  }
0xf4: {  	v5 =	vld.idx.msk [tilespmem:v15+s22+$0x0], $0xffff  }
0xf5: {  	v1 =	vmul.f32 v16, v1;
	v4 =	vld.idx.msk [tilespmem:v14+s22+$0x0], $0xffff  }
0xf6: {  	[tilespmem:s11+$0x1E0] =	vst v6;
	v6 =	vld [tilespmem:s12+$0xFFFFFE40]  }
0xf7: {  	[tilespmem:s11+$0x1F0] =	vst v1;
	v1 =	vmul.f32 v8, v18;
	v3 =	vld.idx.msk [tilespmem:v3+s22+$0x0], $0xffff  }
0xf8: {  	v8 =	vld [tilespmem:s12+$0xFFFFFE50];
	v9 =	vmul.f32 v9, v18  }
0xf9: {  	v14 =	vld [tilespmem:s12+$0xFFFFFE60];
	[tilespmem:s12+$0xFFFFFE00] =	vst v1;
	v1 =	vmul.f32 v11, v18  }
0xfa: {  	v11 =	vld [tilespmem:s12+$0xFFFFFE70];
	[tilespmem:s12+$0xFFFFFE10] =	vst v9;
	v7 =	vmul.f32 v7, v18  }
0xfb: {  	v9 =	vld [tilespmem:s12+$0xFFFFFE80];
	[tilespmem:s12+$0xFFFFFE20] =	vst v1;
	v1 =	vmul.f32 v6, v18  }
0xfc: {  	v6 =	vld [tilespmem:s12+$0xFFFFFE90];
	[tilespmem:s12+$0xFFFFFE30] =	vst v7;
	v13 =	vmul.f32 v13, v3  }
0xfd: {  	v7 =	vmul.f32 v8, v18;
	v8 =	vld [tilespmem:s12+$0xFFFFFEA0];
	[tilespmem:s12+$0xFFFFFE40] =	vst v1  }
0xfe: {  	v1 =	vmul.f32 v14, v18;
	[tilespmem:s12+$0x170] =	vst v13;
	v13 =	vld [tilespmem:s12+$0xFFFFFEB0]  }
0xff: {  	[tilespmem:s12+$0xFFFFFE50] =	vst v7;
	v7 =	vmul.f32 v11, v18;
	v11 =	vld [tilespmem:s12+$0xFFFFFEC0]  }
0x100: {  	[tilespmem:s12+$0xFFFFFE60] =	vst v1;
	v1 =	vmul.f32 v9, v17;
	v9 =	vld [tilespmem:s12+$0xFFFFFED0]  }
0x101: {  	[tilespmem:s12+$0xFFFFFE70] =	vst v7;
	v6 =	vmul.f32 v6, v17;
	v7 =	vld [tilespmem:s12+$0xFFFFFEE0]  }
0x102: {  	[tilespmem:s12+$0xFFFFFE80] =	vst v1;
	v1 =	vmul.f32 v8, v17;
	v8 =	vld [tilespmem:s12+$0xFFFFFEF0]  }
0x103: {  	[tilespmem:s12+$0xFFFFFE90] =	vst v6;
	v6 =	vmul.f32 v13, v17;
	v13 =	vld [tilespmem:s12+$0xFFFFFF00]  }
0x104: {  	[tilespmem:s12+$0xFFFFFEA0] =	vst v1;
	v1 =	vmul.f32 v11, v17;
	v11 =	vld [tilespmem:s12+$0xFFFFFF10]  }
0x105: {  	[tilespmem:s12+$0xFFFFFEB0] =	vst v6;
	v6 =	vmul.f32 v9, v17;
	v9 =	vld [tilespmem:s12+$0xFFFFFF20]  }
0x106: {  	[tilespmem:s12+$0xFFFFFEC0] =	vst v1;
	v1 =	vmul.f32 v7, v17;
	v7 =	vld [tilespmem:s12+$0xFFFFFF30]  }
0x107: {  	[tilespmem:s12+$0xFFFFFED0] =	vst v6;
	v6 =	vmul.f32 v8, v17;
	v8 =	vld [tilespmem:s12+$0xFFFFFF40]  }
0x108: {  	[tilespmem:s12+$0xFFFFFEE0] =	vst v1;
	v1 =	vmul.f32 v13, v10;
	v13 =	vld [tilespmem:s12+$0xFFFFFF50]  }
0x109: {  	[tilespmem:s12+$0xFFFFFEF0] =	vst v6;
	v6 =	vmul.f32 v11, v10;
	v11 =	vld [tilespmem:s12+$0xFFFFFF60]  }
0x10a: {  	[tilespmem:s12+$0xFFFFFF00] =	vst v1;
	v1 =	vmul.f32 v9, v10;
	v9 =	vld [tilespmem:s12+$0xFFFFFF70]  }
0x10b: {  	[tilespmem:s12+$0xFFFFFF10] =	vst v6;
	v6 =	vmul.f32 v7, v10;
	v7 =	vld [tilespmem:s12+$0xFFFFFF80]  }
0x10c: {  	[tilespmem:s12+$0xFFFFFF20] =	vst v1;
	v1 =	vmul.f32 v8, v10;
	v8 =	vld [tilespmem:s12+$0xFFFFFF90]  }
0x10d: {  	[tilespmem:s12+$0xFFFFFF30] =	vst v6;
	v6 =	vmul.f32 v13, v10;
	v13 =	vld [tilespmem:s12+$0xFFFFFFA0]  }
0x10e: {  	[tilespmem:s12+$0xFFFFFF40] =	vst v1;
	v1 =	vmul.f32 v11, v10;
	v11 =	vld [tilespmem:s12+$0xFFFFFFB0]  }
0x10f: {  	[tilespmem:s12+$0xFFFFFF50] =	vst v6;
	v6 =	vmul.f32 v9, v10;
	v9 =	vld [tilespmem:s12+$0xFFFFFFC0]  }
0x110: {  	[tilespmem:s12+$0xFFFFFF60] =	vst v1;
	v1 =	vmul.f32 v7, v12;
	v7 =	vld [tilespmem:s12+$0xFFFFFFD0]  }
0x111: {  	[tilespmem:s12+$0xFFFFFF70] =	vst v6;
	v6 =	vmul.f32 v8, v12;
	v8 =	vld [tilespmem:s12+$0xFFFFFFE0]  }
0x112: {  	v10 =	vld [tilespmem:s12+$0xFFFFFFF0];
	[tilespmem:s12+$0xFFFFFF80] =	vst v1;
	v1 =	vmul.f32 v13, v12  }
0x113: {  	[tilespmem:s12+$0xFFFFFF90] =	vst v6;
	v6 =	vmul.f32 v11, v12;
	v11 =	vld [tilespmem:s12+$0x0]  }
0x114: {  	[tilespmem:s12+$0xFFFFFFA0] =	vst v1;
	v1 =	vmul.f32 v9, v12;
	v9 =	vld [tilespmem:s12+$0x10]  }
0x115: {  	[tilespmem:s12+$0xFFFFFFB0] =	vst v6;
	v6 =	vmul.f32 v7, v12;
	v7 =	vld [tilespmem:s12+$0x20]  }
0x116: {  	[tilespmem:s12+$0xFFFFFFC0] =	vst v1;
	v1 =	vmul.f32 v8, v12;
	v8 =	vld [tilespmem:s12+$0x30]  }
0x117: {  	[tilespmem:s12+$0xFFFFFFD0] =	vst v6;
	v6 =	vmul.f32 v10, v12;
	v10 =	vld [tilespmem:s12+$0x40]  }
0x118: {  	[tilespmem:s12+$0xFFFFFFE0] =	vst v1;
	v1 =	vmul.f32 v11, v5;
	v11 =	vld [tilespmem:s12+$0x50]  }
0x119: {  	[tilespmem:s12+$0xFFFFFFF0] =	vst v6;
	v6 =	vmul.f32 v9, v5;
	v9 =	vld [tilespmem:s12+$0x60]  }
0x11a: {  	[tilespmem:s12+$0x0] =	vst v1;
	v1 =	vmul.f32 v7, v5;
	v7 =	vld [tilespmem:s12+$0x70]  }
0x11b: {  	[tilespmem:s12+$0x10] =	vst v6;
	v6 =	vmul.f32 v8, v5;
	v8 =	vld [tilespmem:s12+$0x80]  }
0x11c: {  	[tilespmem:s12+$0x20] =	vst v1;
	v1 =	vmul.f32 v10, v5;
	v10 =	vld [tilespmem:s12+$0x90]  }
0x11d: {  	[tilespmem:s12+$0x30] =	vst v6;
	v6 =	vmul.f32 v11, v5;
	v11 =	vld [tilespmem:s12+$0xA0]  }
0x11e: {  	[tilespmem:s12+$0x40] =	vst v1;
	v1 =	vmul.f32 v9, v5;
	v9 =	vld [tilespmem:s12+$0xB0]  }
0x11f: {  	[tilespmem:s12+$0x50] =	vst v6;
	v5 =	vmul.f32 v7, v5;
	v6 =	vld [tilespmem:s12+$0xC0]  }
0x120: {  	v7 =	vld [tilespmem:s12+$0xD0];
	[tilespmem:s12+$0x60] =	vst v1;
	v1 =	vmul.f32 v8, v4  }
0x121: {  	v8 =	vld [tilespmem:s12+$0xE0];
	[tilespmem:s12+$0x70] =	vst v5;
	v5 =	vmul.f32 v10, v4  }
0x122: {  	v10 =	vld [tilespmem:s12+$0xF0];
	[tilespmem:s12+$0x80] =	vst v1;
	v1 =	vmul.f32 v11, v4  }
0x123: {  	[tilespmem:s12+$0x90] =	vst v5;
	v5 =	vmul.f32 v9, v4;
	v9 =	vld [tilespmem:s12+$0x100]  }
0x124: {  	[tilespmem:s12+$0xA0] =	vst v1;
	v1 =	vmul.f32 v6, v4;
	v6 =	vld [tilespmem:s12+$0x110]  }
0x125: {  	[tilespmem:s12+$0xB0] =	vst v5;
	v5 =	vmul.f32 v7, v4;
	v7 =	vld [tilespmem:s12+$0x120]  }
0x126: {  	[tilespmem:s12+$0xC0] =	vst v1;
	v1 =	vmul.f32 v8, v4;
	v8 =	vld [tilespmem:s12+$0x130]  }
0x127: {  	v4 =	vmul.f32 v10, v4;
	[tilespmem:s12+$0xD0] =	vst v5;
	v5 =	vld [tilespmem:s12+$0x140]  }
0x128: {  	[tilespmem:s12+$0xE0] =	vst v1;
	v1 =	vmul.f32 v9, v3;
	v9 =	vld [tilespmem:s12+$0x150]  }
0x129: {  	[tilespmem:s12+$0xF0] =	vst v4;
	v4 =	vmul.f32 v6, v3;
	v6 =	vld [tilespmem:s12+$0x160]  }
0x12a: {  	[tilespmem:s12+$0x100] =	vst v1;
	v1 =	vmul.f32 v7, v3;
	v7 =	vld [tilespmem:s12+$0x180]  }
0x12b: {  	[tilespmem:s12+$0x110] =	vst v4;
	v4 =	vmul.f32 v8, v3;
	v8 =	vld [tilespmem:s12+$0x190]  }
0x12c: {  	[tilespmem:s12+$0x120] =	vst v1;
	v1 =	vmul.f32 v5, v3;
	v5 =	vld [tilespmem:s12+$0x1A0]  }
0x12d: {  	[tilespmem:s12+$0x130] =	vst v4;
	v4 =	vmul.f32 v9, v3;
	v9 =	vld [tilespmem:s12+$0x1B0]  }
0x12e: {  	[tilespmem:s12+$0x140] =	vst v1;
	v1 =	vmul.f32 v6, v3;
	v3 =	vld [tilespmem:s12+$0x1C0]  }
0x12f: {  	v6 =	vld [tilespmem:s12+$0x1D0];
	[tilespmem:s12+$0x150] =	vst v4;
	v4 =	vmul.f32 v7, v2  }
0x130: {  	v7 =	vld [tilespmem:s12+$0x1E0];
	[tilespmem:s12+$0x160] =	vst v1;
	v1 =	vmul.f32 v8, v2  }
0x131: {  	[tilespmem:s12+$0x180] =	vst v4;
	v4 =	vmul.f32 v5, v2;
	v5 =	vld [tilespmem:s12+$0x1F0]  }
0x132: {  	[tilespmem:s12+$0x190] =	vst v1;
	v1 =	vmul.f32 v9, v2  }
0x133: {  	[tilespmem:s12+$0x1A0] =	vst v4;
	v3 =	vmul.f32 v3, v2  }
0x134: {  	[tilespmem:s12+$0x1B0] =	vst v1;
	v1 =	vmul.f32 v6, v2  }
0x135: {  	[tilespmem:s12+$0x1C0] =	vst v3;
	v3 =	vmul.f32 v7, v2  }
0x136: {  	[tilespmem:s12+$0x1D0] =	vst v1;
	v1 =	vmul.f32 v5, v2  }
0x137: {  	[tilespmem:s12+$0x1E0] =	vst v3  }
0x138: {  	[tilespmem:s12+$0x1F0] =	vst v1  }
0x139: {  	[spmem:s1] =	stream.indirect.scatter.add.f32 [tilespmem:s18], [sflag:$0x2], $0x80, s21, s23, $0xb8;
	[tilespmem:$0x1DE80] =	vst v63  }
0x13a: {  	_ =	swait.ge [sflag:s31], $0x5000  }
0x13b: {  	s13 =	smul.u32 $0x140, s10;
	[sflag:s31] =	ssyncset.done $0x0  }
0x13c: {  	[sflag:s31] =	ssyncadd.s32 $0xFFFFB000  }
0x13d: {  	s11 =	sadd.s32 s13, s16;
	_ =	swait.ge [sflag:s0], $0x5000  }
0x13e: {  	s11 =	sshrl.u32 s11, $0x3;
	[sflag:s0] =	ssyncset.done $0x0  }
0x13f: {  	s13 =	simm.s32 $0x0;
	s14 =	sadd.s32 s4, s11;
	[sflag:s0] =	ssyncadd.s32 $0xFFFFB000  }
0x140: {  	[tilespmem:s20], [sflag:$0x5] =	stream.linear.gather [hbm4b:s14+s13], $0xA0, $0x38;
	[tilespmem:$0x1DE80] =	vst v63  }
0x141: {  	_ =	swait.ge [sflag:s19], $0xA0  }
0x142: {  	[sflag:s19] =	ssyncset.done $0x0  }
0x143: {  	s17 =	sadd.s32 s5, s11;
	[sflag:s19] =	ssyncadd.s32 $0xFFFFFF60  }
0x144: {  	[tilespmem:s21], [sflag:$0x5] =	stream.linear.gather [hbm4b:s17+s13], $0xA0, $0x38;
	[tilespmem:$0x1DE80] =	vst v63  }
0x145: {  	v1 =	vmov s13;
	s14 =	simm.s32 $0x6;
	_ =	swait.ge [sflag:s19], $0xA0  }
0x146: {  	v1 =	vand.u32 $0xFFFFFFF8, v1;
	v2 =	vmov s14;
	[sflag:s19] =	ssyncset.done $0x0  }
0x147: {  	s11 =	sadd.s32 s6, s11;
	v1 =	vbroadcast v1, $0x0;
	v2 =	vand.u32 $0xFFFFFFFE, v2;
	[sflag:s19] =	ssyncadd.s32 $0xFFFFFF60  }
0x148: {  	v2 =	vbroadcast v2, $0x0;
	[tilespmem:s22], [sflag:$0x5] =	stream.linear.gather [hbm4b:s11+s13], $0xA0, $0x38;
	[tilespmem:$0x1DE80] =	vst v63  }
0x149: {  	_ =	swait.ge [sflag:s19], $0xA0  }
0x14a: {  	[sflag:s19] =	ssyncset.done $0x0  }
0x14b: {  	[sflag:s19] =	ssyncadd.s32 $0xFFFFFF60  }
0x14c: {  	[tilespmem:s18], [sflag:$0x1] =	stream.indirect.gather [hbm4b:s15+s23], $0x80, s20, s23, $0xb8;
	[tilespmem:$0x1DE80] =	vst v63  }
0x14d: {  	v1 =	vld.idx.msk [tilespmem:v1+s29+$0x0], $0xffff  }
0x14e: {  	s17 =	simm.s32 $0x1;
	s11 =	simm.s32 $0x19080;
	v2 =	vld.idx.msk [tilespmem:v2+s29+$0x0], $0xffff  }
0x14f: {  	v3 =	vmov s17;
	v4 =	vld [tilespmem:s11+$0x170]  }
0x150: {  	v3 =	vand.u32 $0xFFFFFFF9, v3;
	v5 =	vld [tilespmem:s11+$0xFFFFFE00]  }
0x151: {  	v3 =	vbroadcast v3, $0x0;
	v6 =	vld [tilespmem:s11+$0xFFFFFE10]  }
0x152: {  	v7 =	vld [tilespmem:s11+$0xFFFFFE20]  }
0x153: {  	v8 =	vld [tilespmem:s11+$0xFFFFFE30]  }
0x154: {  	v9 =	vld [tilespmem:s11+$0xFFFFFE40]  }
0x155: {  	v10 =	vld [tilespmem:s11+$0xFFFFFE50]  }
0x156: {  	v11 =	vld [tilespmem:s11+$0xFFFFFE60]  }
0x157: {  	v3 =	vld.idx.msk [tilespmem:v3+s29+$0x0], $0xffff  }
0x158: {  	v12 =	vld [tilespmem:s11+$0xFFFFFE70]  }
0x159: {  	v13 =	vld [tilespmem:s11+$0xFFFFFE80];
	v5 =	vmul.f32 v5, v1  }
0x15a: {  	v14 =	vld [tilespmem:s11+$0xFFFFFE90];
	v4 =	vmul.f32 v4, v2  }
0x15b: {  	v15 =	vld [tilespmem:s11+$0xFFFFFEA0];
	v6 =	vmul.f32 v6, v1;
	[tilespmem:s11+$0xFFFFFE00] =	vst v5  }
0x15c: {  	s13 =	simm.s32 $0x2;
	v16 =	vld [tilespmem:s11+$0xFFFFFEB0];
	v8 =	vmul.f32 v8, v1;
	[tilespmem:s11+$0x170] =	vst v4  }
0x15d: {  	v9 =	vmul.f32 v9, v1;
	v5 =	vmov s13;
	v4 =	vmul.f32 v7, v1;
	v7 =	vld [tilespmem:s11+$0xFFFFFEC0];
	[tilespmem:s11+$0xFFFFFE10] =	vst v6  }
0x15e: {  	v6 =	vmul.f32 v13, v3;
	v13 =	vld [tilespmem:s11+$0xFFFFFED0];
	[tilespmem:s11+$0xFFFFFE30] =	vst v8;
	v5 =	vand.u32 $0xFFFFFFFA, v5  }
0x15f: {  	v8 =	vmul.f32 v10, v1;
	v10 =	vld [tilespmem:s11+$0xFFFFFEF0];
	[tilespmem:s11+$0xFFFFFE40] =	vst v9;
	v5 =	vbroadcast v5, $0x0  }
0x160: {  	v9 =	vmul.f32 v11, v1;
	v11 =	vld [tilespmem:s11+$0xFFFFFF00];
	[tilespmem:s11+$0xFFFFFE20] =	vst v4  }
0x161: {  	v1 =	vmul.f32 v12, v1;
	v12 =	vld [tilespmem:s11+$0xFFFFFF20];
	[tilespmem:s11+$0xFFFFFE80] =	vst v6  }
0x162: {  	s14 =	simm.s32 $0x3;
	v4 =	vld [tilespmem:s11+$0xFFFFFEE0];
	[tilespmem:s11+$0xFFFFFE50] =	vst v8  }
0x163: {  	v6 =	vmov s14;
	v8 =	vld [tilespmem:s11+$0xFFFFFF10];
	[tilespmem:s11+$0xFFFFFE60] =	vst v9;
	v9 =	vmul.f32 v14, v3  }
0x164: {  	[tilespmem:s11+$0xFFFFFE70] =	vst v1;
	v1 =	vmul.f32 v15, v3;
	v14 =	vld [tilespmem:s11+$0xFFFFFF30];
	v6 =	vand.u32 $0xFFFFFFFB, v6  }
0x165: {  	v6 =	vbroadcast v6, $0x0;
	[tilespmem:s11+$0xFFFFFE90] =	vst v9;
	v9 =	vmul.f32 v16, v3;
	v5 =	vld.idx.msk [tilespmem:v5+s29+$0x0], $0xffff  }
0x166: {  	v15 =	vld [tilespmem:s11+$0xFFFFFF40];
	[tilespmem:s11+$0xFFFFFEA0] =	vst v1;
	v7 =	vmul.f32 v7, v3  }
0x167: {  	v13 =	vmul.f32 v13, v3;
	[tilespmem:s11+$0xFFFFFEB0] =	vst v9;
	v9 =	vld [tilespmem:s11+$0xFFFFFF60]  }
0x168: {  	[tilespmem:s11+$0xFFFFFEC0] =	vst v7;
	v4 =	vmul.f32 v4, v3;
	v7 =	vld [tilespmem:s11+$0xFFFFFF70]  }
0x169: {  	[tilespmem:s11+$0xFFFFFED0] =	vst v13;
	v3 =	vmul.f32 v10, v3;
	v10 =	vld [tilespmem:s11+$0xFFFFFF80]  }
0x16a: {  	v13 =	vld [tilespmem:s11+$0xFFFFFFB0];
	[tilespmem:s11+$0xFFFFFEE0] =	vst v4;
	v1 =	vmul.f32 v11, v5  }
0x16b: {  	[tilespmem:s11+$0xFFFFFEF0] =	vst v3;
	v6 =	vld.idx.msk [tilespmem:v6+s29+$0x0], $0xffff;
	v4 =	vmul.f32 v8, v5  }
0x16c: {  	s17 =	simm.s32 $0x4;
	v11 =	vld [tilespmem:s11+$0xFFFFFF50];
	v3 =	vmul.f32 v12, v5;
	[tilespmem:s11+$0xFFFFFF00] =	vst v1  }
0x16d: {  	v8 =	vld [tilespmem:s11+$0xFFFFFF90];
	v9 =	vmul.f32 v9, v5;
	v1 =	vmov s17;
	[tilespmem:s11+$0xFFFFFF10] =	vst v4  }
0x16e: {  	v12 =	vld [tilespmem:s11+$0xFFFFFFA0];
	v4 =	vmul.f32 v14, v5;
	[tilespmem:s11+$0xFFFFFF20] =	vst v3;
	v1 =	vand.u32 $0xFFFFFFFC, v1  }
0x16f: {  	v3 =	vmul.f32 v15, v5;
	v14 =	vld [tilespmem:s11+$0xFFFFFFC0];
	[tilespmem:s11+$0xFFFFFF60] =	vst v9;
	v1 =	vbroadcast v1, $0x0  }
0x170: {  	v9 =	vld [tilespmem:s11+$0x0];
	[tilespmem:s11+$0xFFFFFF30] =	vst v4;
	v4 =	vmul.f32 v10, v6  }
0x171: {  	s13 =	simm.s32 $0x5;
	v10 =	vld [tilespmem:s11+$0xFFFFFFD0];
	[tilespmem:s11+$0xFFFFFF40] =	vst v3;
	v11 =	vmul.f32 v11, v5  }
0x172: {  	v3 =	vld [tilespmem:s11+$0xFFFFFFE0];
	v5 =	vmul.f32 v7, v5;
	[tilespmem:s11+$0xFFFFFF80] =	vst v4;
	v4 =	vmov s13  }
0x173: {  	v7 =	vld [tilespmem:s11+$0xFFFFFFF0];
	v8 =	vmul.f32 v8, v6;
	[tilespmem:s11+$0xFFFFFF50] =	vst v11;
	v4 =	vand.u32 $0xFFFFFFFD, v4  }
0x174: {  	[tilespmem:s11+$0xFFFFFF70] =	vst v5;
	v5 =	vmul.f32 v12, v6;
	v11 =	vld [tilespmem:s11+$0x10];
	v4 =	vbroadcast v4, $0x0  }
0x175: {  	[tilespmem:s11+$0xFFFFFF90] =	vst v8;
	v8 =	vmul.f32 v13, v6;
	v1 =	vld.idx.msk [tilespmem:v1+s29+$0x0], $0xffff  }
0x176: {  	v12 =	vld [tilespmem:s11+$0x20];
	[tilespmem:s11+$0xFFFFFFA0] =	vst v5;
	v5 =	vmul.f32 v14, v6  }
0x177: {  	v13 =	vld [tilespmem:s11+$0x30];
	[tilespmem:s11+$0xFFFFFFB0] =	vst v8;
	v8 =	vmul.f32 v10, v6  }
0x178: {  	v10 =	vld [tilespmem:s11+$0x40];
	v3 =	vmul.f32 v3, v6;
	[tilespmem:s11+$0xFFFFFFC0] =	vst v5  }
0x179: {  	v6 =	vmul.f32 v7, v6;
	[tilespmem:s11+$0xFFFFFFD0] =	vst v8;
	v8 =	vld [tilespmem:s11+$0x60]  }
0x17a: {  	[tilespmem:s11+$0xFFFFFFE0] =	vst v3;
	v4 =	vld.idx.msk [tilespmem:v4+s29+$0x0], $0xffff;
	v5 =	vmul.f32 v9, v1  }
0x17b: {  	[tilespmem:s11+$0xFFFFFFF0] =	vst v6;
	v9 =	vld [tilespmem:s11+$0x50];
	v6 =	vmul.f32 v12, v1  }
0x17c: {  	v3 =	vmul.f32 v11, v1;
	v11 =	vld [tilespmem:s11+$0x90];
	[tilespmem:s11+$0x0] =	vst v5  }
0x17d: {  	v7 =	vld [tilespmem:s11+$0x80];
	[tilespmem:s11+$0x20] =	vst v6;
	v6 =	vmul.f32 v10, v1  }
0x17e: {  	v5 =	vld [tilespmem:s11+$0x70];
	[tilespmem:s11+$0x10] =	vst v3;
	v3 =	vmul.f32 v13, v1  }
0x17f: {  	v10 =	vld [tilespmem:s11+$0xA0];
	[tilespmem:s11+$0x40] =	vst v6;
	v6 =	vmul.f32 v8, v1  }
0x180: {  	[tilespmem:s11+$0x30] =	vst v3;
	v8 =	vld [tilespmem:s11+$0xC0];
	v3 =	vmul.f32 v9, v1  }
0x181: {  	v9 =	vld [tilespmem:s11+$0xB0];
	v11 =	vmul.f32 v11, v4;
	[tilespmem:s11+$0x60] =	vst v6  }
0x182: {  	v6 =	vld [tilespmem:s11+$0xE0];
	[tilespmem:s11+$0x50] =	vst v3;
	v3 =	vmul.f32 v7, v4  }
0x183: {  	v7 =	vld [tilespmem:s11+$0xD0];
	v5 =	vmul.f32 v5, v1;
	[tilespmem:s11+$0x90] =	vst v11  }
0x184: {  	v11 =	vld [tilespmem:s11+$0x150];
	[tilespmem:s11+$0x80] =	vst v3  }
0x185: {  	[tilespmem:s11+$0x70] =	vst v5;
	v3 =	vmul.f32 v10, v4;
	v5 =	vld [tilespmem:s11+$0xF0]  }
0x186: {  	v10 =	vld [tilespmem:s11+$0x100];
	v9 =	vmul.f32 v9, v4  }
0x187: {  	s14 =	simm.s32 $0x7;
	[tilespmem:s11+$0xA0] =	vst v3;
	v3 =	vmul.f32 v8, v4;
	v8 =	vld [tilespmem:s11+$0x110]  }
0x188: {  	v14 =	vld [tilespmem:s11+$0x180];
	v12 =	vmov s14;
	[tilespmem:s11+$0xB0] =	vst v9;
	v7 =	vmul.f32 v7, v4  }
0x189: {  	v9 =	vld [tilespmem:s11+$0x120];
	v11 =	vmul.f32 v11, v2;
	[tilespmem:s11+$0xC0] =	vst v3  }
0x18a: {  	s14 =	simm.s32 $0xA;
	v3 =	vmul.f32 v6, v4;
	v6 =	vld [tilespmem:s11+$0x130];
	[tilespmem:s11+$0xD0] =	vst v7;
	v4 =	vmul.f32 v5, v4  }
0x18b: {  	s17 =	simm.s32 $0x8;
	v13 =	vmov s14;
	v5 =	vld [tilespmem:s11+$0x140];
	[tilespmem:s11+$0x150] =	vst v11  }
0x18c: {  	s13 =	simm.s32 $0xF;
	s14 =	simm.s32 $0xC;
	v7 =	vmov s17;
	v10 =	vmul.f32 v10, v2;
	[tilespmem:s11+$0xF0] =	vst v4;
	v4 =	vmul.f32 v8, v2;
	v8 =	vld [tilespmem:s11+$0x160]  }
0x18d: {  	v15 =	vmov s14;
	v1 =	vld.idx.msk [tilespmem:v12+s29+$0x0], $0xffff;
	s17 =	simm.s32 $0x9;
	[tilespmem:s11+$0xE0] =	vst v3;
	v7 =	vand.u32 $0xFFFFFFF8, v7;
	v3 =	vmov s13;
	s13 =	simm.s32 $0xB  }
0x18e: {  	v17 =	vld [tilespmem:s11+$0x190];
	v12 =	vmov s17;
	s17 =	simm.s32 $0xD;
	[tilespmem:s11+$0x100] =	vst v10;
	v10 =	vmov s13;
	v9 =	vmul.f32 v9, v2  }
0x18f: {  	v63 =	vmov s17;
	[tilespmem:s11+$0x110] =	vst v4;
	v16 =	vmul.f32 v6, v2;
	v4 =	vbroadcast v7, $0x0;
	v6 =	vld [tilespmem:s11+$0x1A0]  }
0x190: {  	v7 =	vld [tilespmem:s11+$0x1B0];
	[tilespmem:s11+$0x120] =	vst v9;
	v9 =	vmul.f32 v5, v2;
	v5 =	vand.u32 $0xFFFFFFF9, v12;
	v12 =	vand.u32 $0xFFFFFFFA, v13  }
0x191: {  	v13 =	vand.u32 $0xFFFFFFFB, v10;
	[tilespmem:s11+$0x130] =	vst v16;
	v5 =	vbroadcast v5, $0x0;
	v16 =	vmul.f32 v8, v2;
	v8 =	vld [tilespmem:s11+$0x1C0]  }
0x192: {  	v10 =	vbroadcast v12, $0x0;
	[tilespmem:s11+$0x140] =	vst v9;
	v2 =	vand.u32 $0xFFFFFFFC, v15;
	v15 =	vmul.f32 v14, v1;
	v9 =	vld [tilespmem:s11+$0x1D0]  }
0x193: {  	s12 =	simm.s32 $0x10;
	v11 =	vld [tilespmem:s11+$0x1E0];
	s13 =	simm.s32 $0xE;
	v12 =	vbroadcast v13, $0x0;
	v13 =	vmul.f32 v17, v1;
	v14 =	vand.u32 $0xFFFFFFFD, v63;
	[tilespmem:s11+$0x160] =	vst v16  }
.LBB2_7:
0x194: {  	p0 =	slt.u32 s12, $0x98;
	v2 =	vbroadcast v2, $0x0;
	v16 =	vmov s13;
	[tilespmem:s11+$0x180] =	vst v15;
	v6 =	vmul.f32 v6, v1;
	v15 =	vld [tilespmem:s11+$0x1F0]  }
0x195: {  	v14 =	vbroadcast v14, $0x0;
	v16 =	vand.u32 $0xFFFFFFFE, v16;
	v17 =	vld.idx.msk [tilespmem:v3+s29+$0x0], $0xffff;
	[tilespmem:s11+$0x190] =	vst v13;
	v3 =	vmul.f32 v7, v1  }
0x196: {  	v7 =	vld.idx.msk [tilespmem:v4+s29+$0x0], $0xffff;
	v13 =	vbroadcast v16, $0x0;
	[tilespmem:s11+$0x1A0] =	vst v6;
	v4 =	vmul.f32 v8, v1  }
0x197: {  	v6 =	vld.idx.msk [tilespmem:v5+s29+$0x0], $0xffff;
	[tilespmem:s11+$0x1B0] =	vst v3;
	v3 =	vmul.f32 v9, v1  }
0x198: {  	v8 =	vld.idx.msk [tilespmem:v10+s29+$0x0], $0xffff;
	[tilespmem:s11+$0x1C0] =	vst v4;
	v9 =	vmul.f32 v11, v1  }
0x199: {  	v5 =	vld.idx.msk [tilespmem:v12+s29+$0x0], $0xffff;
	[tilespmem:s11+$0x1D0] =	vst v3;
	v10 =	vmul.f32 v15, v1  }
0x19a: {  	v4 =	vld.idx.msk [tilespmem:v2+s29+$0x0], $0xffff;
	[tilespmem:s11+$0x1E0] =	vst v9  }
0x19b: {  	v1 =	vmov v17;
	v3 =	vld.idx.msk [tilespmem:v14+s29+$0x0], $0xffff;
	[tilespmem:s11+$0x1F0] =	vst v10  }
0x19c: {  	s11 =	sadd.s32 $0x400, s11;
	v2 =	vld.idx.msk [tilespmem:v13+s29+$0x0], $0xffff  }
0x19d: {  	v9 =	vld [tilespmem:s11+$0x170]  }
0x19e: {  	v10 =	vld [tilespmem:s11+$0xFFFFFE00]  }
0x19f: {  	v11 =	vld [tilespmem:s11+$0xFFFFFE10]  }
0x1a0: {  	v12 =	vld [tilespmem:s11+$0xFFFFFE20]  }
0x1a1: {  	v13 =	vld [tilespmem:s11+$0xFFFFFE30]  }
0x1a2: {  	v14 =	vld [tilespmem:s11+$0xFFFFFE40];
	v9 =	vmul.f32 v9, v2  }
0x1a3: {  	v10 =	vmul.f32 v10, v7;
	v15 =	vld [tilespmem:s11+$0xFFFFFE50]  }
0x1a4: {  	v11 =	vmul.f32 v11, v7;
	v16 =	vld [tilespmem:s11+$0xFFFFFE60];
	[tilespmem:s11+$0x170] =	vst v9  }
0x1a5: {  	[tilespmem:s11+$0xFFFFFE00] =	vst v10;
	v9 =	vmul.f32 v12, v7;
	v10 =	vld [tilespmem:s11+$0xFFFFFE70]  }
0x1a6: {  	[tilespmem:s11+$0xFFFFFE10] =	vst v11;
	v11 =	vmul.f32 v13, v7;
	v12 =	vld [tilespmem:s11+$0xFFFFFE80]  }
0x1a7: {  	[tilespmem:s11+$0xFFFFFE20] =	vst v9;
	v9 =	vmul.f32 v14, v7;
	v13 =	vld [tilespmem:s11+$0xFFFFFE90]  }
0x1a8: {  	[tilespmem:s11+$0xFFFFFE30] =	vst v11;
	v11 =	vmul.f32 v15, v7;
	v14 =	vld [tilespmem:s11+$0xFFFFFEA0]  }
0x1a9: {  	[tilespmem:s11+$0xFFFFFE40] =	vst v9;
	v9 =	vmul.f32 v16, v7;
	v15 =	vld [tilespmem:s11+$0xFFFFFEB0]  }
0x1aa: {  	[tilespmem:s11+$0xFFFFFE50] =	vst v11;
	v7 =	vmul.f32 v10, v7;
	v10 =	vld [tilespmem:s11+$0xFFFFFEC0]  }
0x1ab: {  	[tilespmem:s11+$0xFFFFFE60] =	vst v9;
	v9 =	vmul.f32 v12, v6;
	v11 =	vld [tilespmem:s11+$0xFFFFFED0]  }
0x1ac: {  	[tilespmem:s11+$0xFFFFFE70] =	vst v7;
	v7 =	vmul.f32 v13, v6;
	v12 =	vld [tilespmem:s11+$0xFFFFFEE0]  }
0x1ad: {  	[tilespmem:s11+$0xFFFFFE80] =	vst v9;
	v9 =	vmul.f32 v14, v6;
	v13 =	vld [tilespmem:s11+$0xFFFFFEF0]  }
0x1ae: {  	[tilespmem:s11+$0xFFFFFE90] =	vst v7;
	v7 =	vmul.f32 v15, v6;
	v14 =	vld [tilespmem:s11+$0xFFFFFF00]  }
0x1af: {  	[tilespmem:s11+$0xFFFFFEA0] =	vst v9;
	v9 =	vmul.f32 v10, v6;
	v10 =	vld [tilespmem:s11+$0xFFFFFF10]  }
0x1b0: {  	[tilespmem:s11+$0xFFFFFEB0] =	vst v7;
	v7 =	vmul.f32 v11, v6;
	v11 =	vld [tilespmem:s11+$0xFFFFFF20]  }
0x1b1: {  	[tilespmem:s11+$0xFFFFFEC0] =	vst v9;
	v9 =	vmul.f32 v12, v6;
	v12 =	vld [tilespmem:s11+$0xFFFFFF30]  }
0x1b2: {  	[tilespmem:s11+$0xFFFFFED0] =	vst v7;
	v6 =	vmul.f32 v13, v6;
	v7 =	vld [tilespmem:s11+$0xFFFFFF40]  }
0x1b3: {  	[tilespmem:s11+$0xFFFFFEE0] =	vst v9;
	v9 =	vmul.f32 v14, v8;
	v13 =	vld [tilespmem:s11+$0xFFFFFF50]  }
0x1b4: {  	[tilespmem:s11+$0xFFFFFEF0] =	vst v6;
	v6 =	vmul.f32 v10, v8;
	v10 =	vld [tilespmem:s11+$0xFFFFFF60]  }
0x1b5: {  	[tilespmem:s11+$0xFFFFFF00] =	vst v9;
	v9 =	vmul.f32 v11, v8;
	v11 =	vld [tilespmem:s11+$0xFFFFFF70]  }
0x1b6: {  	[tilespmem:s11+$0xFFFFFF10] =	vst v6;
	v6 =	vmul.f32 v12, v8;
	v12 =	vld [tilespmem:s11+$0xFFFFFF80]  }
0x1b7: {  	[tilespmem:s11+$0xFFFFFF20] =	vst v9;
	v7 =	vmul.f32 v7, v8;
	v9 =	vld [tilespmem:s11+$0xFFFFFF90]  }
0x1b8: {  	[tilespmem:s11+$0xFFFFFF30] =	vst v6;
	v6 =	vmul.f32 v13, v8;
	v13 =	vld [tilespmem:s11+$0xFFFFFFA0]  }
0x1b9: {  	[tilespmem:s11+$0xFFFFFF40] =	vst v7;
	v7 =	vmul.f32 v10, v8;
	v10 =	vld [tilespmem:s11+$0xFFFFFFB0]  }
0x1ba: {  	[tilespmem:s11+$0xFFFFFF50] =	vst v6;
	v6 =	vmul.f32 v11, v8;
	v8 =	vld [tilespmem:s11+$0xFFFFFFC0]  }
0x1bb: {  	[tilespmem:s11+$0xFFFFFF60] =	vst v7;
	v7 =	vmul.f32 v12, v5;
	v11 =	vld [tilespmem:s11+$0xFFFFFFD0]  }
0x1bc: {  	[tilespmem:s11+$0xFFFFFF70] =	vst v6;
	v6 =	vmul.f32 v9, v5;
	v9 =	vld [tilespmem:s11+$0xFFFFFFE0]  }
0x1bd: {  	[tilespmem:s11+$0xFFFFFF80] =	vst v7;
	v7 =	vmul.f32 v13, v5;
	v12 =	vld [tilespmem:s11+$0xFFFFFFF0]  }
0x1be: {  	[tilespmem:s11+$0xFFFFFF90] =	vst v6;
	v6 =	vmul.f32 v10, v5;
	v10 =	vld [tilespmem:s11+$0x0]  }
0x1bf: {  	[tilespmem:s11+$0xFFFFFFA0] =	vst v7;
	v7 =	vmul.f32 v8, v5;
	v8 =	vld [tilespmem:s11+$0x10]  }
0x1c0: {  	[tilespmem:s11+$0xFFFFFFB0] =	vst v6;
	v6 =	vmul.f32 v11, v5;
	v11 =	vld [tilespmem:s11+$0x20]  }
0x1c1: {  	[tilespmem:s11+$0xFFFFFFC0] =	vst v7;
	v7 =	vmul.f32 v9, v5;
	v9 =	vld [tilespmem:s11+$0x30]  }
0x1c2: {  	[tilespmem:s11+$0xFFFFFFD0] =	vst v6;
	v5 =	vmul.f32 v12, v5;
	v6 =	vld [tilespmem:s11+$0x40]  }
0x1c3: {  	[tilespmem:s11+$0xFFFFFFE0] =	vst v7;
	v7 =	vmul.f32 v10, v4;
	v10 =	vld [tilespmem:s11+$0x50]  }
0x1c4: {  	[tilespmem:s11+$0xFFFFFFF0] =	vst v5;
	v5 =	vmul.f32 v8, v4;
	v8 =	vld [tilespmem:s11+$0x60]  }
0x1c5: {  	[tilespmem:s11+$0x0] =	vst v7;
	v7 =	vmul.f32 v11, v4;
	v11 =	vld [tilespmem:s11+$0x70]  }
0x1c6: {  	[tilespmem:s11+$0x10] =	vst v5;
	v5 =	vmul.f32 v9, v4;
	v9 =	vld [tilespmem:s11+$0x80]  }
0x1c7: {  	[tilespmem:s11+$0x20] =	vst v7;
	v6 =	vmul.f32 v6, v4;
	v7 =	vld [tilespmem:s11+$0x90]  }
0x1c8: {  	[tilespmem:s11+$0x30] =	vst v5;
	v5 =	vmul.f32 v10, v4;
	v10 =	vld [tilespmem:s11+$0xA0]  }
0x1c9: {  	[tilespmem:s11+$0x40] =	vst v6;
	v6 =	vmul.f32 v8, v4;
	v8 =	vld [tilespmem:s11+$0xB0]  }
0x1ca: {  	[tilespmem:s11+$0x50] =	vst v5;
	v4 =	vmul.f32 v11, v4;
	v5 =	vld [tilespmem:s11+$0xC0]  }
0x1cb: {  	[tilespmem:s11+$0x60] =	vst v6;
	v6 =	vmul.f32 v9, v3;
	v9 =	vld [tilespmem:s11+$0xD0]  }
0x1cc: {  	[tilespmem:s11+$0x70] =	vst v4;
	v4 =	vmul.f32 v7, v3;
	v7 =	vld [tilespmem:s11+$0xE0]  }
0x1cd: {  	[tilespmem:s11+$0x80] =	vst v6;
	v6 =	vmul.f32 v10, v3;
	v10 =	vld [tilespmem:s11+$0xF0]  }
0x1ce: {  	[tilespmem:s11+$0x90] =	vst v4;
	v4 =	vmul.f32 v8, v3;
	v8 =	vld [tilespmem:s11+$0x100]  }
0x1cf: {  	[tilespmem:s11+$0xA0] =	vst v6;
	v5 =	vmul.f32 v5, v3;
	v6 =	vld [tilespmem:s11+$0x110]  }
0x1d0: {  	[tilespmem:s11+$0xB0] =	vst v4;
	v4 =	vmul.f32 v9, v3;
	v9 =	vld [tilespmem:s11+$0x120]  }
0x1d1: {  	[tilespmem:s11+$0xC0] =	vst v5;
	v5 =	vmul.f32 v7, v3;
	v7 =	vld [tilespmem:s11+$0x130]  }
0x1d2: {  	[tilespmem:s11+$0xD0] =	vst v4;
	v4 =	vmul.f32 v10, v3;
	v10 =	vld [tilespmem:s11+$0x140]  }
0x1d3: {  	s13 =	sadd.s32 $0x7, s12;
	v3 =	vmov s12;
	[tilespmem:s11+$0xE0] =	vst v5;
	v5 =	vmul.f32 v8, v2;
	v8 =	vld [tilespmem:s11+$0x150]  }
0x1d4: {  	s14 =	sadd.s32 $0x1, s12;
	s17 =	sadd.s32 $0x2, s12;
	v11 =	vand.u32 $0xFFFFFFF8, v3;
	v3 =	vmov s13;
	[tilespmem:s11+$0xF0] =	vst v4;
	v4 =	vmul.f32 v6, v2;
	v12 =	vld [tilespmem:s11+$0x160]  }
0x1d5: {  	v14 =	vmov s17;
	v13 =	vmov s14;
	s14 =	sadd.s32 $0x4, s12;
	s13 =	sadd.s32 $0x3, s12;
	[tilespmem:s11+$0x100] =	vst v5;
	v5 =	vmul.f32 v9, v2;
	v9 =	vld [tilespmem:s11+$0x180]  }
0x1d6: {  	v16 =	vmov s14;
	v15 =	vmov s13;
	s13 =	sadd.s32 $0x5, s12;
	[tilespmem:s11+$0x110] =	vst v4;
	v7 =	vmul.f32 v7, v2;
	v17 =	vld [tilespmem:s11+$0x190]  }
.Ltmp2:
0x1d7: {  	v4 =	vbroadcast v11, $0x0;
	v11 =	vmov s13;
	[tilespmem:s11+$0x120] =	vst v5;
	v10 =	vmul.f32 v10, v2;
	v6 =	vld [tilespmem:s11+$0x1A0];
	(pc) =	sbr.rel @p0 .LBB2_7-.Ltmp2, $4  }
0x1d8: {  	v5 =	vand.u32 $0xFFFFFFF9, v13;
	v13 =	vand.u32 $0xFFFFFFFA, v14;
	[tilespmem:s11+$0x130] =	vst v7;
	v14 =	vmul.f32 v8, v2;
	v7 =	vld [tilespmem:s11+$0x1B0]  }
0x1d9: {  	v18 =	vand.u32 $0xFFFFFFFB, v15;
	v5 =	vbroadcast v5, $0x0;
	[tilespmem:s11+$0x140] =	vst v10;
	v19 =	vmul.f32 v12, v2;
	v8 =	vld [tilespmem:s11+$0x1C0]  }
0x1da: {  	v10 =	vbroadcast v13, $0x0;
	v2 =	vand.u32 $0xFFFFFFFC, v16;
	[tilespmem:s11+$0x150] =	vst v14;
	v15 =	vmul.f32 v9, v1;
	v9 =	vld [tilespmem:s11+$0x1D0]  }
0x1db: {  	s13 =	sadd.s32 $0x6, s12;
	s12 =	sadd.s32 $0x8, s12;
	v12 =	vbroadcast v18, $0x0;
	v14 =	vand.u32 $0xFFFFFFFD, v11;
	[tilespmem:s11+$0x160] =	vst v19;
	v13 =	vmul.f32 v17, v1;
	v11 =	vld [tilespmem:s11+$0x1E0]  }
0x1dc: {  	_ =	sdelay $0x2  }
0x1dd: {  	v16 =	vld [tilespmem:s11+$0x1F0]  }
0x1de: {  	v18 =	vld.idx.msk [tilespmem:v4+s29+$0x0], $0xffff  }
0x1df: {  	v23 =	vld.idx.msk [tilespmem:v5+s29+$0x0], $0xffff  }
0x1e0: {  	v22 =	vbroadcast v2, $0x0;
	v2 =	vmov s13;
	v10 =	vld.idx.msk [tilespmem:v10+s29+$0x0], $0xffff  }
0x1e1: {  	v17 =	vand.u32 $0xFFFFFFFE, v2;
	v2 =	vld.idx.msk [tilespmem:v3+s29+$0x0], $0xffff  }
0x1e2: {  	s12 =	sadd.s32 $0x400, s11;
	v12 =	vld.idx.msk [tilespmem:v12+s29+$0x0], $0xffff  }
0x1e3: {  	v24 =	vld [tilespmem:s12+$0x170]  }
0x1e4: {  	v26 =	vld [tilespmem:s12+$0xFFFFFE00]  }
0x1e5: {  	v28 =	vld [tilespmem:s12+$0xFFFFFE10]  }
0x1e6: {  	[tilespmem:s11+$0x180] =	vst v15;
	v6 =	vmul.f32 v6, v1;
	v30 =	vld [tilespmem:s12+$0xFFFFFE20]  }
0x1e7: {  	[tilespmem:s11+$0x190] =	vst v13;
	v7 =	vmul.f32 v7, v1;
	v31 =	vld [tilespmem:s12+$0xFFFFFE30]  }
0x1e8: {  	v32 =	vld [tilespmem:s12+$0xFFFFFE40];
	[tilespmem:s11+$0x1A0] =	vst v6;
	v25 =	vmul.f32 v8, v1  }
0x1e9: {  	v33 =	vld [tilespmem:s12+$0xFFFFFE50];
	[tilespmem:s11+$0x1B0] =	vst v7;
	v27 =	vmul.f32 v9, v1  }
0x1ea: {  	v34 =	vld [tilespmem:s12+$0xFFFFFE60];
	[tilespmem:s11+$0x1C0] =	vst v25;
	v29 =	vmul.f32 v11, v1  }
0x1eb: {  	v35 =	vld [tilespmem:s12+$0xFFFFFE70];
	[tilespmem:s11+$0x1D0] =	vst v27;
	v1 =	vmul.f32 v16, v1  }
0x1ec: {  	v36 =	vld [tilespmem:s12+$0xFFFFFE80];
	[tilespmem:s11+$0x1E0] =	vst v29;
	v9 =	vmul.f32 v28, v18  }
0x1ed: {  	v37 =	vld [tilespmem:s12+$0xFFFFFE90];
	[tilespmem:s11+$0x1F0] =	vst v1;
	v1 =	vmul.f32 v26, v18  }
0x1ee: {  	v39 =	vld [tilespmem:s12+$0xFFFFFEA0];
	v7 =	vmul.f32 v31, v18;
	[tilespmem:s12+$0xFFFFFE10] =	vst v9  }
0x1ef: {  	v40 =	vld [tilespmem:s12+$0xFFFFFEB0];
	[tilespmem:s12+$0xFFFFFE00] =	vst v1;
	v1 =	vmul.f32 v30, v18  }
0x1f0: {  	v42 =	vld [tilespmem:s12+$0xFFFFFEC0];
	v38 =	vmul.f32 v33, v18;
	[tilespmem:s12+$0xFFFFFE30] =	vst v7  }
0x1f1: {  	v43 =	vld [tilespmem:s12+$0xFFFFFED0];
	[tilespmem:s12+$0xFFFFFE20] =	vst v1;
	v1 =	vmul.f32 v32, v18  }
0x1f2: {  	v44 =	vld [tilespmem:s12+$0xFFFFFEE0];
	v41 =	vmul.f32 v35, v18;
	[tilespmem:s12+$0xFFFFFE50] =	vst v38  }
0x1f3: {  	v45 =	vld [tilespmem:s12+$0xFFFFFEF0];
	[tilespmem:s12+$0xFFFFFE40] =	vst v1;
	v1 =	vmul.f32 v34, v18  }
0x1f4: {  	v47 =	vld [tilespmem:s12+$0xFFFFFF00];
	v6 =	vmul.f32 v37, v23;
	[tilespmem:s12+$0xFFFFFE70] =	vst v41  }
0x1f5: {  	v48 =	vld [tilespmem:s12+$0xFFFFFF10];
	[tilespmem:s12+$0xFFFFFE60] =	vst v1;
	v1 =	vmul.f32 v36, v23  }
0x1f6: {  	v50 =	vld [tilespmem:s12+$0xFFFFFF20];
	v46 =	vmul.f32 v40, v23;
	[tilespmem:s12+$0xFFFFFE90] =	vst v6  }
0x1f7: {  	v51 =	vld [tilespmem:s12+$0xFFFFFF30];
	[tilespmem:s12+$0xFFFFFE80] =	vst v1;
	v1 =	vmul.f32 v39, v23  }
0x1f8: {  	v53 =	vld [tilespmem:s12+$0xFFFFFF40];
	v49 =	vmul.f32 v43, v23;
	[tilespmem:s12+$0xFFFFFEB0] =	vst v46  }
0x1f9: {  	v54 =	vld [tilespmem:s12+$0xFFFFFF50];
	[tilespmem:s12+$0xFFFFFEA0] =	vst v1;
	v1 =	vmul.f32 v42, v23  }
0x1fa: {  	v56 =	vld [tilespmem:s12+$0xFFFFFF60];
	v52 =	vmul.f32 v45, v23;
	[tilespmem:s12+$0xFFFFFED0] =	vst v49  }
0x1fb: {  	v57 =	vld [tilespmem:s12+$0xFFFFFF70];
	[tilespmem:s12+$0xFFFFFEC0] =	vst v1;
	v1 =	vmul.f32 v44, v23  }
0x1fc: {  	v14 =	vbroadcast v14, $0x0;
	v59 =	vld [tilespmem:s12+$0xFFFFFF80];
	v55 =	vmul.f32 v48, v10;
	[tilespmem:s12+$0xFFFFFEF0] =	vst v52  }
0x1fd: {  	v60 =	vld [tilespmem:s12+$0xFFFFFF90];
	[tilespmem:s12+$0xFFFFFEE0] =	vst v1;
	v1 =	vmul.f32 v47, v10  }
0x1fe: {  	v62 =	vld [tilespmem:s12+$0xFFFFFFA0];
	v58 =	vmul.f32 v51, v10;
	[tilespmem:s12+$0xFFFFFF10] =	vst v55  }
0x1ff: {  	v63 =	vld [tilespmem:s12+$0xFFFFFFB0];
	v3 =	vbroadcast v17, $0x0;
	[tilespmem:s12+$0xFFFFFF00] =	vst v1;
	v1 =	vmul.f32 v50, v10  }
0x200: {  	v15 =	vld [tilespmem:s12+$0xFFFFFFC0];
	v61 =	vmul.f32 v54, v10;
	[tilespmem:s12+$0xFFFFFF30] =	vst v58  }
0x201: {  	v19 =	vld [tilespmem:s12+$0xFFFFFFF0];
	[tilespmem:s12+$0xFFFFFF20] =	vst v1;
	v1 =	vmul.f32 v53, v10  }
0x202: {  	v4 =	vld.idx.msk [tilespmem:v14+s29+$0x0], $0xffff;
	v14 =	vmul.f32 v57, v10;
	[tilespmem:s12+$0xFFFFFF50] =	vst v61  }
0x203: {  	v5 =	vld.idx.msk [tilespmem:v22+s29+$0x0], $0xffff;
	[tilespmem:s12+$0xFFFFFF40] =	vst v1;
	v1 =	vmul.f32 v56, v10  }
0x204: {  	v17 =	vmul.f32 v60, v12;
	v22 =	vld [tilespmem:s12+$0x10];
	[tilespmem:s12+$0xFFFFFF70] =	vst v14  }
0x205: {  	v3 =	vld.idx.msk [tilespmem:v3+s29+$0x0], $0xffff;
	[tilespmem:s12+$0xFFFFFF60] =	vst v1;
	v1 =	vmul.f32 v59, v12  }
0x206: {  	v20 =	vmul.f32 v63, v12;
	[tilespmem:s12+$0xFFFFFF90] =	vst v17;
	v18 =	vld [tilespmem:s12+$0xFFFFFFE0]  }
0x207: {  	v25 =	vld [tilespmem:s12+$0x30];
	[tilespmem:s12+$0xFFFFFF80] =	vst v1;
	v1 =	vmul.f32 v62, v12  }
0x208: {  	v21 =	vld [tilespmem:s12+$0x0];
	v26 =	vmul.f32 v19, v12;
	[tilespmem:s12+$0xFFFFFFB0] =	vst v20  }
0x209: {  	v28 =	vld [tilespmem:s12+$0x50];
	[tilespmem:s12+$0xFFFFFFA0] =	vst v1;
	v1 =	vmul.f32 v15, v12  }
0x20a: {  	[tilespmem:s12+$0xFFFFFFF0] =	vst v26;
	v29 =	vmul.f32 v22, v5;
	v13 =	vmul.f32 v24, v3;
	v24 =	vld [tilespmem:s12+$0x20]  }
0x20b: {  	v37 =	vld [tilespmem:s12+$0xB0];
	[tilespmem:s12+$0xFFFFFFC0] =	vst v1;
	v1 =	vmul.f32 v18, v12  }
0x20c: {  	v27 =	vld [tilespmem:s12+$0x40];
	v32 =	vmul.f32 v25, v5;
	[tilespmem:s12+$0x10] =	vst v29  }
0x20d: {  	[tilespmem:s12+$0xFFFFFFE0] =	vst v1;
	v1 =	vmul.f32 v21, v5  }
0x20e: {  	v30 =	vld [tilespmem:s12+$0x60];
	v35 =	vmul.f32 v28, v5;
	[tilespmem:s12+$0x30] =	vst v32  }
0x20f: {  	v45 =	vld [tilespmem:s12+$0x110];
	[tilespmem:s12+$0x0] =	vst v1;
	v1 =	vmul.f32 v24, v5  }
0x210: {  	v33 =	vld [tilespmem:s12+$0x80];
	v43 =	vmul.f32 v37, v4;
	[tilespmem:s12+$0x50] =	vst v35  }
0x211: {  	v48 =	vld [tilespmem:s12+$0x130];
	[tilespmem:s12+$0x20] =	vst v1;
	v1 =	vmul.f32 v27, v5  }
0x212: {  	[tilespmem:s12+$0xB0] =	vst v43;
	v36 =	vld [tilespmem:s12+$0xA0]  }
0x213: {  	v34 =	vld [tilespmem:s12+$0x90];
	[tilespmem:s12+$0x40] =	vst v1;
	v1 =	vmul.f32 v30, v5  }
0x214: {  	v38 =	vld [tilespmem:s12+$0xC0];
	v51 =	vmul.f32 v45, v3;
	[tilespmem:s12+$0x170] =	vst v13  }
0x215: {  	v16 =	vld [tilespmem:s12+$0xFFFFFFD0];
	[tilespmem:s12+$0x60] =	vst v1;
	v1 =	vmul.f32 v33, v4  }
0x216: {  	v41 =	vld [tilespmem:s12+$0xE0];
	v54 =	vmul.f32 v48, v3;
	[tilespmem:s12+$0x110] =	vst v51  }
0x217: {  	v39 =	vld [tilespmem:s12+$0xD0];
	[tilespmem:s12+$0x80] =	vst v1;
	v1 =	vmul.f32 v36, v4  }
0x218: {  	[tilespmem:s12+$0x130] =	vst v54;
	v40 =	vmul.f32 v34, v4;
	v44 =	vld [tilespmem:s12+$0x100]  }
0x219: {  	v50 =	vld [tilespmem:s12+$0x150];
	[tilespmem:s12+$0xA0] =	vst v1;
	v1 =	vmul.f32 v38, v4  }
0x21a: {  	[tilespmem:s12+$0x90] =	vst v40;
	v23 =	vmul.f32 v16, v12;
	v47 =	vld [tilespmem:s12+$0x120]  }
0x21b: {  	v53 =	vld [tilespmem:s12+$0x180];
	[tilespmem:s12+$0xC0] =	vst v1;
	v1 =	vmul.f32 v41, v4  }
0x21c: {  	v49 =	vld [tilespmem:s12+$0x140];
	v46 =	vmul.f32 v39, v4;
	[tilespmem:s12+$0xFFFFFFD0] =	vst v23  }
0x21d: {  	v56 =	vld [tilespmem:s12+$0x1A0];
	[tilespmem:s12+$0xE0] =	vst v1;
	v1 =	vmul.f32 v44, v3  }
0x21e: {  	v52 =	vld [tilespmem:s12+$0x160];
	[tilespmem:s12+$0xD0] =	vst v46;
	v57 =	vmul.f32 v50, v3  }
0x21f: {  	v31 =	vld [tilespmem:s12+$0x70];
	[tilespmem:s12+$0x100] =	vst v1;
	v1 =	vmul.f32 v47, v3  }
0x220: {  	v55 =	vld [tilespmem:s12+$0x190];
	[tilespmem:s12+$0x150] =	vst v57;
	v59 =	vmul.f32 v53, v2  }
0x221: {  	v42 =	vld [tilespmem:s12+$0xF0];
	[tilespmem:s12+$0x120] =	vst v1;
	v1 =	vmul.f32 v49, v3  }
0x222: {  	v58 =	vld [tilespmem:s12+$0x1B0];
	[tilespmem:s12+$0x180] =	vst v59;
	v62 =	vmul.f32 v56, v2  }
0x223: {  	[tilespmem:s12+$0x140] =	vst v1;
	v1 =	vmul.f32 v52, v3;
	v3 =	vld [tilespmem:s12+$0x1C0]  }
0x224: {  	v60 =	vld [tilespmem:s12+$0x1D0];
	[tilespmem:s12+$0x1A0] =	vst v62;
	v5 =	vmul.f32 v31, v5  }
0x225: {  	v61 =	vld [tilespmem:s12+$0x1E0];
	[tilespmem:s12+$0x160] =	vst v1;
	v1 =	vmul.f32 v55, v2  }
0x226: {  	v63 =	vld [tilespmem:s12+$0x1F0];
	[tilespmem:s12+$0x70] =	vst v5;
	v4 =	vmul.f32 v42, v4  }
0x227: {  	[tilespmem:s12+$0x190] =	vst v1;
	v1 =	vmul.f32 v58, v2  }
0x228: {  	s10 =	sadd.s32 $0x1, s10;
	[tilespmem:s12+$0xF0] =	vst v4;
	v3 =	vmul.f32 v3, v2  }
0x229: {  	p0 =	sne.s32 s10, $0x1F;
	[tilespmem:s12+$0x1B0] =	vst v1;
	v1 =	vmul.f32 v60, v2  }
.Ltmp3:
0x22a: {  	[tilespmem:s12+$0x1C0] =	vst v3;
	v3 =	vmul.f32 v61, v2;
	(pc) =	sbr.rel @p0 .LBB2_4-.Ltmp3, $4  }
0x22b: {  	[tilespmem:s12+$0x1D0] =	vst v1;
	v1 =	vmul.f32 v63, v2  }
0x22c: {  	[tilespmem:s12+$0x1E0] =	vst v3  }
0x22d: {  	[tilespmem:s12+$0x1F0] =	vst v1  }
0x22e: {  	[spmem:s1] =	stream.indirect.scatter.add.f32 [tilespmem:s30], [sflag:$0x4], $0x80, s28, s23, $0xb8;
	[tilespmem:$0x1DE80] =	vst v63  }
0x22f: {  	_ =	swait.ge [sflag:s25], $0x5000  }
0x230: {  	[sflag:s25] =	ssyncset.done $0x0  }
0x231: {  	[sflag:s25] =	ssyncadd.s32 $0xFFFFB000  }
0x232: {  	_ =	swait.ge [sflag:s2], $0x5000  }
0x233: {  	s9 =	simm.s32 $0x0;
	[sflag:s2] =	ssyncset.done $0x0  }
0x234: {  	s13 =	simm.s32 $0x6;
	v1 =	vmov s9;
	s9 =	simm.s32 $0x13D80;
	[sflag:s2] =	ssyncadd.s32 $0xFFFFB000  }
0x235: {  	v2 =	vmov s13;
	v1 =	vand.u32 $0xFFFFFFF8, v1;
	v4 =	vld [tilespmem:s9+$0x170]  }
0x236: {  	v2 =	vand.u32 $0xFFFFFFFE, v2;
	v1 =	vbroadcast v1, $0x0;
	v5 =	vld [tilespmem:s9+$0xFFFFFE00]  }
0x237: {  	v2 =	vbroadcast v2, $0x0;
	v6 =	vld [tilespmem:s9+$0xFFFFFE10]  }
0x238: {  	s10 =	simm.s32 $0x1;
	v7 =	vld [tilespmem:s9+$0xFFFFFE20]  }
0x239: {  	v3 =	vmov s10;
	v8 =	vld [tilespmem:s9+$0xFFFFFE30]  }
0x23a: {  	v3 =	vand.u32 $0xFFFFFFF9, v3;
	v9 =	vld [tilespmem:s9+$0xFFFFFE40]  }
0x23b: {  	v3 =	vbroadcast v3, $0x0;
	v10 =	vld [tilespmem:s9+$0xFFFFFE50]  }
0x23c: {  	v1 =	vld.idx.msk [tilespmem:v1+s22+$0x0], $0xffff  }
0x23d: {  	v2 =	vld.idx.msk [tilespmem:v2+s22+$0x0], $0xffff  }
0x23e: {  	v11 =	vld [tilespmem:s9+$0xFFFFFE60]  }
0x23f: {  	v12 =	vld [tilespmem:s9+$0xFFFFFE70]  }
0x240: {  	v13 =	vld [tilespmem:s9+$0xFFFFFE80]  }
0x241: {  	v3 =	vld.idx.msk [tilespmem:v3+s22+$0x0], $0xffff;
	v5 =	vmul.f32 v5, v1  }
0x242: {  	v14 =	vld [tilespmem:s9+$0xFFFFFE90];
	v4 =	vmul.f32 v4, v2  }
0x243: {  	v15 =	vld [tilespmem:s9+$0xFFFFFEA0];
	v6 =	vmul.f32 v6, v1;
	[tilespmem:s9+$0xFFFFFE00] =	vst v5  }
0x244: {  	s14 =	simm.s32 $0x2;
	v16 =	vld [tilespmem:s9+$0xFFFFFEB0];
	v8 =	vmul.f32 v8, v1;
	[tilespmem:s9+$0x170] =	vst v4  }
0x245: {  	v9 =	vmul.f32 v9, v1;
	v5 =	vmov s14;
	v4 =	vmul.f32 v7, v1;
	v7 =	vld [tilespmem:s9+$0xFFFFFEC0];
	[tilespmem:s9+$0xFFFFFE10] =	vst v6  }
0x246: {  	v6 =	vmul.f32 v13, v3;
	v13 =	vld [tilespmem:s9+$0xFFFFFED0];
	[tilespmem:s9+$0xFFFFFE30] =	vst v8;
	v5 =	vand.u32 $0xFFFFFFFA, v5  }
0x247: {  	v8 =	vmul.f32 v10, v1;
	v10 =	vld [tilespmem:s9+$0xFFFFFEF0];
	[tilespmem:s9+$0xFFFFFE40] =	vst v9;
	v5 =	vbroadcast v5, $0x0  }
0x248: {  	v9 =	vmul.f32 v11, v1;
	v11 =	vld [tilespmem:s9+$0xFFFFFF00];
	[tilespmem:s9+$0xFFFFFE20] =	vst v4  }
0x249: {  	v1 =	vmul.f32 v12, v1;
	v12 =	vld [tilespmem:s9+$0xFFFFFF20];
	[tilespmem:s9+$0xFFFFFE80] =	vst v6  }
0x24a: {  	s17 =	simm.s32 $0x3;
	v4 =	vld [tilespmem:s9+$0xFFFFFEE0];
	[tilespmem:s9+$0xFFFFFE50] =	vst v8  }
0x24b: {  	v6 =	vmov s17;
	v8 =	vld [tilespmem:s9+$0xFFFFFF10];
	[tilespmem:s9+$0xFFFFFE60] =	vst v9;
	v9 =	vmul.f32 v14, v3  }
0x24c: {  	[tilespmem:s9+$0xFFFFFE70] =	vst v1;
	v1 =	vmul.f32 v15, v3;
	v14 =	vld [tilespmem:s9+$0xFFFFFF30];
	v6 =	vand.u32 $0xFFFFFFFB, v6  }
0x24d: {  	v6 =	vbroadcast v6, $0x0;
	[tilespmem:s9+$0xFFFFFE90] =	vst v9;
	v9 =	vmul.f32 v16, v3;
	v5 =	vld.idx.msk [tilespmem:v5+s22+$0x0], $0xffff  }
0x24e: {  	v15 =	vld [tilespmem:s9+$0xFFFFFF40];
	[tilespmem:s9+$0xFFFFFEA0] =	vst v1;
	v7 =	vmul.f32 v7, v3  }
0x24f: {  	v13 =	vmul.f32 v13, v3;
	[tilespmem:s9+$0xFFFFFEB0] =	vst v9;
	v9 =	vld [tilespmem:s9+$0xFFFFFF60]  }
0x250: {  	[tilespmem:s9+$0xFFFFFEC0] =	vst v7;
	v4 =	vmul.f32 v4, v3;
	v7 =	vld [tilespmem:s9+$0xFFFFFF70]  }
0x251: {  	[tilespmem:s9+$0xFFFFFED0] =	vst v13;
	v3 =	vmul.f32 v10, v3;
	v10 =	vld [tilespmem:s9+$0xFFFFFF80]  }
0x252: {  	v13 =	vld [tilespmem:s9+$0xFFFFFFB0];
	[tilespmem:s9+$0xFFFFFEE0] =	vst v4;
	v1 =	vmul.f32 v11, v5  }
0x253: {  	[tilespmem:s9+$0xFFFFFEF0] =	vst v3;
	v6 =	vld.idx.msk [tilespmem:v6+s22+$0x0], $0xffff;
	v4 =	vmul.f32 v8, v5  }
0x254: {  	s11 =	simm.s32 $0x4;
	v11 =	vld [tilespmem:s9+$0xFFFFFF50];
	v3 =	vmul.f32 v12, v5;
	[tilespmem:s9+$0xFFFFFF00] =	vst v1  }
0x255: {  	v8 =	vld [tilespmem:s9+$0xFFFFFF90];
	v9 =	vmul.f32 v9, v5;
	v1 =	vmov s11;
	[tilespmem:s9+$0xFFFFFF10] =	vst v4  }
0x256: {  	v12 =	vld [tilespmem:s9+$0xFFFFFFA0];
	v4 =	vmul.f32 v14, v5;
	[tilespmem:s9+$0xFFFFFF20] =	vst v3;
	v1 =	vand.u32 $0xFFFFFFFC, v1  }
0x257: {  	v3 =	vmul.f32 v15, v5;
	v14 =	vld [tilespmem:s9+$0xFFFFFFC0];
	[tilespmem:s9+$0xFFFFFF60] =	vst v9;
	v1 =	vbroadcast v1, $0x0  }
0x258: {  	v9 =	vld [tilespmem:s9+$0x0];
	[tilespmem:s9+$0xFFFFFF30] =	vst v4;
	v4 =	vmul.f32 v10, v6  }
0x259: {  	s12 =	simm.s32 $0x5;
	v10 =	vld [tilespmem:s9+$0xFFFFFFD0];
	[tilespmem:s9+$0xFFFFFF40] =	vst v3;
	v11 =	vmul.f32 v11, v5  }
0x25a: {  	v3 =	vld [tilespmem:s9+$0xFFFFFFE0];
	v5 =	vmul.f32 v7, v5;
	[tilespmem:s9+$0xFFFFFF80] =	vst v4;
	v4 =	vmov s12  }
0x25b: {  	v7 =	vld [tilespmem:s9+$0xFFFFFFF0];
	v8 =	vmul.f32 v8, v6;
	[tilespmem:s9+$0xFFFFFF50] =	vst v11;
	v4 =	vand.u32 $0xFFFFFFFD, v4  }
0x25c: {  	[tilespmem:s9+$0xFFFFFF70] =	vst v5;
	v5 =	vmul.f32 v12, v6;
	v11 =	vld [tilespmem:s9+$0x10];
	v4 =	vbroadcast v4, $0x0  }
0x25d: {  	[tilespmem:s9+$0xFFFFFF90] =	vst v8;
	v8 =	vmul.f32 v13, v6;
	v1 =	vld.idx.msk [tilespmem:v1+s22+$0x0], $0xffff  }
0x25e: {  	v12 =	vld [tilespmem:s9+$0x20];
	[tilespmem:s9+$0xFFFFFFA0] =	vst v5;
	v5 =	vmul.f32 v14, v6  }
0x25f: {  	v13 =	vld [tilespmem:s9+$0x30];
	[tilespmem:s9+$0xFFFFFFB0] =	vst v8;
	v8 =	vmul.f32 v10, v6  }
0x260: {  	v10 =	vld [tilespmem:s9+$0x40];
	v3 =	vmul.f32 v3, v6;
	[tilespmem:s9+$0xFFFFFFC0] =	vst v5  }
0x261: {  	v6 =	vmul.f32 v7, v6;
	[tilespmem:s9+$0xFFFFFFD0] =	vst v8;
	v8 =	vld [tilespmem:s9+$0x60]  }
0x262: {  	[tilespmem:s9+$0xFFFFFFE0] =	vst v3;
	v4 =	vld.idx.msk [tilespmem:v4+s22+$0x0], $0xffff;
	v5 =	vmul.f32 v9, v1  }
0x263: {  	[tilespmem:s9+$0xFFFFFFF0] =	vst v6;
	v9 =	vld [tilespmem:s9+$0x50];
	v6 =	vmul.f32 v12, v1  }
0x264: {  	v3 =	vmul.f32 v11, v1;
	v11 =	vld [tilespmem:s9+$0x90];
	[tilespmem:s9+$0x0] =	vst v5  }
0x265: {  	v7 =	vld [tilespmem:s9+$0x80];
	[tilespmem:s9+$0x20] =	vst v6;
	v6 =	vmul.f32 v10, v1  }
0x266: {  	v5 =	vld [tilespmem:s9+$0x70];
	[tilespmem:s9+$0x10] =	vst v3;
	v3 =	vmul.f32 v13, v1  }
0x267: {  	v10 =	vld [tilespmem:s9+$0xA0];
	[tilespmem:s9+$0x40] =	vst v6;
	v6 =	vmul.f32 v8, v1  }
0x268: {  	[tilespmem:s9+$0x30] =	vst v3;
	v8 =	vld [tilespmem:s9+$0xC0];
	v3 =	vmul.f32 v9, v1  }
0x269: {  	v9 =	vld [tilespmem:s9+$0xB0];
	v11 =	vmul.f32 v11, v4;
	[tilespmem:s9+$0x60] =	vst v6  }
0x26a: {  	v6 =	vld [tilespmem:s9+$0xE0];
	[tilespmem:s9+$0x50] =	vst v3;
	v3 =	vmul.f32 v7, v4  }
0x26b: {  	v7 =	vld [tilespmem:s9+$0xD0];
	v5 =	vmul.f32 v5, v1;
	[tilespmem:s9+$0x90] =	vst v11  }
0x26c: {  	v11 =	vld [tilespmem:s9+$0x150];
	[tilespmem:s9+$0x80] =	vst v3  }
0x26d: {  	[tilespmem:s9+$0x70] =	vst v5;
	v3 =	vmul.f32 v10, v4;
	v5 =	vld [tilespmem:s9+$0xF0]  }
0x26e: {  	v10 =	vld [tilespmem:s9+$0x100];
	v9 =	vmul.f32 v9, v4  }
0x26f: {  	s13 =	simm.s32 $0x7;
	[tilespmem:s9+$0xA0] =	vst v3;
	v3 =	vmul.f32 v8, v4;
	v8 =	vld [tilespmem:s9+$0x110]  }
0x270: {  	v14 =	vld [tilespmem:s9+$0x180];
	v12 =	vmov s13;
	[tilespmem:s9+$0xB0] =	vst v9;
	v7 =	vmul.f32 v7, v4  }
0x271: {  	v9 =	vld [tilespmem:s9+$0x120];
	v11 =	vmul.f32 v11, v2;
	[tilespmem:s9+$0xC0] =	vst v3  }
0x272: {  	s12 =	simm.s32 $0xA;
	v3 =	vmul.f32 v6, v4;
	v6 =	vld [tilespmem:s9+$0x130];
	[tilespmem:s9+$0xD0] =	vst v7;
	v4 =	vmul.f32 v5, v4  }
0x273: {  	s14 =	simm.s32 $0x8;
	v13 =	vmov s12;
	v5 =	vld [tilespmem:s9+$0x140];
	[tilespmem:s9+$0x150] =	vst v11  }
0x274: {  	s17 =	simm.s32 $0xF;
	s11 =	simm.s32 $0x9;
	v7 =	vmov s14;
	v10 =	vmul.f32 v10, v2;
	[tilespmem:s9+$0xF0] =	vst v4;
	v4 =	vmul.f32 v8, v2;
	v8 =	vld [tilespmem:s9+$0x160]  }
0x275: {  	s13 =	simm.s32 $0xB;
	v1 =	vld.idx.msk [tilespmem:v12+s22+$0x0], $0xffff;
	v12 =	vmov s11;
	s14 =	simm.s32 $0xC;
	[tilespmem:s9+$0xE0] =	vst v3;
	v7 =	vand.u32 $0xFFFFFFF8, v7;
	v3 =	vmov s17  }
0x276: {  	v17 =	vld [tilespmem:s9+$0x190];
	v15 =	vmov s14;
	s17 =	simm.s32 $0xD;
	[tilespmem:s9+$0x100] =	vst v10;
	v10 =	vmov s13;
	v9 =	vmul.f32 v9, v2  }
0x277: {  	v18 =	vmov s17;
	[tilespmem:s9+$0x110] =	vst v4;
	v16 =	vmul.f32 v6, v2;
	v4 =	vbroadcast v7, $0x0;
	v6 =	vld [tilespmem:s9+$0x1A0]  }
0x278: {  	v7 =	vld [tilespmem:s9+$0x1B0];
	[tilespmem:s9+$0x120] =	vst v9;
	v9 =	vmul.f32 v5, v2;
	v5 =	vand.u32 $0xFFFFFFF9, v12;
	v12 =	vand.u32 $0xFFFFFFFA, v13  }
0x279: {  	v13 =	vand.u32 $0xFFFFFFFB, v10;
	[tilespmem:s9+$0x130] =	vst v16;
	v5 =	vbroadcast v5, $0x0;
	v16 =	vmul.f32 v8, v2;
	v8 =	vld [tilespmem:s9+$0x1C0]  }
0x27a: {  	v10 =	vbroadcast v12, $0x0;
	[tilespmem:s9+$0x140] =	vst v9;
	v2 =	vand.u32 $0xFFFFFFFC, v15;
	v15 =	vmul.f32 v14, v1;
	v9 =	vld [tilespmem:s9+$0x1D0]  }
0x27b: {  	s10 =	simm.s32 $0x10;
	s11 =	simm.s32 $0xE;
	v11 =	vld [tilespmem:s9+$0x1E0];
	v12 =	vbroadcast v13, $0x0;
	v13 =	vmul.f32 v17, v1;
	v14 =	vand.u32 $0xFFFFFFFD, v18;
	[tilespmem:s9+$0x160] =	vst v16  }
.LBB2_10:
0x27c: {  	p0 =	slt.u32 s10, $0x98;
	v2 =	vbroadcast v2, $0x0;
	v16 =	vmov s11;
	[tilespmem:s9+$0x180] =	vst v15;
	v6 =	vmul.f32 v6, v1;
	v15 =	vld [tilespmem:s9+$0x1F0]  }
0x27d: {  	v14 =	vbroadcast v14, $0x0;
	v16 =	vand.u32 $0xFFFFFFFE, v16;
	v17 =	vld.idx.msk [tilespmem:v3+s22+$0x0], $0xffff;
	[tilespmem:s9+$0x190] =	vst v13;
	v3 =	vmul.f32 v7, v1  }
0x27e: {  	v7 =	vld.idx.msk [tilespmem:v4+s22+$0x0], $0xffff;
	v13 =	vbroadcast v16, $0x0;
	[tilespmem:s9+$0x1A0] =	vst v6;
	v4 =	vmul.f32 v8, v1  }
0x27f: {  	v6 =	vld.idx.msk [tilespmem:v5+s22+$0x0], $0xffff;
	[tilespmem:s9+$0x1B0] =	vst v3;
	v3 =	vmul.f32 v9, v1  }
0x280: {  	v8 =	vld.idx.msk [tilespmem:v10+s22+$0x0], $0xffff;
	[tilespmem:s9+$0x1C0] =	vst v4;
	v9 =	vmul.f32 v11, v1  }
0x281: {  	v5 =	vld.idx.msk [tilespmem:v12+s22+$0x0], $0xffff;
	[tilespmem:s9+$0x1D0] =	vst v3;
	v10 =	vmul.f32 v15, v1  }
0x282: {  	v4 =	vld.idx.msk [tilespmem:v2+s22+$0x0], $0xffff;
	[tilespmem:s9+$0x1E0] =	vst v9  }
0x283: {  	v1 =	vmov v17;
	v3 =	vld.idx.msk [tilespmem:v14+s22+$0x0], $0xffff;
	[tilespmem:s9+$0x1F0] =	vst v10  }
0x284: {  	s9 =	sadd.s32 $0x400, s9;
	v2 =	vld.idx.msk [tilespmem:v13+s22+$0x0], $0xffff  }
0x285: {  	v9 =	vld [tilespmem:s9+$0x170]  }
0x286: {  	v10 =	vld [tilespmem:s9+$0xFFFFFE00]  }
0x287: {  	v11 =	vld [tilespmem:s9+$0xFFFFFE10]  }
0x288: {  	v12 =	vld [tilespmem:s9+$0xFFFFFE20]  }
0x289: {  	v13 =	vld [tilespmem:s9+$0xFFFFFE30]  }
0x28a: {  	v14 =	vld [tilespmem:s9+$0xFFFFFE40];
	v9 =	vmul.f32 v9, v2  }
0x28b: {  	v10 =	vmul.f32 v10, v7;
	v15 =	vld [tilespmem:s9+$0xFFFFFE50]  }
0x28c: {  	v11 =	vmul.f32 v11, v7;
	v16 =	vld [tilespmem:s9+$0xFFFFFE60];
	[tilespmem:s9+$0x170] =	vst v9  }
0x28d: {  	[tilespmem:s9+$0xFFFFFE00] =	vst v10;
	v9 =	vmul.f32 v12, v7;
	v10 =	vld [tilespmem:s9+$0xFFFFFE70]  }
0x28e: {  	[tilespmem:s9+$0xFFFFFE10] =	vst v11;
	v11 =	vmul.f32 v13, v7;
	v12 =	vld [tilespmem:s9+$0xFFFFFE80]  }
0x28f: {  	[tilespmem:s9+$0xFFFFFE20] =	vst v9;
	v9 =	vmul.f32 v14, v7;
	v13 =	vld [tilespmem:s9+$0xFFFFFE90]  }
0x290: {  	[tilespmem:s9+$0xFFFFFE30] =	vst v11;
	v11 =	vmul.f32 v15, v7;
	v14 =	vld [tilespmem:s9+$0xFFFFFEA0]  }
0x291: {  	[tilespmem:s9+$0xFFFFFE40] =	vst v9;
	v9 =	vmul.f32 v16, v7;
	v15 =	vld [tilespmem:s9+$0xFFFFFEB0]  }
0x292: {  	[tilespmem:s9+$0xFFFFFE50] =	vst v11;
	v7 =	vmul.f32 v10, v7;
	v10 =	vld [tilespmem:s9+$0xFFFFFEC0]  }
0x293: {  	[tilespmem:s9+$0xFFFFFE60] =	vst v9;
	v9 =	vmul.f32 v12, v6;
	v11 =	vld [tilespmem:s9+$0xFFFFFED0]  }
0x294: {  	[tilespmem:s9+$0xFFFFFE70] =	vst v7;
	v7 =	vmul.f32 v13, v6;
	v12 =	vld [tilespmem:s9+$0xFFFFFEE0]  }
0x295: {  	[tilespmem:s9+$0xFFFFFE80] =	vst v9;
	v9 =	vmul.f32 v14, v6;
	v13 =	vld [tilespmem:s9+$0xFFFFFEF0]  }
0x296: {  	[tilespmem:s9+$0xFFFFFE90] =	vst v7;
	v7 =	vmul.f32 v15, v6;
	v14 =	vld [tilespmem:s9+$0xFFFFFF00]  }
0x297: {  	[tilespmem:s9+$0xFFFFFEA0] =	vst v9;
	v9 =	vmul.f32 v10, v6;
	v10 =	vld [tilespmem:s9+$0xFFFFFF10]  }
0x298: {  	[tilespmem:s9+$0xFFFFFEB0] =	vst v7;
	v7 =	vmul.f32 v11, v6;
	v11 =	vld [tilespmem:s9+$0xFFFFFF20]  }
0x299: {  	[tilespmem:s9+$0xFFFFFEC0] =	vst v9;
	v9 =	vmul.f32 v12, v6;
	v12 =	vld [tilespmem:s9+$0xFFFFFF30]  }
0x29a: {  	[tilespmem:s9+$0xFFFFFED0] =	vst v7;
	v6 =	vmul.f32 v13, v6;
	v7 =	vld [tilespmem:s9+$0xFFFFFF40]  }
0x29b: {  	[tilespmem:s9+$0xFFFFFEE0] =	vst v9;
	v9 =	vmul.f32 v14, v8;
	v13 =	vld [tilespmem:s9+$0xFFFFFF50]  }
0x29c: {  	[tilespmem:s9+$0xFFFFFEF0] =	vst v6;
	v6 =	vmul.f32 v10, v8;
	v10 =	vld [tilespmem:s9+$0xFFFFFF60]  }
0x29d: {  	[tilespmem:s9+$0xFFFFFF00] =	vst v9;
	v9 =	vmul.f32 v11, v8;
	v11 =	vld [tilespmem:s9+$0xFFFFFF70]  }
0x29e: {  	[tilespmem:s9+$0xFFFFFF10] =	vst v6;
	v6 =	vmul.f32 v12, v8;
	v12 =	vld [tilespmem:s9+$0xFFFFFF80]  }
0x29f: {  	[tilespmem:s9+$0xFFFFFF20] =	vst v9;
	v7 =	vmul.f32 v7, v8;
	v9 =	vld [tilespmem:s9+$0xFFFFFF90]  }
0x2a0: {  	[tilespmem:s9+$0xFFFFFF30] =	vst v6;
	v6 =	vmul.f32 v13, v8;
	v13 =	vld [tilespmem:s9+$0xFFFFFFA0]  }
0x2a1: {  	[tilespmem:s9+$0xFFFFFF40] =	vst v7;
	v7 =	vmul.f32 v10, v8;
	v10 =	vld [tilespmem:s9+$0xFFFFFFB0]  }
0x2a2: {  	[tilespmem:s9+$0xFFFFFF50] =	vst v6;
	v6 =	vmul.f32 v11, v8;
	v8 =	vld [tilespmem:s9+$0xFFFFFFC0]  }
0x2a3: {  	[tilespmem:s9+$0xFFFFFF60] =	vst v7;
	v7 =	vmul.f32 v12, v5;
	v11 =	vld [tilespmem:s9+$0xFFFFFFD0]  }
0x2a4: {  	[tilespmem:s9+$0xFFFFFF70] =	vst v6;
	v6 =	vmul.f32 v9, v5;
	v9 =	vld [tilespmem:s9+$0xFFFFFFE0]  }
0x2a5: {  	[tilespmem:s9+$0xFFFFFF80] =	vst v7;
	v7 =	vmul.f32 v13, v5;
	v12 =	vld [tilespmem:s9+$0xFFFFFFF0]  }
0x2a6: {  	[tilespmem:s9+$0xFFFFFF90] =	vst v6;
	v6 =	vmul.f32 v10, v5;
	v10 =	vld [tilespmem:s9+$0x0]  }
0x2a7: {  	[tilespmem:s9+$0xFFFFFFA0] =	vst v7;
	v7 =	vmul.f32 v8, v5;
	v8 =	vld [tilespmem:s9+$0x10]  }
0x2a8: {  	[tilespmem:s9+$0xFFFFFFB0] =	vst v6;
	v6 =	vmul.f32 v11, v5;
	v11 =	vld [tilespmem:s9+$0x20]  }
0x2a9: {  	[tilespmem:s9+$0xFFFFFFC0] =	vst v7;
	v7 =	vmul.f32 v9, v5;
	v9 =	vld [tilespmem:s9+$0x30]  }
0x2aa: {  	[tilespmem:s9+$0xFFFFFFD0] =	vst v6;
	v5 =	vmul.f32 v12, v5;
	v6 =	vld [tilespmem:s9+$0x40]  }
0x2ab: {  	[tilespmem:s9+$0xFFFFFFE0] =	vst v7;
	v7 =	vmul.f32 v10, v4;
	v10 =	vld [tilespmem:s9+$0x50]  }
0x2ac: {  	[tilespmem:s9+$0xFFFFFFF0] =	vst v5;
	v5 =	vmul.f32 v8, v4;
	v8 =	vld [tilespmem:s9+$0x60]  }
0x2ad: {  	[tilespmem:s9+$0x0] =	vst v7;
	v7 =	vmul.f32 v11, v4;
	v11 =	vld [tilespmem:s9+$0x70]  }
0x2ae: {  	[tilespmem:s9+$0x10] =	vst v5;
	v5 =	vmul.f32 v9, v4;
	v9 =	vld [tilespmem:s9+$0x80]  }
0x2af: {  	[tilespmem:s9+$0x20] =	vst v7;
	v6 =	vmul.f32 v6, v4;
	v7 =	vld [tilespmem:s9+$0x90]  }
0x2b0: {  	[tilespmem:s9+$0x30] =	vst v5;
	v5 =	vmul.f32 v10, v4;
	v10 =	vld [tilespmem:s9+$0xA0]  }
0x2b1: {  	[tilespmem:s9+$0x40] =	vst v6;
	v6 =	vmul.f32 v8, v4;
	v8 =	vld [tilespmem:s9+$0xB0]  }
0x2b2: {  	[tilespmem:s9+$0x50] =	vst v5;
	v4 =	vmul.f32 v11, v4;
	v5 =	vld [tilespmem:s9+$0xC0]  }
0x2b3: {  	[tilespmem:s9+$0x60] =	vst v6;
	v6 =	vmul.f32 v9, v3;
	v9 =	vld [tilespmem:s9+$0xD0]  }
0x2b4: {  	[tilespmem:s9+$0x70] =	vst v4;
	v4 =	vmul.f32 v7, v3;
	v7 =	vld [tilespmem:s9+$0xE0]  }
0x2b5: {  	[tilespmem:s9+$0x80] =	vst v6;
	v6 =	vmul.f32 v10, v3;
	v10 =	vld [tilespmem:s9+$0xF0]  }
0x2b6: {  	[tilespmem:s9+$0x90] =	vst v4;
	v4 =	vmul.f32 v8, v3;
	v8 =	vld [tilespmem:s9+$0x100]  }
0x2b7: {  	[tilespmem:s9+$0xA0] =	vst v6;
	v5 =	vmul.f32 v5, v3;
	v6 =	vld [tilespmem:s9+$0x110]  }
0x2b8: {  	[tilespmem:s9+$0xB0] =	vst v4;
	v4 =	vmul.f32 v9, v3;
	v9 =	vld [tilespmem:s9+$0x120]  }
0x2b9: {  	[tilespmem:s9+$0xC0] =	vst v5;
	v5 =	vmul.f32 v7, v3;
	v7 =	vld [tilespmem:s9+$0x130]  }
0x2ba: {  	[tilespmem:s9+$0xD0] =	vst v4;
	v4 =	vmul.f32 v10, v3;
	v10 =	vld [tilespmem:s9+$0x140]  }
0x2bb: {  	s11 =	sadd.s32 $0x7, s10;
	v3 =	vmov s10;
	[tilespmem:s9+$0xE0] =	vst v5;
	v5 =	vmul.f32 v8, v2;
	v8 =	vld [tilespmem:s9+$0x150]  }
0x2bc: {  	s12 =	sadd.s32 $0x1, s10;
	s13 =	sadd.s32 $0x2, s10;
	v11 =	vand.u32 $0xFFFFFFF8, v3;
	v3 =	vmov s11;
	[tilespmem:s9+$0xF0] =	vst v4;
	v4 =	vmul.f32 v6, v2;
	v12 =	vld [tilespmem:s9+$0x160]  }
0x2bd: {  	v14 =	vmov s13;
	v13 =	vmov s12;
	s12 =	sadd.s32 $0x4, s10;
	s11 =	sadd.s32 $0x3, s10;
	[tilespmem:s9+$0x100] =	vst v5;
	v5 =	vmul.f32 v9, v2;
	v9 =	vld [tilespmem:s9+$0x180]  }
0x2be: {  	v16 =	vmov s12;
	v15 =	vmov s11;
	s11 =	sadd.s32 $0x5, s10;
	[tilespmem:s9+$0x110] =	vst v4;
	v7 =	vmul.f32 v7, v2;
	v17 =	vld [tilespmem:s9+$0x190]  }
.Ltmp4:
0x2bf: {  	v4 =	vbroadcast v11, $0x0;
	v11 =	vmov s11;
	[tilespmem:s9+$0x120] =	vst v5;
	v10 =	vmul.f32 v10, v2;
	v6 =	vld [tilespmem:s9+$0x1A0];
	(pc) =	sbr.rel @p0 .LBB2_10-.Ltmp4, $4  }
0x2c0: {  	v5 =	vand.u32 $0xFFFFFFF9, v13;
	v13 =	vand.u32 $0xFFFFFFFA, v14;
	[tilespmem:s9+$0x130] =	vst v7;
	v14 =	vmul.f32 v8, v2;
	v7 =	vld [tilespmem:s9+$0x1B0]  }
0x2c1: {  	v18 =	vand.u32 $0xFFFFFFFB, v15;
	v5 =	vbroadcast v5, $0x0;
	[tilespmem:s9+$0x140] =	vst v10;
	v19 =	vmul.f32 v12, v2;
	v8 =	vld [tilespmem:s9+$0x1C0]  }
0x2c2: {  	v10 =	vbroadcast v13, $0x0;
	v2 =	vand.u32 $0xFFFFFFFC, v16;
	[tilespmem:s9+$0x150] =	vst v14;
	v15 =	vmul.f32 v9, v1;
	v9 =	vld [tilespmem:s9+$0x1D0]  }
0x2c3: {  	s11 =	sadd.s32 $0x6, s10;
	s10 =	sadd.s32 $0x8, s10;
	v12 =	vbroadcast v18, $0x0;
	v14 =	vand.u32 $0xFFFFFFFD, v11;
	[tilespmem:s9+$0x160] =	vst v19;
	v13 =	vmul.f32 v17, v1;
	v11 =	vld [tilespmem:s9+$0x1E0]  }
0x2c4: {  	_ =	sdelay $0x2  }
0x2c5: {  	v16 =	vld [tilespmem:s9+$0x1F0]  }
0x2c6: {  	v18 =	vld.idx.msk [tilespmem:v4+s22+$0x0], $0xffff  }
0x2c7: {  	v23 =	vld.idx.msk [tilespmem:v5+s22+$0x0], $0xffff  }
0x2c8: {  	v22 =	vbroadcast v2, $0x0;
	v2 =	vmov s11;
	v10 =	vld.idx.msk [tilespmem:v10+s22+$0x0], $0xffff  }
0x2c9: {  	v17 =	vand.u32 $0xFFFFFFFE, v2;
	v2 =	vld.idx.msk [tilespmem:v3+s22+$0x0], $0xffff  }
0x2ca: {  	s10 =	sadd.s32 $0x400, s9;
	v12 =	vld.idx.msk [tilespmem:v12+s22+$0x0], $0xffff  }
0x2cb: {  	v24 =	vld [tilespmem:s10+$0x170]  }
0x2cc: {  	v26 =	vld [tilespmem:s10+$0xFFFFFE00]  }
0x2cd: {  	v28 =	vld [tilespmem:s10+$0xFFFFFE10]  }
0x2ce: {  	[tilespmem:s9+$0x180] =	vst v15;
	v6 =	vmul.f32 v6, v1;
	v30 =	vld [tilespmem:s10+$0xFFFFFE20]  }
0x2cf: {  	[tilespmem:s9+$0x190] =	vst v13;
	v7 =	vmul.f32 v7, v1;
	v31 =	vld [tilespmem:s10+$0xFFFFFE30]  }
0x2d0: {  	v32 =	vld [tilespmem:s10+$0xFFFFFE40];
	[tilespmem:s9+$0x1A0] =	vst v6;
	v25 =	vmul.f32 v8, v1  }
0x2d1: {  	v33 =	vld [tilespmem:s10+$0xFFFFFE50];
	[tilespmem:s9+$0x1B0] =	vst v7;
	v27 =	vmul.f32 v9, v1  }
0x2d2: {  	v34 =	vld [tilespmem:s10+$0xFFFFFE60];
	[tilespmem:s9+$0x1C0] =	vst v25;
	v29 =	vmul.f32 v11, v1  }
0x2d3: {  	v35 =	vld [tilespmem:s10+$0xFFFFFE70];
	[tilespmem:s9+$0x1D0] =	vst v27;
	v1 =	vmul.f32 v16, v1  }
0x2d4: {  	v36 =	vld [tilespmem:s10+$0xFFFFFE80];
	[tilespmem:s9+$0x1E0] =	vst v29;
	v9 =	vmul.f32 v28, v18  }
0x2d5: {  	v37 =	vld [tilespmem:s10+$0xFFFFFE90];
	[tilespmem:s9+$0x1F0] =	vst v1;
	v1 =	vmul.f32 v26, v18  }
0x2d6: {  	v39 =	vld [tilespmem:s10+$0xFFFFFEA0];
	v7 =	vmul.f32 v31, v18;
	[tilespmem:s10+$0xFFFFFE10] =	vst v9  }
0x2d7: {  	v40 =	vld [tilespmem:s10+$0xFFFFFEB0];
	[tilespmem:s10+$0xFFFFFE00] =	vst v1;
	v1 =	vmul.f32 v30, v18  }
0x2d8: {  	v42 =	vld [tilespmem:s10+$0xFFFFFEC0];
	v38 =	vmul.f32 v33, v18;
	[tilespmem:s10+$0xFFFFFE30] =	vst v7  }
0x2d9: {  	v43 =	vld [tilespmem:s10+$0xFFFFFED0];
	[tilespmem:s10+$0xFFFFFE20] =	vst v1;
	v1 =	vmul.f32 v32, v18  }
0x2da: {  	v44 =	vld [tilespmem:s10+$0xFFFFFEE0];
	v41 =	vmul.f32 v35, v18;
	[tilespmem:s10+$0xFFFFFE50] =	vst v38  }
0x2db: {  	v45 =	vld [tilespmem:s10+$0xFFFFFEF0];
	[tilespmem:s10+$0xFFFFFE40] =	vst v1;
	v1 =	vmul.f32 v34, v18  }
0x2dc: {  	v47 =	vld [tilespmem:s10+$0xFFFFFF00];
	v6 =	vmul.f32 v37, v23;
	[tilespmem:s10+$0xFFFFFE70] =	vst v41  }
0x2dd: {  	v48 =	vld [tilespmem:s10+$0xFFFFFF10];
	[tilespmem:s10+$0xFFFFFE60] =	vst v1;
	v1 =	vmul.f32 v36, v23  }
0x2de: {  	v50 =	vld [tilespmem:s10+$0xFFFFFF20];
	v46 =	vmul.f32 v40, v23;
	[tilespmem:s10+$0xFFFFFE90] =	vst v6  }
0x2df: {  	v51 =	vld [tilespmem:s10+$0xFFFFFF30];
	[tilespmem:s10+$0xFFFFFE80] =	vst v1;
	v1 =	vmul.f32 v39, v23  }
0x2e0: {  	v53 =	vld [tilespmem:s10+$0xFFFFFF40];
	v49 =	vmul.f32 v43, v23;
	[tilespmem:s10+$0xFFFFFEB0] =	vst v46  }
0x2e1: {  	v54 =	vld [tilespmem:s10+$0xFFFFFF50];
	[tilespmem:s10+$0xFFFFFEA0] =	vst v1;
	v1 =	vmul.f32 v42, v23  }
0x2e2: {  	v56 =	vld [tilespmem:s10+$0xFFFFFF60];
	v52 =	vmul.f32 v45, v23;
	[tilespmem:s10+$0xFFFFFED0] =	vst v49  }
0x2e3: {  	v57 =	vld [tilespmem:s10+$0xFFFFFF70];
	[tilespmem:s10+$0xFFFFFEC0] =	vst v1;
	v1 =	vmul.f32 v44, v23  }
0x2e4: {  	v14 =	vbroadcast v14, $0x0;
	v59 =	vld [tilespmem:s10+$0xFFFFFF80];
	v55 =	vmul.f32 v48, v10;
	[tilespmem:s10+$0xFFFFFEF0] =	vst v52  }
0x2e5: {  	v60 =	vld [tilespmem:s10+$0xFFFFFF90];
	[tilespmem:s10+$0xFFFFFEE0] =	vst v1;
	v1 =	vmul.f32 v47, v10  }
0x2e6: {  	v62 =	vld [tilespmem:s10+$0xFFFFFFA0];
	v58 =	vmul.f32 v51, v10;
	[tilespmem:s10+$0xFFFFFF10] =	vst v55  }
0x2e7: {  	v63 =	vld [tilespmem:s10+$0xFFFFFFB0];
	v3 =	vbroadcast v17, $0x0;
	[tilespmem:s10+$0xFFFFFF00] =	vst v1;
	v1 =	vmul.f32 v50, v10  }
0x2e8: {  	v15 =	vld [tilespmem:s10+$0xFFFFFFC0];
	v61 =	vmul.f32 v54, v10;
	[tilespmem:s10+$0xFFFFFF30] =	vst v58  }
0x2e9: {  	v19 =	vld [tilespmem:s10+$0xFFFFFFF0];
	[tilespmem:s10+$0xFFFFFF20] =	vst v1;
	v1 =	vmul.f32 v53, v10  }
0x2ea: {  	v4 =	vld.idx.msk [tilespmem:v14+s22+$0x0], $0xffff;
	v14 =	vmul.f32 v57, v10;
	[tilespmem:s10+$0xFFFFFF50] =	vst v61  }
0x2eb: {  	v5 =	vld.idx.msk [tilespmem:v22+s22+$0x0], $0xffff;
	[tilespmem:s10+$0xFFFFFF40] =	vst v1;
	v1 =	vmul.f32 v56, v10  }
0x2ec: {  	v17 =	vmul.f32 v60, v12;
	v22 =	vld [tilespmem:s10+$0x10];
	[tilespmem:s10+$0xFFFFFF70] =	vst v14  }
0x2ed: {  	v3 =	vld.idx.msk [tilespmem:v3+s22+$0x0], $0xffff;
	[tilespmem:s10+$0xFFFFFF60] =	vst v1;
	v1 =	vmul.f32 v59, v12  }
0x2ee: {  	v20 =	vmul.f32 v63, v12;
	[tilespmem:s10+$0xFFFFFF90] =	vst v17;
	v18 =	vld [tilespmem:s10+$0xFFFFFFE0]  }
0x2ef: {  	v25 =	vld [tilespmem:s10+$0x30];
	[tilespmem:s10+$0xFFFFFF80] =	vst v1;
	v1 =	vmul.f32 v62, v12  }
0x2f0: {  	v21 =	vld [tilespmem:s10+$0x0];
	v26 =	vmul.f32 v19, v12;
	[tilespmem:s10+$0xFFFFFFB0] =	vst v20  }
0x2f1: {  	v28 =	vld [tilespmem:s10+$0x50];
	[tilespmem:s10+$0xFFFFFFA0] =	vst v1;
	v1 =	vmul.f32 v15, v12  }
0x2f2: {  	[tilespmem:s10+$0xFFFFFFF0] =	vst v26;
	v29 =	vmul.f32 v22, v5;
	v13 =	vmul.f32 v24, v3;
	v24 =	vld [tilespmem:s10+$0x20]  }
0x2f3: {  	v37 =	vld [tilespmem:s10+$0xB0];
	[tilespmem:s10+$0xFFFFFFC0] =	vst v1;
	v1 =	vmul.f32 v18, v12  }
0x2f4: {  	v27 =	vld [tilespmem:s10+$0x40];
	v32 =	vmul.f32 v25, v5;
	[tilespmem:s10+$0x10] =	vst v29  }
0x2f5: {  	[tilespmem:s10+$0xFFFFFFE0] =	vst v1;
	v1 =	vmul.f32 v21, v5  }
0x2f6: {  	v30 =	vld [tilespmem:s10+$0x60];
	v35 =	vmul.f32 v28, v5;
	[tilespmem:s10+$0x30] =	vst v32  }
0x2f7: {  	v45 =	vld [tilespmem:s10+$0x110];
	[tilespmem:s10+$0x0] =	vst v1;
	v1 =	vmul.f32 v24, v5  }
0x2f8: {  	v33 =	vld [tilespmem:s10+$0x80];
	v43 =	vmul.f32 v37, v4;
	[tilespmem:s10+$0x50] =	vst v35  }
0x2f9: {  	v48 =	vld [tilespmem:s10+$0x130];
	[tilespmem:s10+$0x20] =	vst v1;
	v1 =	vmul.f32 v27, v5  }
0x2fa: {  	[tilespmem:s10+$0xB0] =	vst v43;
	v36 =	vld [tilespmem:s10+$0xA0]  }
0x2fb: {  	v34 =	vld [tilespmem:s10+$0x90];
	[tilespmem:s10+$0x40] =	vst v1;
	v1 =	vmul.f32 v30, v5  }
0x2fc: {  	v38 =	vld [tilespmem:s10+$0xC0];
	v51 =	vmul.f32 v45, v3;
	[tilespmem:s10+$0x170] =	vst v13  }
0x2fd: {  	v16 =	vld [tilespmem:s10+$0xFFFFFFD0];
	[tilespmem:s10+$0x60] =	vst v1;
	v1 =	vmul.f32 v33, v4  }
0x2fe: {  	v41 =	vld [tilespmem:s10+$0xE0];
	v54 =	vmul.f32 v48, v3;
	[tilespmem:s10+$0x110] =	vst v51  }
0x2ff: {  	v39 =	vld [tilespmem:s10+$0xD0];
	[tilespmem:s10+$0x80] =	vst v1;
	v1 =	vmul.f32 v36, v4  }
0x300: {  	[tilespmem:s10+$0x130] =	vst v54;
	v40 =	vmul.f32 v34, v4;
	v44 =	vld [tilespmem:s10+$0x100]  }
0x301: {  	v50 =	vld [tilespmem:s10+$0x150];
	[tilespmem:s10+$0xA0] =	vst v1;
	v1 =	vmul.f32 v38, v4  }
0x302: {  	[tilespmem:s10+$0x90] =	vst v40;
	v23 =	vmul.f32 v16, v12;
	v47 =	vld [tilespmem:s10+$0x120]  }
0x303: {  	v53 =	vld [tilespmem:s10+$0x180];
	[tilespmem:s10+$0xC0] =	vst v1;
	v1 =	vmul.f32 v41, v4  }
0x304: {  	v49 =	vld [tilespmem:s10+$0x140];
	v46 =	vmul.f32 v39, v4;
	[tilespmem:s10+$0xFFFFFFD0] =	vst v23  }
0x305: {  	v56 =	vld [tilespmem:s10+$0x1A0];
	[tilespmem:s10+$0xE0] =	vst v1;
	v1 =	vmul.f32 v44, v3  }
0x306: {  	v52 =	vld [tilespmem:s10+$0x160];
	[tilespmem:s10+$0xD0] =	vst v46;
	v57 =	vmul.f32 v50, v3  }
0x307: {  	v31 =	vld [tilespmem:s10+$0x70];
	[tilespmem:s10+$0x100] =	vst v1;
	v1 =	vmul.f32 v47, v3  }
0x308: {  	v55 =	vld [tilespmem:s10+$0x190];
	[tilespmem:s10+$0x150] =	vst v57;
	v59 =	vmul.f32 v53, v2  }
0x309: {  	v42 =	vld [tilespmem:s10+$0xF0];
	[tilespmem:s10+$0x120] =	vst v1;
	v1 =	vmul.f32 v49, v3  }
0x30a: {  	v58 =	vld [tilespmem:s10+$0x1B0];
	[tilespmem:s10+$0x180] =	vst v59;
	v62 =	vmul.f32 v56, v2  }
0x30b: {  	[tilespmem:s10+$0x140] =	vst v1;
	v1 =	vmul.f32 v52, v3;
	v3 =	vld [tilespmem:s10+$0x1C0]  }
0x30c: {  	v60 =	vld [tilespmem:s10+$0x1D0];
	[tilespmem:s10+$0x1A0] =	vst v62;
	v5 =	vmul.f32 v31, v5  }
0x30d: {  	v61 =	vld [tilespmem:s10+$0x1E0];
	[tilespmem:s10+$0x160] =	vst v1;
	v1 =	vmul.f32 v55, v2  }
0x30e: {  	v63 =	vld [tilespmem:s10+$0x1F0];
	[tilespmem:s10+$0x70] =	vst v5;
	v4 =	vmul.f32 v42, v4  }
0x30f: {  	[tilespmem:s10+$0x190] =	vst v1;
	v1 =	vmul.f32 v58, v2  }
0x310: {  	[tilespmem:s10+$0xF0] =	vst v4;
	v3 =	vmul.f32 v3, v2  }
0x311: {  	[tilespmem:s10+$0x1B0] =	vst v1;
	v1 =	vmul.f32 v60, v2  }
0x312: {  	[tilespmem:s10+$0x1C0] =	vst v3;
	v3 =	vmul.f32 v61, v2  }
0x313: {  	[tilespmem:s10+$0x1D0] =	vst v1;
	v1 =	vmul.f32 v63, v2  }
0x314: {  	[tilespmem:s10+$0x1E0] =	vst v3  }
0x315: {  	[tilespmem:s10+$0x1F0] =	vst v1  }
0x316: {  	[spmem:s1] =	stream.indirect.scatter.add.f32 [tilespmem:s18], [sflag:$0x2], $0x80, s21, s23, $0xb8;
	[tilespmem:$0x1DE80] =	vst v63  }
0x317: {  	_ =	swait.ge [sflag:s0], $0x5000  }
0x318: {  	s13 =	stileid.u32;
	[sflag:s0] =	ssyncset.done $0x0  }
0x319: {  	s9 =	sshll.u32 s13, $0x6;
	[sflag:s0] =	ssyncadd.s32 $0xFFFFB000  }
0x31a: {  	s14 =	sshrl.u32 s8, $0x3;
	s9 =	sor.u32 $0x1C05, s9;
	[bflag:$0x0] =	sbarrier.arrive $0xFFFF  }
0x31b: {  	[hbm:s24], [sflag:s9] =	dma.local [spmem:s14], $0x2800  }
0x31c: {  	_ =	swait.ge [sflag:s19], $0x2800  }
0x31d: {  	s3 =	sadd.s32 $0x1, s3;
	s17 =	rddreg [dreg:$0x9]  }
0x31e: {  	p0 =	sne.s32 s3, s17  }
.Ltmp5:
0x31f: {  	_ = 	snop;
	(pc) =	sbr.rel @p0 .LBB2_1-.Ltmp5, $3  }
0x320: {  	_ =	sdelay $0x1  }
0x321: {  	[sflag:s19] =	ssyncset.done $0x0  }
0x322: {  	[sflag:s19] =	ssyncadd.s32 $0xFFFFD800  }
0x323: {  	_ =	sfence.sel $0x180000  }
0x324: {  	[bflag:$0x0] =	sbarrier.arrive $0xFFFF  }
0x325: {  	_ =	strace $0x9000004A  }
0x326: {  	s0 =	stileid.u32;
	[bflag:$0x2] =	sbarrier.arrive $0xFFFF  }
0x327: {  	p0 =	sne.s32 s0, $0x0;
	s0 =	rddreg [dreg:$0x2]  }
0x328: {  	s0 =	sadd.s32 @!p0 $0x100000, s0  }
0x329: {  	[sflag:s0] =	ssyncadd.tile.s32 @!p0 $0x1;
	_ =	shalt  }
.Lfunc_end2:
_tile_overlayer_lowered:
.L_overlay_start_2:
0x32a: {  	(tag) =	ssettag $0x2  }
0x32b: {  	s0 =	rddreg [dreg:$0x0];
	s2 =	stileid.u32  }
0x32c: {  	s1 =	rddreg [dreg:$0x1];
	p0 =	sne.s32 s2, $0x0  }
0x32d: {  	s3 =	rddreg [dreg:$0x2];
	[bflag:$0x3] =	sbarrier.arrive $0xFFFF;
	s2 =	simm.s32 @!p0 $0x1C05  }
0x32e: {  	[timem:s3], [sflag:s2] =	dma.local @!p0 [hbm:s0], s1  }
0x32f: {  	s0 =	simm.s32 @!p0 $0x5  }
0x330: {  	_ =	swait.ge @!p0 [sflag:s0], s1  }
0x331: {  	s1 =	ssub.s32 @!p0 $0x0, s1;
	[sflag:s0] =	ssyncset.done @!p0 $0x0  }
0x332: {  	[sflag:s0] =	ssyncadd.s32 @!p0 s1  }
0x333: {  	[bflag:$0x3] =	sbarrier.arrive $0xFFFF  }
0x334: {  	_ =	shalt  }

</sc_bundles>
